<compile_context>
chip_gen: v7x
topology: tpu7x:2x2x1
jax: 0.10.2.dev20260603
libtpu: 0.0.44.dev20260713+nightly
codegen_flags: <defaults>
</compile_context>

<pallas_src>
import functools

import jax
import jax.numpy as jnp
from jax import lax
from jax.experimental import pallas as pl
from jax.experimental.pallas import tpu as pltpu
from jax.experimental.pallas import tpu_sc as plsc

_SIGMA = 1.0
_TEMP = 0.01
_G = 24


def _gather_rows(avgs, std_devs, img_ids):
    _, _, P = avgs.shape
    B = img_ids.shape[0]
    L = 128
    avgs_t = jnp.transpose(avgs, (1, 2, 0))
    std_t = jnp.transpose(std_devs, (1, 2, 0))

    def body(ids_ref, a_ref, s_ref, o_ref):
        b = pl.program_id(0)
        lane = ids_ref[b] % L
        lanes = jax.lax.broadcasted_iota(jnp.int32, (2, P, L), 2)
        hit = lanes == lane
        o_ref[0, 0] = jnp.sum(jnp.where(hit, a_ref[...], 0.0), axis=2)
        o_ref[0, 1] = jnp.sum(jnp.where(hit, s_ref[...], 0.0), axis=2)

    grid_spec = pltpu.PrefetchScalarGridSpec(
        num_scalar_prefetch=1,
        grid=(B,),
        in_specs=[
            pl.BlockSpec((2, P, L), lambda b, ids: (0, 0, ids[b] // L)),
            pl.BlockSpec((2, P, L), lambda b, ids: (0, 0, ids[b] // L)),
        ],
        out_specs=pl.BlockSpec((1, 2, 2, P), lambda b, ids: (b, 0, 0, 0)),
    )
    return pl.pallas_call(
        body,
        grid_spec=grid_spec,
        out_shape=jax.ShapeDtypeStruct((B, 2, 2, P), jnp.float32),
    )(img_ids, avgs_t, std_t)


def _sample_sc(asr, norm):
    B, _, _, P = asr.shape
    NG = P // 16
    P2 = 2 * P
    mesh = plsc.VectorSubcoreMesh(core_axis_name="c", subcore_axis_name="s",
                                  num_cores=2)

    @functools.partial(
        pl.kernel,
        mesh=mesh,
        out_type=jax.ShapeDtypeStruct((B, P, 8), jnp.float32),
        compiler_params=pltpu.CompilerParams(needs_layout_passes=False),
        scratch_types=[
            pltpu.VMEM((2, 2, P), jnp.float32),
            pltpu.VMEM((P2,), jnp.float32),
            pltpu.VMEM((P2,), jnp.float32),
            pltpu.VMEM((P, 8), jnp.float32),
            pltpu.SemaphoreType.DMA,
        ],
    )
    def samp_kernel(asr_hbm, norm_hbm, gw_hbm,
                    as_v, nrm_v, samp_v, out_v, sem):
        w = lax.axis_index("s") * 2 + lax.axis_index("c")
        pltpu.sync_copy(asr_hbm.at[w], as_v)
        pltpu.sync_copy(norm_hbm.at[w], nrm_v)
        for r in range(2):
            for j in range(P // 16):
                sl = pl.ds(j * 16, 16)
                t = ((nrm_v[pl.ds(r * P + j * 16, 16)] + as_v[0, r, sl])
                     * as_v[1, r, sl])
                e = jnp.exp(t + t)
                samp_v[pl.ds(r * P + j * 16, 16)] = 1.0 - 2.0 / (e + 1.0)

        lane = lax.iota(jnp.int32, 16)

        def group(i, carry):
            ex = (i * 16 + lane) * 2
            gx = plsc.load_gather(samp_v, [ex])
            gy = plsc.load_gather(samp_v, [ex + 1])
            px = (gx + 1.0) * (_G / 2.0) - 0.5
            py = (gy + 1.0) * (_G / 2.0) - 0.5
            x0 = jnp.where(px < 0.0, -1.0, px.astype(jnp.int32).astype(jnp.float32))
            y0 = jnp.where(py < 0.0, -1.0, py.astype(jnp.int32).astype(jnp.float32))
            fx = px - x0
            fy = py - y0
            rows = i * 16 + lane
            c = 0
            for dy in (0, 1):
                for dx in (0, 1):
                    xi = x0 + dx
                    yi = y0 + dy
                    valid = ((xi >= 0.0) & (xi <= _G - 1.0)
                             & (yi >= 0.0) & (yi <= _G - 1.0))
                    gidx = (jnp.clip(yi, 0.0, _G - 1.0) * _G
                            + jnp.clip(xi, 0.0, _G - 1.0))
                    wx = fx if dx else 1.0 - fx
                    wy = fy if dy else 1.0 - fy
                    wgt = jnp.where(valid, wx * wy, 0.0)
                    colc = jnp.zeros((16,), jnp.int32) + c
                    plsc.store_scatter(out_v, [rows, colc], gidx)
                    plsc.store_scatter(out_v, [rows, colc + 4], wgt)
                    c += 1
            return carry

        lax.fori_loop(0, NG, group, 0)
        pltpu.sync_copy(out_v, gw_hbm.at[w])

    return samp_kernel(asr, norm)


def _main_tc(x, Wc, bc, gw):
    B, P, D = x.shape

    BB = 2

    def body(x_ref, w_ref, b_ref, gw_ref, o_ref):
        cols = jax.lax.broadcasted_iota(jnp.int32, (P, P), 1)
        for bb in range(BB):
            xb = x_ref[bb]
            qkv = jnp.dot(xb, w_ref[...], preferred_element_type=jnp.float32)
            qkv = qkv + b_ref[...]
            q = qkv[:, :D]
            k = qkv[:, D:2 * D]
            v = qkv[:, 2 * D:]
            g = gw_ref[bb]
            M = jnp.zeros((P, P), jnp.float32)
            for c in range(4):
                idx = g[:, c:c + 1].astype(jnp.int32)
                w = g[:, 4 + c:5 + c]
                M = M + jnp.where(cols == idx, w, 0.0)
            sk = jnp.dot(M, k, preferred_element_type=jnp.float32)
            sv = jnp.dot(M, v, preferred_element_type=jnp.float32)
            scores = jnp.sum(sk * q, axis=1, keepdims=True)
            o_ref[bb] = sv / (1.0 + jnp.exp(-_TEMP * scores))

    return pl.pallas_call(
        body,
        grid=(B // BB,),
        in_specs=[
            pl.BlockSpec((BB, P, D), lambda b: (b, 0, 0)),
            pl.BlockSpec((D, 3 * D), lambda b: (0, 0)),
            pl.BlockSpec((1, 3 * D), lambda b: (0, 0)),
            pl.BlockSpec((BB, P, 8), lambda b: (b, 0, 0)),
        ],
        out_specs=pl.BlockSpec((BB, P, D), lambda b: (b, 0, 0)),
        out_shape=jax.ShapeDtypeStruct((B, P, D), jnp.float32),
    )(x, Wc, bc, gw)


@functools.lru_cache(maxsize=None)
def _norm_const(B, P):
    nk = jax.random.key(1234)
    k1, k2 = jax.random.split(nk)
    return jnp.concatenate(
        [_SIGMA * jax.random.normal(k1, (B, 1, P), dtype=jnp.float32),
         _SIGMA * jax.random.normal(k2, (B, 1, P), dtype=jnp.float32)],
        axis=1).reshape(B, 2 * P)


def kernel(x, mask, W_q, b_q, W_k, b_k, W_v, b_v, avgs, std_devs, img_ids):
    B, P, D = x.shape
    Wc = jnp.concatenate([W_q.T, W_k.T, W_v.T], axis=1)
    bc = jnp.concatenate([b_q, b_k, b_v])[None, :]
    norm = _norm_const(B, P)
    asr = _gather_rows(avgs, std_devs, img_ids)
    gw = _sample_sc(asr, norm)
    return _main_tc(x, Wc, bc, gw)

# --- scband reference (transcript-rebuilt; emitter-appended) ---
"""Pipeline reference for scband-gaussian-self-attention-3676492005885 (READ-ONLY COPY).

The authoritative reference and input builder live on the scoring server;
editing this copy changes nothing except your own understanding.
"""

import jax, jax.numpy as jnp
import numpy as np

B = 32
DIM = 384
P = 576
G = 24
NO_IMGS = 10000
SIGMA = 1.0
TEMP = 0.01


def grid_sample_bilinear(img, grid):
    # img: (B, C, H, W); grid: (B, Hg, Wg, 2) with (x, y) in [-1, 1]
    # Matches torch.nn.functional.grid_sample(mode='bilinear', padding_mode='zeros', align_corners=False)
    Bn, C, H, W = img.shape
    gx = grid[..., 0]
    gy = grid[..., 1]
    ix = ((gx + 1.0) * W - 1.0) / 2.0
    iy = ((gy + 1.0) * H - 1.0) / 2.0
    ix0 = jnp.floor(ix)
    iy0 = jnp.floor(iy)
    ix1 = ix0 + 1.0
    iy1 = iy0 + 1.0
    wx1 = ix - ix0
    wx0 = 1.0 - wx1
    wy1 = iy - iy0
    wy0 = 1.0 - wy1

    def gather(yi, xi):
        valid = ((xi >= 0) & (xi <= W - 1) & (yi >= 0) & (yi <= H - 1)).astype(img.dtype)
        xc = jnp.clip(xi, 0, W - 1).astype(jnp.int32)
        yc = jnp.clip(yi, 0, H - 1).astype(jnp.int32)
        bidx = jnp.arange(Bn)[:, None, None]
        vals = img[bidx, :, yc, xc]  # (B, Hg, Wg, C)
        return vals * valid[..., None]

    v00 = gather(iy0, ix0)
    v01 = gather(iy0, ix1)
    v10 = gather(iy1, ix0)
    v11 = gather(iy1, ix1)
    out = (v00 * (wy0 * wx0)[..., None]
           + v01 * (wy0 * wx1)[..., None]
           + v10 * (wy1 * wx0)[..., None]
           + v11 * (wy1 * wx1)[..., None])
    return jnp.transpose(out, (0, 3, 1, 2))  # (B, C, Hg, Wg)


def setup_inputs(seed: int = 0) -> dict:
    key = jax.random.key(seed)
    ks = jax.random.split(key, 10)
    x = jax.random.normal(ks[0], (B, P, DIM), dtype=jnp.float32)
    img_ids = jax.random.randint(ks[1], (B,), 0, NO_IMGS).astype(jnp.int32)
    mask = jnp.ones((B, P), dtype=jnp.float32)
    lim = 1.0 / np.sqrt(DIM)
    W_q = jax.random.uniform(ks[2], (DIM, DIM), minval=-lim, maxval=lim, dtype=jnp.float32)
    b_q = jax.random.uniform(ks[3], (DIM,), minval=-lim, maxval=lim, dtype=jnp.float32)
    W_k = jax.random.uniform(ks[4], (DIM, DIM), minval=-lim, maxval=lim, dtype=jnp.float32)
    b_k = jax.random.uniform(ks[5], (DIM,), minval=-lim, maxval=lim, dtype=jnp.float32)
    W_v = jax.random.uniform(ks[6], (DIM, DIM), minval=-lim, maxval=lim, dtype=jnp.float32)
    b_v = jax.random.uniform(ks[7], (DIM,), minval=-lim, maxval=lim, dtype=jnp.float32)
    avgs = jnp.zeros((NO_IMGS, 2, P), dtype=jnp.float32)
    std_devs = jnp.ones((NO_IMGS, 2, P), dtype=jnp.float32)
    return {"x": x, "mask": mask, "W_q": W_q, "b_q": b_q, "W_k": W_k, "b_k": b_k,
            "W_v": W_v, "b_v": b_v, "avgs": avgs, "std_devs": std_devs, "img_ids": img_ids}


def reference(x, mask, W_q, b_q, W_k, b_k, W_v, b_v, avgs, std_devs, img_ids):
    Bn, S, D = x.shape
    q = x @ W_q.T + b_q
    k = x @ W_k.T + b_k
    v = x @ W_v.T + b_v
    a = avgs[img_ids]        # (B, 2, P)
    s = std_devs[img_ids]    # (B, 2, P)
    nk = jax.random.key(1234)
    k1, k2 = jax.random.split(nk)
    norm_x = SIGMA * jax.random.normal(k1, (Bn, 1, P), dtype=jnp.float32)
    norm_y = SIGMA * jax.random.normal(k2, (Bn, 1, P), dtype=jnp.float32)
    sample_x = jnp.tanh((norm_x + a[:, 0:1, :]) * s[:, 0:1, :])
    sample_y = jnp.tanh((norm_y + a[:, 1:2, :]) * s[:, 1:2, :])
    grid = jnp.reshape(jnp.concatenate((sample_x, sample_y), axis=1), (Bn, G, G, 2))
    k_in = jnp.reshape(jnp.transpose(k, (0, 2, 1)), (Bn, D, G, G))
    v_in = jnp.reshape(jnp.transpose(v, (0, 2, 1)), (Bn, D, G, G))
    sk = grid_sample_bilinear(k_in, grid)
    sv = grid_sample_bilinear(v_in, grid)
    sk = jnp.transpose(jnp.reshape(sk, (Bn, D, G * G)), (0, 2, 1))
    sv = jnp.transpose(jnp.reshape(sv, (Bn, D, G * G)), (0, 2, 1))
    scores = jnp.sum(sk * q, axis=-1)  # (B, P)
    att = jax.nn.sigmoid(TEMP * scores)[:, :, None] * sv  # (B, P, D)
    return att

if __name__ == "__main__":
    import jax
    _d = setup_inputs()
    print(jax.jit(kernel)(*tuple(_d.values())))

</pallas_src>

<mosaic_0001>
#map = affine_map<(d0, d1) -> (0, 0, 0, 0)>
#map1 = affine_map<(d0, d1) -> (0, 0)>
#map2 = affine_map<(d0, d1) -> (0, 0, 0)>
module attributes {stable_mosaic.version = 14 : i64} {
  func.func @samp_kernel(%arg0: i32, %arg1: i32, %arg2: memref<32x2x2x576xf32, #tpu.memory_space<hbm>>, %arg3: memref<32x1152xf32, #tpu.memory_space<hbm>>, %arg4: memref<32x576x8xf32, #tpu.memory_space<hbm>>, %arg5: memref<2x2x576xf32, #tpu.memory_space<vmem>>, %arg6: memref<1152xf32, #tpu.memory_space<vmem>>, %arg7: memref<1152xf32, #tpu.memory_space<vmem>>, %arg8: memref<576x8xf32, #tpu.memory_space<vmem>>, %arg9: memref<!tpu.dma_semaphore, #tpu.memory_space<semaphore_mem>>) attributes {dimension_semantics = [#tpu.dimension_semantics<core_parallel>, #tpu.dimension_semantics<subcore_parallel>], iteration_bounds = array<i64: 2, 16>, scalar_prefetch = 0 : i64, scratch_operands = 5 : i64, tpu.core_type = #tpu.core_type<sc_vector_subcore>, window_params = [{transform_indices = #map}, {transform_indices = #map1}, {transform_indices = #map2}]} {
    %mul3A = arith.constant 2 : i32
    %mul3A_0 = arith.muli %arg1, %mul3A : i32
    %add3A = arith.addi %mul3A_0, %arg0 : i32
    "tpu.region"() ({
      %run_scoped3A = tpu.sem_alloc : memref<!tpu.dma_semaphore, #tpu.memory_space<semaphore_mem>>
      %dma_start3A = arith.constant 0 : i32
      %dma_start3A_2089 = arith.constant 0 : i32
      %dma_start3A_2090 = arith.constant 0 : i32
      %dma_start3A_2091 = tpu.memref_slice %arg2[%add3A, %dma_start3A, %dma_start3A_2089, %dma_start3A_2090] : memref<32x2x2x576xf32, #tpu.memory_space<hbm>> -> memref<1x2x2x576xf32, #tpu.memory_space<hbm>>
      %dma_start3A_2092 = tpu.memref_squeeze %dma_start3A_2091 : memref<1x2x2x576xf32, #tpu.memory_space<hbm>> -> memref<2x2x576xf32, #tpu.memory_space<hbm>>
      %dma_start3A_2093 = arith.constant 0 : i32
      %dma_start3A_2094 = arith.constant 0 : i32
      %dma_start3A_2095 = arith.constant 0 : i32
      %dma_start3A_2096 = tpu.memref_slice %arg2[%add3A, %dma_start3A_2093, %dma_start3A_2094, %dma_start3A_2095] : memref<32x2x2x576xf32, #tpu.memory_space<hbm>> -> memref<1x2x2x576xf32, #tpu.memory_space<hbm>>
      %dma_start3A_2097 = tpu.memref_squeeze %dma_start3A_2096 : memref<1x2x2x576xf32, #tpu.memory_space<hbm>> -> memref<2x2x576xf32, #tpu.memory_space<hbm>>
      tpu.enqueue_dma source(%dma_start3A_2097 : memref<2x2x576xf32, #tpu.memory_space<hbm>>) target(%arg5 : memref<2x2x576xf32, #tpu.memory_space<vmem>>) target_semaphore(%run_scoped3A : memref<!tpu.dma_semaphore, #tpu.memory_space<semaphore_mem>>)
      %dma_wait3A = arith.constant 0 : i32
      %dma_wait3A_2098 = arith.constant 0 : i32
      %dma_wait3A_2099 = arith.constant 0 : i32
      %dma_wait3A_2100 = tpu.memref_slice %arg2[%add3A, %dma_wait3A, %dma_wait3A_2098, %dma_wait3A_2099] : memref<32x2x2x576xf32, #tpu.memory_space<hbm>> -> memref<1x2x2x576xf32, #tpu.memory_space<hbm>>
      %dma_wait3A_2101 = tpu.memref_squeeze %dma_wait3A_2100 : memref<1x2x2x576xf32, #tpu.memory_space<hbm>> -> memref<2x2x576xf32, #tpu.memory_space<hbm>>
      %dma_wait3A_2102 = arith.constant 0 : i32
      %dma_wait3A_2103 = arith.constant 0 : i32
      %dma_wait3A_2104 = arith.constant 0 : i32
      %dma_wait3A_2105 = tpu.memref_slice %arg2[%add3A, %dma_wait3A_2102, %dma_wait3A_2103, %dma_wait3A_2104] : memref<32x2x2x576xf32, #tpu.memory_space<hbm>> -> memref<1x2x2x576xf32, #tpu.memory_space<hbm>>
      %dma_wait3A_2106 = tpu.memref_squeeze %dma_wait3A_2105 : memref<1x2x2x576xf32, #tpu.memory_space<hbm>> -> memref<2x2x576xf32, #tpu.memory_space<hbm>>
      tpu.wait_dma2 semaphore(%run_scoped3A : memref<!tpu.dma_semaphore, #tpu.memory_space<semaphore_mem>>) src(%dma_wait3A_2106 : memref<2x2x576xf32, #tpu.memory_space<hbm>>) dst(%arg5 : memref<2x2x576xf32, #tpu.memory_space<vmem>>)
      tpu.yield
    }) : () -> ()
    "tpu.region"() ({
      %run_scoped3A = tpu.sem_alloc : memref<!tpu.dma_semaphore, #tpu.memory_space<semaphore_mem>>
      %dma_start3A = arith.constant 0 : i32
      %dma_start3A_2089 = tpu.memref_slice %arg3[%add3A, %dma_start3A] : memref<32x1152xf32, #tpu.memory_space<hbm>> -> memref<1x1152xf32, #tpu.memory_space<hbm>>
      %dma_start3A_2090 = tpu.memref_squeeze %dma_start3A_2089 : memref<1x1152xf32, #tpu.memory_space<hbm>> -> memref<1152xf32, #tpu.memory_space<hbm>>
      %dma_start3A_2091 = arith.constant 0 : i32
      %dma_start3A_2092 = tpu.memref_slice %arg3[%add3A, %dma_start3A_2091] : memref<32x1152xf32, #tpu.memory_space<hbm>> -> memref<1x1152xf32, #tpu.memory_space<hbm>>
      %dma_start3A_2093 = tpu.memref_squeeze %dma_start3A_2092 : memref<1x1152xf32, #tpu.memory_space<hbm>> -> memref<1152xf32, #tpu.memory_space<hbm>>
      tpu.enqueue_dma source(%dma_start3A_2093 : memref<1152xf32, #tpu.memory_space<hbm>>) target(%arg6 : memref<1152xf32, #tpu.memory_space<vmem>>) target_semaphore(%run_scoped3A : memref<!tpu.dma_semaphore, #tpu.memory_space<semaphore_mem>>)
      %dma_wait3A = arith.constant 0 : i32
      %dma_wait3A_2094 = tpu.memref_slice %arg3[%add3A, %dma_wait3A] : memref<32x1152xf32, #tpu.memory_space<hbm>> -> memref<1x1152xf32, #tpu.memory_space<hbm>>
      %dma_wait3A_2095 = tpu.memref_squeeze %dma_wait3A_2094 : memref<1x1152xf32, #tpu.memory_space<hbm>> -> memref<1152xf32, #tpu.memory_space<hbm>>
      %dma_wait3A_2096 = arith.constant 0 : i32
      %dma_wait3A_2097 = tpu.memref_slice %arg3[%add3A, %dma_wait3A_2096] : memref<32x1152xf32, #tpu.memory_space<hbm>> -> memref<1x1152xf32, #tpu.memory_space<hbm>>
      %dma_wait3A_2098 = tpu.memref_squeeze %dma_wait3A_2097 : memref<1x1152xf32, #tpu.memory_space<hbm>> -> memref<1152xf32, #tpu.memory_space<hbm>>
      tpu.wait_dma2 semaphore(%run_scoped3A : memref<!tpu.dma_semaphore, #tpu.memory_space<semaphore_mem>>) src(%dma_wait3A_2098 : memref<1152xf32, #tpu.memory_space<hbm>>) dst(%arg6 : memref<1152xf32, #tpu.memory_space<vmem>>)
      tpu.yield
    }) : () -> ()
    %get3A = arith.constant 0 : index
    %get3A_1 = tpu.vector_load %arg6[%get3A] {strides = array<i32>} : memref<1152xf32, #tpu.memory_space<vmem>>, vector<16xf32>,
    %get3A_2 = arith.constant 0 : i32
    %get3A_3 = arith.constant 0 : i32
    %get3A_4 = arith.index_cast %get3A_2 : i32 to index
    %get3A_5 = arith.index_cast %get3A_3 : i32 to index
    %get3A_6 = arith.constant 0 : index
    %get3A_7 = tpu.vector_load %arg5[%get3A_4, %get3A_5, %get3A_6] {strides = array<i32>} : memref<2x2x576xf32, #tpu.memory_space<vmem>>, vector<16xf32>,
    %add3A_8 = arith.addf %get3A_1, %get3A_7 : vector<16xf32>
    %get3A_9 = arith.constant 1 : i32
    %get3A_10 = arith.constant 0 : i32
    %get3A_11 = arith.index_cast %get3A_9 : i32 to index
    %get3A_12 = arith.index_cast %get3A_10 : i32 to index
    %get3A_13 = arith.constant 0 : index
    %get3A_14 = tpu.vector_load %arg5[%get3A_11, %get3A_12, %get3A_13] {strides = array<i32>} : memref<2x2x576xf32, #tpu.memory_space<vmem>>, vector<16xf32>,
    %mul3A_15 = arith.mulf %add3A_8, %get3A_14 : vector<16xf32>
    %add3A_16 = arith.addf %mul3A_15, %mul3A_15 : vector<16xf32>
    %exp3A = math.exp %add3A_16 : vector<16xf32>
    %add3A_17 = arith.constant 1.000000e+00 : f32
    %add3A_18 = vector.broadcast %add3A_17 : f32 to vector<16xf32>
    %add3A_19 = arith.addf %exp3A, %add3A_18 : vector<16xf32>
    %div3A = arith.constant 2.000000e+00 : f32
    %div3A_20 = vector.broadcast %div3A : f32 to vector<16xf32>
    %div3A_21 = arith.divf %div3A_20, %add3A_19 : vector<16xf32>
    %sub3A = arith.constant 1.000000e+00 : f32
    %sub3A_22 = vector.broadcast %sub3A : f32 to vector<16xf32>
    %sub3A_23 = arith.subf %sub3A_22, %div3A_21 : vector<16xf32>
    %swap3A = arith.constant 0 : index
    %swap3A_24 = tpu.vector_load %arg7[%swap3A] {strides = array<i32>} : memref<1152xf32, #tpu.memory_space<vmem>>, vector<16xf32>,
    tpu.vector_store %arg7[%swap3A], %sub3A_23 {strides = array<i32>} : memref<1152xf32, #tpu.memory_space<vmem>>, vector<16xf32>,
    %get3A_25 = arith.constant 16 : index
    %get3A_26 = tpu.vector_load %arg6[%get3A_25] {strides = array<i32>} : memref<1152xf32, #tpu.memory_space<vmem>>, vector<16xf32>,
    %get3A_27 = arith.constant 0 : i32
    %get3A_28 = arith.constant 0 : i32
    %get3A_29 = arith.index_cast %get3A_27 : i32 to index
    %get3A_30 = arith.index_cast %get3A_28 : i32 to index
    %get3A_31 = arith.constant 16 : index
    %get3A_32 = tpu.vector_load %arg5[%get3A_29, %get3A_30, %get3A_31] {strides = array<i32>} : memref<2x2x576xf32, #tpu.memory_space<vmem>>, vector<16xf32>,
    %add3A_33 = arith.addf %get3A_26, %get3A_32 : vector<16xf32>
    %get3A_34 = arith.constant 1 : i32
    %get3A_35 = arith.constant 0 : i32
    %get3A_36 = arith.index_cast %get3A_34 : i32 to index
    %get3A_37 = arith.index_cast %get3A_35 : i32 to index
    %get3A_38 = arith.constant 16 : index
    %get3A_39 = tpu.vector_load %arg5[%get3A_36, %get3A_37, %get3A_38] {strides = array<i32>} : memref<2x2x576xf32, #tpu.memory_space<vmem>>, vector<16xf32>,
    %mul3A_40 = arith.mulf %add3A_33, %get3A_39 : vector<16xf32>
    %add3A_41 = arith.addf %mul3A_40, %mul3A_40 : vector<16xf32>
    %exp3A_42 = math.exp %add3A_41 : vector<16xf32>
    %add3A_43 = arith.constant 1.000000e+00 : f32
    %add3A_44 = vector.broadcast %add3A_43 : f32 to vector<16xf32>
    %add3A_45 = arith.addf %exp3A_42, %add3A_44 : vector<16xf32>
    %div3A_46 = arith.constant 2.000000e+00 : f32
    %div3A_47 = vector.broadcast %div3A_46 : f32 to vector<16xf32>
    %div3A_48 = arith.divf %div3A_47, %add3A_45 : vector<16xf32>
    %sub3A_49 = arith.constant 1.000000e+00 : f32
    %sub3A_50 = vector.broadcast %sub3A_49 : f32 to vector<16xf32>
    %sub3A_51 = arith.subf %sub3A_50, %div3A_48 : vector<16xf32>
    %swap3A_52 = arith.constant 16 : index
    %swap3A_53 = tpu.vector_load %arg7[%swap3A_52] {strides = array<i32>} : memref<1152xf32, #tpu.memory_space<vmem>>, vector<16xf32>,
    tpu.vector_store %arg7[%swap3A_52], %sub3A_51 {strides = array<i32>} : memref<1152xf32, #tpu.memory_space<vmem>>, vector<16xf32>,
    %get3A_54 = arith.constant 32 : index
    %get3A_55 = tpu.vector_load %arg6[%get3A_54] {strides = array<i32>} : memref<1152xf32, #tpu.memory_space<vmem>>, vector<16xf32>,
    %get3A_56 = arith.constant 0 : i32
    %get3A_57 = arith.constant 0 : i32
    %get3A_58 = arith.index_cast %get3A_56 : i32 to index
    %get3A_59 = arith.index_cast %get3A_57 : i32 to index
    %get3A_60 = arith.constant 32 : index
    %get3A_61 = tpu.vector_load %arg5[%get3A_58, %get3A_59, %get3A_60] {strides = array<i32>} : memref<2x2x576xf32, #tpu.memory_space<vmem>>, vector<16xf32>,
    %add3A_62 = arith.addf %get3A_55, %get3A_61 : vector<16xf32>
    %get3A_63 = arith.constant 1 : i32
    %get3A_64 = arith.constant 0 : i32
    %get3A_65 = arith.index_cast %get3A_63 : i32 to index
    %get3A_66 = arith.index_cast %get3A_64 : i32 to index
    %get3A_67 = arith.constant 32 : index
    %get3A_68 = tpu.vector_load %arg5[%get3A_65, %get3A_66, %get3A_67] {strides = array<i32>} : memref<2x2x576xf32, #tpu.memory_space<vmem>>, vector<16xf32>,
    %mul3A_69 = arith.mulf %add3A_62, %get3A_68 : vector<16xf32>
    %add3A_70 = arith.addf %mul3A_69, %mul3A_69 : vector<16xf32>
    %exp3A_71 = math.exp %add3A_70 : vector<16xf32>
    %add3A_72 = arith.constant 1.000000e+00 : f32
    %add3A_73 = vector.broadcast %add3A_72 : f32 to vector<16xf32>
    %add3A_74 = arith.addf %exp3A_71, %add3A_73 : vector<16xf32>
    %div3A_75 = arith.constant 2.000000e+00 : f32
    %div3A_76 = vector.broadcast %div3A_75 : f32 to vector<16xf32>
    %div3A_77 = arith.divf %div3A_76, %add3A_74 : vector<16xf32>
    %sub3A_78 = arith.constant 1.000000e+00 : f32
    %sub3A_79 = vector.broadcast %sub3A_78 : f32 to vector<16xf32>
    %sub3A_80 = arith.subf %sub3A_79, %div3A_77 : vector<16xf32>
    %swap3A_81 = arith.constant 32 : index
    %swap3A_82 = tpu.vector_load %arg7[%swap3A_81] {strides = array<i32>} : memref<1152xf32, #tpu.memory_space<vmem>>, vector<16xf32>,
    tpu.vector_store %arg7[%swap3A_81], %sub3A_80 {strides = array<i32>} : memref<1152xf32, #tpu.memory_space<vmem>>, vector<16xf32>,
    %get3A_83 = arith.constant 48 : index
    %get3A_84 = tpu.vector_load %arg6[%get3A_83] {strides = array<i32>} : memref<1152xf32, #tpu.memory_space<vmem>>, vector<16xf32>,
    %get3A_85 = arith.constant 0 : i32
    %get3A_86 = arith.constant 0 : i32
    %get3A_87 = arith.index_cast %get3A_85 : i32 to index
    %get3A_88 = arith.index_cast %get3A_86 : i32 to index
    %get3A_89 = arith.constant 48 : index
    %get3A_90 = tpu.vector_load %arg5[%get3A_87, %get3A_88, %get3A_89] {strides = array<i32>} : memref<2x2x576xf32, #tpu.memory_space<vmem>>, vector<16xf32>,
    %add3A_91 = arith.addf %get3A_84, %get3A_90 : vector<16xf32>
    %get3A_92 = arith.constant 1 : i32
    %get3A_93 = arith.constant 0 : i32
    %get3A_94 = arith.index_cast %get3A_92 : i32 to index
    %get3A_95 = arith.index_cast %get3A_93 : i32 to index
    %get3A_96 = arith.constant 48 : index
    %get3A_97 = tpu.vector_load %arg5[%get3A_94, %get3A_95, %get3A_96] {strides = array<i32>} : memref<2x2x576xf32, #tpu.memory_space<vmem>>, vector<16xf32>,
    %mul3A_98 = arith.mulf %add3A_91, %get3A_97 : vector<16xf32>
    %add3A_99 = arith.addf %mul3A_98, %mul3A_98 : vector<16xf32>
    %exp3A_100 = math.exp %add3A_99 : vector<16xf32>
    %add3A_101 = arith.constant 1.000000e+00 : f32
    %add3A_102 = vector.broadcast %add3A_101 : f32 to vector<16xf32>
    %add3A_103 = arith.addf %exp3A_100, %add3A_102 : vector<16xf32>
    %div3A_104 = arith.constant 2.000000e+00 : f32
    %div3A_105 = vector.broadcast %div3A_104 : f32 to vector<16xf32>
    %div3A_106 = arith.divf %div3A_105, %add3A_103 : vector<16xf32>
    %sub3A_107 = arith.constant 1.000000e+00 : f32
    %sub3A_108 = vector.broadcast %sub3A_107 : f32 to vector<16xf32>
    %sub3A_109 = arith.subf %sub3A_108, %div3A_106 : vector<16xf32>
    %swap3A_110 = arith.constant 48 : index
    %swap3A_111 = tpu.vector_load %arg7[%swap3A_110] {strides = array<i32>} : memref<1152xf32, #tpu.memory_space<vmem>>, vector<16xf32>,
    tpu.vector_store %arg7[%swap3A_110], %sub3A_109 {strides = array<i32>} : memref<1152xf32, #tpu.memory_space<vmem>>, vector<16xf32>,
    %get3A_112 = arith.constant 64 : index
    %get3A_113 = tpu.vector_load %arg6[%get3A_112] {strides = array<i32>} : memref<1152xf32, #tpu.memory_space<vmem>>, vector<16xf32>,
    %get3A_114 = arith.constant 0 : i32
    %get3A_115 = arith.constant 0 : i32
    %get3A_116 = arith.index_cast %get3A_114 : i32 to index
    %get3A_117 = arith.index_cast %get3A_115 : i32 to index
    %get3A_118 = arith.constant 64 : index
    %get3A_119 = tpu.vector_load %arg5[%get3A_116, %get3A_117, %get3A_118] {strides = array<i32>} : memref<2x2x576xf32, #tpu.memory_space<vmem>>, vector<16xf32>,
    %add3A_120 = arith.addf %get3A_113, %get3A_119 : vector<16xf32>
    %get3A_121 = arith.constant 1 : i32
    %get3A_122 = arith.constant 0 : i32
    %get3A_123 = arith.index_cast %get3A_121 : i32 to index
    %get3A_124 = arith.index_cast %get3A_122 : i32 to index
    %get3A_125 = arith.constant 64 : index
    %get3A_126 = tpu.vector_load %arg5[%get3A_123, %get3A_124, %get3A_125] {strides = array<i32>} : memref<2x2x576xf32, #tpu.memory_space<vmem>>, vector<16xf32>,
    %mul3A_127 = arith.mulf %add3A_120, %get3A_126 : vector<16xf32>
    %add3A_128 = arith.addf %mul3A_127, %mul3A_127 : vector<16xf32>
    %exp3A_129 = math.exp %add3A_128 : vector<16xf32>
    %add3A_130 = arith.constant 1.000000e+00 : f32
    %add3A_131 = vector.broadcast %add3A_130 : f32 to vector<16xf32>
    %add3A_132 = arith.addf %exp3A_129, %add3A_131 : vector<16xf32>
    %div3A_133 = arith.constant 2.000000e+00 : f32
    %div3A_134 = vector.broadcast %div3A_133 : f32 to vector<16xf32>
    %div3A_135 = arith.divf %div3A_134, %add3A_132 : vector<16xf32>
    %sub3A_136 = arith.constant 1.000000e+00 : f32
    %sub3A_137 = vector.broadcast %sub3A_136 : f32 to vector<16xf32>
    %sub3A_138 = arith.subf %sub3A_137, %div3A_135 : vector<16xf32>
    %swap3A_139 = arith.constant 64 : index
    %swap3A_140 = tpu.vector_load %arg7[%swap3A_139] {strides = array<i32>} : memref<1152xf32, #tpu.memory_space<vmem>>, vector<16xf32>,
    tpu.vector_store %arg7[%swap3A_139], %sub3A_138 {strides = array<i32>} : memref<1152xf32, #tpu.memory_space<vmem>>, vector<16xf32>,
    %get3A_141 = arith.constant 80 : index
    %get3A_142 = tpu.vector_load %arg6[%get3A_141] {strides = array<i32>} : memref<1152xf32, #tpu.memory_space<vmem>>, vector<16xf32>,
    %get3A_143 = arith.constant 0 : i32
    %get3A_144 = arith.constant 0 : i32
    %get3A_145 = arith.index_cast %get3A_143 : i32 to index
    %get3A_146 = arith.index_cast %get3A_144 : i32 to index
    %get3A_147 = arith.constant 80 : index
    %get3A_148 = tpu.vector_load %arg5[%get3A_145, %get3A_146, %get3A_147] {strides = array<i32>} : memref<2x2x576xf32, #tpu.memory_space<vmem>>, vector<16xf32>,
    %add3A_149 = arith.addf %get3A_142, %get3A_148 : vector<16xf32>
    %get3A_150 = arith.constant 1 : i32
    %get3A_151 = arith.constant 0 : i32
    %get3A_152 = arith.index_cast %get3A_150 : i32 to index
    %get3A_153 = arith.index_cast %get3A_151 : i32 to index
    %get3A_154 = arith.constant 80 : index
    %get3A_155 = tpu.vector_load %arg5[%get3A_152, %get3A_153, %get3A_154] {strides = array<i32>} : memref<2x2x576xf32, #tpu.memory_space<vmem>>, vector<16xf32>,
    %mul3A_156 = arith.mulf %add3A_149, %get3A_155 : vector<16xf32>
    %add3A_157 = arith.addf %mul3A_156, %mul3A_156 : vector<16xf32>
    %exp3A_158 = math.exp %add3A_157 : vector<16xf32>
    %add3A_159 = arith.constant 1.000000e+00 : f32
    %add3A_160 = vector.broadcast %add3A_159 : f32 to vector<16xf32>
    %add3A_161 = arith.addf %exp3A_158, %add3A_160 : vector<16xf32>
    %div3A_162 = arith.constant 2.000000e+00 : f32
    %div3A_163 = vector.broadcast %div3A_162 : f32 to vector<16xf32>
    %div3A_164 = arith.divf %div3A_163, %add3A_161 : vector<16xf32>
    %sub3A_165 = arith.constant 1.000000e+00 : f32
    %sub3A_166 = vector.broadcast %sub3A_165 : f32 to vector<16xf32>
    %sub3A_167 = arith.subf %sub3A_166, %div3A_164 : vector<16xf32>
    %swap3A_168 = arith.constant 80 : index
    %swap3A_169 = tpu.vector_load %arg7[%swap3A_168] {strides = array<i32>} : memref<1152xf32, #tpu.memory_space<vmem>>, vector<16xf32>,
    tpu.vector_store %arg7[%swap3A_168], %sub3A_167 {strides = array<i32>} : memref<1152xf32, #tpu.memory_space<vmem>>, vector<16xf32>,
    %get3A_170 = arith.constant 96 : index
    %get3A_171 = tpu.vector_load %arg6[%get3A_170] {strides = array<i32>} : memref<1152xf32, #tpu.memory_space<vmem>>, vector<16xf32>,
    %get3A_172 = arith.constant 0 : i32
    %get3A_173 = arith.constant 0 : i32
    %get3A_174 = arith.index_cast %get3A_172 : i32 to index
    %get3A_175 = arith.index_cast %get3A_173 : i32 to index
    %get3A_176 = arith.constant 96 : index
    %get3A_177 = tpu.vector_load %arg5[%get3A_174, %get3A_175, %get3A_176] {strides = array<i32>} : memref<2x2x576xf32, #tpu.memory_space<vmem>>, vector<16xf32>,
    %add3A_178 = arith.addf %get3A_171, %get3A_177 : vector<16xf32>
    %get3A_179 = arith.constant 1 : i32
    %get3A_180 = arith.constant 0 : i32
    %get3A_181 = arith.index_cast %get3A_179 : i32 to index
    %get3A_182 = arith.index_cast %get3A_180 : i32 to index
    %get3A_183 = arith.constant 96 : index
    %get3A_184 = tpu.vector_load %arg5[%get3A_181, %get3A_182, %get3A_183] {strides = array<i32>} : memref<2x2x576xf32, #tpu.memory_space<vmem>>, vector<16xf32>,
    %mul3A_185 = arith.mulf %add3A_178, %get3A_184 : vector<16xf32>
    %add3A_186 = arith.addf %mul3A_185, %mul3A_185 : vector<16xf32>
    %exp3A_187 = math.exp %add3A_186 : vector<16xf32>
    %add3A_188 = arith.constant 1.000000e+00 : f32
    %add3A_189 = vector.broadcast %add3A_188 : f32 to vector<16xf32>
    %add3A_190 = arith.addf %exp3A_187, %add3A_189 : vector<16xf32>
    %div3A_191 = arith.constant 2.000000e+00 : f32
    %div3A_192 = vector.broadcast %div3A_191 : f32 to vector<16xf32>
    %div3A_193 = arith.divf %div3A_192, %add3A_190 : vector<16xf32>
    %sub3A_194 = arith.constant 1.000000e+00 : f32
    %sub3A_195 = vector.broadcast %sub3A_194 : f32 to vector<16xf32>
    %sub3A_196 = arith.subf %sub3A_195, %div3A_193 : vector<16xf32>
    %swap3A_197 = arith.constant 96 : index
    %swap3A_198 = tpu.vector_load %arg7[%swap3A_197] {strides = array<i32>} : memref<1152xf32, #tpu.memory_space<vmem>>, vector<16xf32>,
    tpu.vector_store %arg7[%swap3A_197], %sub3A_196 {strides = array<i32>} : memref<1152xf32, #tpu.memory_space<vmem>>, vector<16xf32>,
    %get3A_199 = arith.constant 112 : index
    %get3A_200 = tpu.vector_load %arg6[%get3A_199] {strides = array<i32>} : memref<1152xf32, #tpu.memory_space<vmem>>, vector<16xf32>,
    %get3A_201 = arith.constant 0 : i32
    %get3A_202 = arith.constant 0 : i32
    %get3A_203 = arith.index_cast %get3A_201 : i32 to index
    %get3A_204 = arith.index_cast %get3A_202 : i32 to index
    %get3A_205 = arith.constant 112 : index
    %get3A_206 = tpu.vector_load %arg5[%get3A_203, %get3A_204, %get3A_205] {strides = array<i32>} : memref<2x2x576xf32, #tpu.memory_space<vmem>>, vector<16xf32>,
    %add3A_207 = arith.addf %get3A_200, %get3A_206 : vector<16xf32>
    %get3A_208 = arith.constant 1 : i32
    %get3A_209 = arith.constant 0 : i32
    %get3A_210 = arith.index_cast %get3A_208 : i32 to index
    %get3A_211 = arith.index_cast %get3A_209 : i32 to index
    %get3A_212 = arith.constant 112 : index
    %get3A_213 = tpu.vector_load %arg5[%get3A_210, %get3A_211, %get3A_212] {strides = array<i32>} : memref<2x2x576xf32, #tpu.memory_space<vmem>>, vector<16xf32>,
    %mul3A_214 = arith.mulf %add3A_207, %get3A_213 : vector<16xf32>
    %add3A_215 = arith.addf %mul3A_214, %mul3A_214 : vector<16xf32>
    %exp3A_216 = math.exp %add3A_215 : vector<16xf32>
    %add3A_217 = arith.constant 1.000000e+00 : f32
    %add3A_218 = vector.broadcast %add3A_217 : f32 to vector<16xf32>
    %add3A_219 = arith.addf %exp3A_216, %add3A_218 : vector<16xf32>
    %div3A_220 = arith.constant 2.000000e+00 : f32
    %div3A_221 = vector.broadcast %div3A_220 : f32 to vector<16xf32>
    %div3A_222 = arith.divf %div3A_221, %add3A_219 : vector<16xf32>
    %sub3A_223 = arith.constant 1.000000e+00 : f32
    %sub3A_224 = vector.broadcast %sub3A_223 : f32 to vector<16xf32>
    %sub3A_225 = arith.subf %sub3A_224, %div3A_222 : vector<16xf32>
    %swap3A_226 = arith.constant 112 : index
    %swap3A_227 = tpu.vector_load %arg7[%swap3A_226] {strides = array<i32>} : memref<1152xf32, #tpu.memory_space<vmem>>, vector<16xf32>,
    tpu.vector_store %arg7[%swap3A_226], %sub3A_225 {strides = array<i32>} : memref<1152xf32, #tpu.memory_space<vmem>>, vector<16xf32>,
    %get3A_228 = arith.constant 128 : index
    %get3A_229 = tpu.vector_load %arg6[%get3A_228] {strides = array<i32>} : memref<1152xf32, #tpu.memory_space<vmem>>, vector<16xf32>,
    %get3A_230 = arith.constant 0 : i32
    %get3A_231 = arith.constant 0 : i32
    %get3A_232 = arith.index_cast %get3A_230 : i32 to index
    %get3A_233 = arith.index_cast %get3A_231 : i32 to index
    %get3A_234 = arith.constant 128 : index
    %get3A_235 = tpu.vector_load %arg5[%get3A_232, %get3A_233, %get3A_234] {strides = array<i32>} : memref<2x2x576xf32, #tpu.memory_space<vmem>>, vector<16xf32>,
    %add3A_236 = arith.addf %get3A_229, %get3A_235 : vector<16xf32>
    %get3A_237 = arith.constant 1 : i32
    %get3A_238 = arith.constant 0 : i32
    %get3A_239 = arith.index_cast %get3A_237 : i32 to index
    %get3A_240 = arith.index_cast %get3A_238 : i32 to index
    %get3A_241 = arith.constant 128 : index
    %get3A_242 = tpu.vector_load %arg5[%get3A_239, %get3A_240, %get3A_241] {strides = array<i32>} : memref<2x2x576xf32, #tpu.memory_space<vmem>>, vector<16xf32>,
    %mul3A_243 = arith.mulf %add3A_236, %get3A_242 : vector<16xf32>
    %add3A_244 = arith.addf %mul3A_243, %mul3A_243 : vector<16xf32>
    %exp3A_245 = math.exp %add3A_244 : vector<16xf32>
    %add3A_246 = arith.constant 1.000000e+00 : f32
    %add3A_247 = vector.broadcast %add3A_246 : f32 to vector<16xf32>
    %add3A_248 = arith.addf %exp3A_245, %add3A_247 : vector<16xf32>
    %div3A_249 = arith.constant 2.000000e+00 : f32
    %div3A_250 = vector.broadcast %div3A_249 : f32 to vector<16xf32>
    %div3A_251 = arith.divf %div3A_250, %add3A_248 : vector<16xf32>
    %sub3A_252 = arith.constant 1.000000e+00 : f32
    %sub3A_253 = vector.broadcast %sub3A_252 : f32 to vector<16xf32>
    %sub3A_254 = arith.subf %sub3A_253, %div3A_251 : vector<16xf32>
    %swap3A_255 = arith.constant 128 : index
    %swap3A_256 = tpu.vector_load %arg7[%swap3A_255] {strides = array<i32>} : memref<1152xf32, #tpu.memory_space<vmem>>, vector<16xf32>,
    tpu.vector_store %arg7[%swap3A_255], %sub3A_254 {strides = array<i32>} : memref<1152xf32, #tpu.memory_space<vmem>>, vector<16xf32>,
    %get3A_257 = arith.constant 144 : index
    %get3A_258 = tpu.vector_load %arg6[%get3A_257] {strides = array<i32>} : memref<1152xf32, #tpu.memory_space<vmem>>, vector<16xf32>,
    %get3A_259 = arith.constant 0 : i32
    %get3A_260 = arith.constant 0 : i32
    %get3A_261 = arith.index_cast %get3A_259 : i32 to index
    %get3A_262 = arith.index_cast %get3A_260 : i32 to index
    %get3A_263 = arith.constant 144 : index
    %get3A_264 = tpu.vector_load %arg5[%get3A_261, %get3A_262, %get3A_263] {strides = array<i32>} : memref<2x2x576xf32, #tpu.memory_space<vmem>>, vector<16xf32>,
    %add3A_265 = arith.addf %get3A_258, %get3A_264 : vector<16xf32>
    %get3A_266 = arith.constant 1 : i32
    %get3A_267 = arith.constant 0 : i32
    %get3A_268 = arith.index_cast %get3A_266 : i32 to index
    %get3A_269 = arith.index_cast %get3A_267 : i32 to index
    %get3A_270 = arith.constant 144 : index
    %get3A_271 = tpu.vector_load %arg5[%get3A_268, %get3A_269, %get3A_270] {strides = array<i32>} : memref<2x2x576xf32, #tpu.memory_space<vmem>>, vector<16xf32>,
    %mul3A_272 = arith.mulf %add3A_265, %get3A_271 : vector<16xf32>
    %add3A_273 = arith.addf %mul3A_272, %mul3A_272 : vector<16xf32>
    %exp3A_274 = math.exp %add3A_273 : vector<16xf32>
    %add3A_275 = arith.constant 1.000000e+00 : f32
    %add3A_276 = vector.broadcast %add3A_275 : f32 to vector<16xf32>
    %add3A_277 = arith.addf %exp3A_274, %add3A_276 : vector<16xf32>
    %div3A_278 = arith.constant 2.000000e+00 : f32
    %div3A_279 = vector.broadcast %div3A_278 : f32 to vector<16xf32>
    %div3A_280 = arith.divf %div3A_279, %add3A_277 : vector<16xf32>
    %sub3A_281 = arith.constant 1.000000e+00 : f32
    %sub3A_282 = vector.broadcast %sub3A_281 : f32 to vector<16xf32>
    %sub3A_283 = arith.subf %sub3A_282, %div3A_280 : vector<16xf32>
    %swap3A_284 = arith.constant 144 : index
    %swap3A_285 = tpu.vector_load %arg7[%swap3A_284] {strides = array<i32>} : memref<1152xf32, #tpu.memory_space<vmem>>, vector<16xf32>,
    tpu.vector_store %arg7[%swap3A_284], %sub3A_283 {strides = array<i32>} : memref<1152xf32, #tpu.memory_space<vmem>>, vector<16xf32>,
    %get3A_286 = arith.constant 160 : index
    %get3A_287 = tpu.vector_load %arg6[%get3A_286] {strides = array<i32>} : memref<1152xf32, #tpu.memory_space<vmem>>, vector<16xf32>,
    %get3A_288 = arith.constant 0 : i32
    %get3A_289 = arith.constant 0 : i32
    %get3A_290 = arith.index_cast %get3A_288 : i32 to index
    %get3A_291 = arith.index_cast %get3A_289 : i32 to index
    %get3A_292 = arith.constant 160 : index
    %get3A_293 = tpu.vector_load %arg5[%get3A_290, %get3A_291, %get3A_292] {strides = array<i32>} : memref<2x2x576xf32, #tpu.memory_space<vmem>>, vector<16xf32>,
    %add3A_294 = arith.addf %get3A_287, %get3A_293 : vector<16xf32>
    %get3A_295 = arith.constant 1 : i32
    %get3A_296 = arith.constant 0 : i32
    %get3A_297 = arith.index_cast %get3A_295 : i32 to index
    %get3A_298 = arith.index_cast %get3A_296 : i32 to index
    %get3A_299 = arith.constant 160 : index
    %get3A_300 = tpu.vector_load %arg5[%get3A_297, %get3A_298, %get3A_299] {strides = array<i32>} : memref<2x2x576xf32, #tpu.memory_space<vmem>>, vector<16xf32>,
    %mul3A_301 = arith.mulf %add3A_294, %get3A_300 : vector<16xf32>
    %add3A_302 = arith.addf %mul3A_301, %mul3A_301 : vector<16xf32>
    %exp3A_303 = math.exp %add3A_302 : vector<16xf32>
    %add3A_304 = arith.constant 1.000000e+00 : f32
    %add3A_305 = vector.broadcast %add3A_304 : f32 to vector<16xf32>
    %add3A_306 = arith.addf %exp3A_303, %add3A_305 : vector<16xf32>
    %div3A_307 = arith.constant 2.000000e+00 : f32
    %div3A_308 = vector.broadcast %div3A_307 : f32 to vector<16xf32>
    %div3A_309 = arith.divf %div3A_308, %add3A_306 : vector<16xf32>
    %sub3A_310 = arith.constant 1.000000e+00 : f32
    %sub3A_311 = vector.broadcast %sub3A_310 : f32 to vector<16xf32>
    %sub3A_312 = arith.subf %sub3A_311, %div3A_309 : vector<16xf32>
    %swap3A_313 = arith.constant 160 : index
    %swap3A_314 = tpu.vector_load %arg7[%swap3A_313] {strides = array<i32>} : memref<1152xf32, #tpu.memory_space<vmem>>, vector<16xf32>,
    tpu.vector_store %arg7[%swap3A_313], %sub3A_312 {strides = array<i32>} : memref<1152xf32, #tpu.memory_space<vmem>>, vector<16xf32>,
    %get3A_315 = arith.constant 176 : index
    %get3A_316 = tpu.vector_load %arg6[%get3A_315] {strides = array<i32>} : memref<1152xf32, #tpu.memory_space<vmem>>, vector<16xf32>,
    %get3A_317 = arith.constant 0 : i32
    %get3A_318 = arith.constant 0 : i32
    %get3A_319 = arith.index_cast %get3A_317 : i32 to index
    %get3A_320 = arith.index_cast %get3A_318 : i32 to index
    %get3A_321 = arith.constant 176 : index
    %get3A_322 = tpu.vector_load %arg5[%get3A_319, %get3A_320, %get3A_321] {strides = array<i32>} : memref<2x2x576xf32, #tpu.memory_space<vmem>>, vector<16xf32>,
    %add3A_323 = arith.addf %get3A_316, %get3A_322 : vector<16xf32>
    %get3A_324 = arith.constant 1 : i32
    %get3A_325 = arith.constant 0 : i32
    %get3A_326 = arith.index_cast %get3A_324 : i32 to index
    %get3A_327 = arith.index_cast %get3A_325 : i32 to index
    %get3A_328 = arith.constant 176 : index
    %get3A_329 = tpu.vector_load %arg5[%get3A_326, %get3A_327, %get3A_328] {strides = array<i32>} : memref<2x2x576xf32, #tpu.memory_space<vmem>>, vector<16xf32>,
    %mul3A_330 = arith.mulf %add3A_323, %get3A_329 : vector<16xf32>
    %add3A_331 = arith.addf %mul3A_330, %mul3A_330 : vector<16xf32>
    %exp3A_332 = math.exp %add3A_331 : vector<16xf32>
    %add3A_333 = arith.constant 1.000000e+00 : f32
    %add3A_334 = vector.broadcast %add3A_333 : f32 to vector<16xf32>
    %add3A_335 = arith.addf %exp3A_332, %add3A_334 : vector<16xf32>
    %div3A_336 = arith.constant 2.000000e+00 : f32
    %div3A_337 = vector.broadcast %div3A_336 : f32 to vector<16xf32>
    %div3A_338 = arith.divf %div3A_337, %add3A_335 : vector<16xf32>
    %sub3A_339 = arith.constant 1.000000e+00 : f32
    %sub3A_340 = vector.broadcast %sub3A_339 : f32 to vector<16xf32>
    %sub3A_341 = arith.subf %sub3A_340, %div3A_338 : vector<16xf32>
    %swap3A_342 = arith.constant 176 : index
    %swap3A_343 = tpu.vector_load %arg7[%swap3A_342] {strides = array<i32>} : memref<1152xf32, #tpu.memory_space<vmem>>, vector<16xf32>,
    tpu.vector_store %arg7[%swap3A_342], %sub3A_341 {strides = array<i32>} : memref<1152xf32, #tpu.memory_space<vmem>>, vector<16xf32>,
    %get3A_344 = arith.constant 192 : index
    %get3A_345 = tpu.vector_load %arg6[%get3A_344] {strides = array<i32>} : memref<1152xf32, #tpu.memory_space<vmem>>, vector<16xf32>,
    %get3A_346 = arith.constant 0 : i32
    %get3A_347 = arith.constant 0 : i32
    %get3A_348 = arith.index_cast %get3A_346 : i32 to index
    %get3A_349 = arith.index_cast %get3A_347 : i32 to index
    %get3A_350 = arith.constant 192 : index
    %get3A_351 = tpu.vector_load %arg5[%get3A_348, %get3A_349, %get3A_350] {strides = array<i32>} : memref<2x2x576xf32, #tpu.memory_space<vmem>>, vector<16xf32>,
    %add3A_352 = arith.addf %get3A_345, %get3A_351 : vector<16xf32>
    %get3A_353 = arith.constant 1 : i32
    %get3A_354 = arith.constant 0 : i32
    %get3A_355 = arith.index_cast %get3A_353 : i32 to index
    %get3A_356 = arith.index_cast %get3A_354 : i32 to index
    %get3A_357 = arith.constant 192 : index
    %get3A_358 = tpu.vector_load %arg5[%get3A_355, %get3A_356, %get3A_357] {strides = array<i32>} : memref<2x2x576xf32, #tpu.memory_space<vmem>>, vector<16xf32>,
    %mul3A_359 = arith.mulf %add3A_352, %get3A_358 : vector<16xf32>
    %add3A_360 = arith.addf %mul3A_359, %mul3A_359 : vector<16xf32>
    %exp3A_361 = math.exp %add3A_360 : vector<16xf32>
    %add3A_362 = arith.constant 1.000000e+00 : f32
    %add3A_363 = vector.broadcast %add3A_362 : f32 to vector<16xf32>
    %add3A_364 = arith.addf %exp3A_361, %add3A_363 : vector<16xf32>
    %div3A_365 = arith.constant 2.000000e+00 : f32
    %div3A_366 = vector.broadcast %div3A_365 : f32 to vector<16xf32>
    %div3A_367 = arith.divf %div3A_366, %add3A_364 : vector<16xf32>
    %sub3A_368 = arith.constant 1.000000e+00 : f32
    %sub3A_369 = vector.broadcast %sub3A_368 : f32 to vector<16xf32>
    %sub3A_370 = arith.subf %sub3A_369, %div3A_367 : vector<16xf32>
    %swap3A_371 = arith.constant 192 : index
    %swap3A_372 = tpu.vector_load %arg7[%swap3A_371] {strides = array<i32>} : memref<1152xf32, #tpu.memory_space<vmem>>, vector<16xf32>,
    tpu.vector_store %arg7[%swap3A_371], %sub3A_370 {strides = array<i32>} : memref<1152xf32, #tpu.memory_space<vmem>>, vector<16xf32>,
    %get3A_373 = arith.constant 208 : index
    %get3A_374 = tpu.vector_load %arg6[%get3A_373] {strides = array<i32>} : memref<1152xf32, #tpu.memory_space<vmem>>, vector<16xf32>,
    %get3A_375 = arith.constant 0 : i32
    %get3A_376 = arith.constant 0 : i32
    %get3A_377 = arith.index_cast %get3A_375 : i32 to index
    %get3A_378 = arith.index_cast %get3A_376 : i32 to index
    %get3A_379 = arith.constant 208 : index
    %get3A_380 = tpu.vector_load %arg5[%get3A_377, %get3A_378, %get3A_379] {strides = array<i32>} : memref<2x2x576xf32, #tpu.memory_space<vmem>>, vector<16xf32>,
    %add3A_381 = arith.addf %get3A_374, %get3A_380 : vector<16xf32>
    %get3A_382 = arith.constant 1 : i32
    %get3A_383 = arith.constant 0 : i32
    %get3A_384 = arith.index_cast %get3A_382 : i32 to index
    %get3A_385 = arith.index_cast %get3A_383 : i32 to index
    %get3A_386 = arith.constant 208 : index
    %get3A_387 = tpu.vector_load %arg5[%get3A_384, %get3A_385, %get3A_386] {strides = array<i32>} : memref<2x2x576xf32, #tpu.memory_space<vmem>>, vector<16xf32>,
    %mul3A_388 = arith.mulf %add3A_381, %get3A_387 : vector<16xf32>
    %add3A_389 = arith.addf %mul3A_388, %mul3A_388 : vector<16xf32>
    %exp3A_390 = math.exp %add3A_389 : vector<16xf32>
    %add3A_391 = arith.constant 1.000000e+00 : f32
    %add3A_392 = vector.broadcast %add3A_391 : f32 to vector<16xf32>
    %add3A_393 = arith.addf %exp3A_390, %add3A_392 : vector<16xf32>
    %div3A_394 = arith.constant 2.000000e+00 : f32
    %div3A_395 = vector.broadcast %div3A_394 : f32 to vector<16xf32>
    %div3A_396 = arith.divf %div3A_395, %add3A_393 : vector<16xf32>
    %sub3A_397 = arith.constant 1.000000e+00 : f32
    %sub3A_398 = vector.broadcast %sub3A_397 : f32 to vector<16xf32>
    %sub3A_399 = arith.subf %sub3A_398, %div3A_396 : vector<16xf32>
    %swap3A_400 = arith.constant 208 : index
    %swap3A_401 = tpu.vector_load %arg7[%swap3A_400] {strides = array<i32>} : memref<1152xf32, #tpu.memory_space<vmem>>, vector<16xf32>,
    tpu.vector_store %arg7[%swap3A_400], %sub3A_399 {strides = array<i32>} : memref<1152xf32, #tpu.memory_space<vmem>>, vector<16xf32>,
    %get3A_402 = arith.constant 224 : index
    %get3A_403 = tpu.vector_load %arg6[%get3A_402] {strides = array<i32>} : memref<1152xf32, #tpu.memory_space<vmem>>, vector<16xf32>,
    %get3A_404 = arith.constant 0 : i32
    %get3A_405 = arith.constant 0 : i32
    %get3A_406 = arith.index_cast %get3A_404 : i32 to index
    %get3A_407 = arith.index_cast %get3A_405 : i32 to index
    %get3A_408 = arith.constant 224 : index
    %get3A_409 = tpu.vector_load %arg5[%get3A_406, %get3A_407, %get3A_408] {strides = array<i32>} : memref<2x2x576xf32, #tpu.memory_space<vmem>>, vector<16xf32>,
    %add3A_410 = arith.addf %get3A_403, %get3A_409 : vector<16xf32>
    %get3A_411 = arith.constant 1 : i32
    %get3A_412 = arith.constant 0 : i32
    %get3A_413 = arith.index_cast %get3A_411 : i32 to index
    %get3A_414 = arith.index_cast %get3A_412 : i32 to index
    %get3A_415 = arith.constant 224 : index
    %get3A_416 = tpu.vector_load %arg5[%get3A_413, %get3A_414, %get3A_415] {strides = array<i32>} : memref<2x2x576xf32, #tpu.memory_space<vmem>>, vector<16xf32>,
    %mul3A_417 = arith.mulf %add3A_410, %get3A_416 : vector<16xf32>
    %add3A_418 = arith.addf %mul3A_417, %mul3A_417 : vector<16xf32>
    %exp3A_419 = math.exp %add3A_418 : vector<16xf32>
    %add3A_420 = arith.constant 1.000000e+00 : f32
    %add3A_421 = vector.broadcast %add3A_420 : f32 to vector<16xf32>
    %add3A_422 = arith.addf %exp3A_419, %add3A_421 : vector<16xf32>
    %div3A_423 = arith.constant 2.000000e+00 : f32
    %div3A_424 = vector.broadcast %div3A_423 : f32 to vector<16xf32>
    %div3A_425 = arith.divf %div3A_424, %add3A_422 : vector<16xf32>
    %sub3A_426 = arith.constant 1.000000e+00 : f32
    %sub3A_427 = vector.broadcast %sub3A_426 : f32 to vector<16xf32>
    %sub3A_428 = arith.subf %sub3A_427, %div3A_425 : vector<16xf32>
    %swap3A_429 = arith.constant 224 : index
    %swap3A_430 = tpu.vector_load %arg7[%swap3A_429] {strides = array<i32>} : memref<1152xf32, #tpu.memory_space<vmem>>, vector<16xf32>,
    tpu.vector_store %arg7[%swap3A_429], %sub3A_428 {strides = array<i32>} : memref<1152xf32, #tpu.memory_space<vmem>>, vector<16xf32>,
    %get3A_431 = arith.constant 240 : index
    %get3A_432 = tpu.vector_load %arg6[%get3A_431] {strides = array<i32>} : memref<1152xf32, #tpu.memory_space<vmem>>, vector<16xf32>,
    %get3A_433 = arith.constant 0 : i32
    %get3A_434 = arith.constant 0 : i32
    %get3A_435 = arith.index_cast %get3A_433 : i32 to index
    %get3A_436 = arith.index_cast %get3A_434 : i32 to index
    %get3A_437 = arith.constant 240 : index
    %get3A_438 = tpu.vector_load %arg5[%get3A_435, %get3A_436, %get3A_437] {strides = array<i32>} : memref<2x2x576xf32, #tpu.memory_space<vmem>>, vector<16xf32>,
    %add3A_439 = arith.addf %get3A_432, %get3A_438 : vector<16xf32>
    %get3A_440 = arith.constant 1 : i32
    %get3A_441 = arith.constant 0 : i32
    %get3A_442 = arith.index_cast %get3A_440 : i32 to index
    %get3A_443 = arith.index_cast %get3A_441 : i32 to index
    %get3A_444 = arith.constant 240 : index
    %get3A_445 = tpu.vector_load %arg5[%get3A_442, %get3A_443, %get3A_444] {strides = array<i32>} : memref<2x2x576xf32, #tpu.memory_space<vmem>>, vector<16xf32>,
    %mul3A_446 = arith.mulf %add3A_439, %get3A_445 : vector<16xf32>
    %add3A_447 = arith.addf %mul3A_446, %mul3A_446 : vector<16xf32>
    %exp3A_448 = math.exp %add3A_447 : vector<16xf32>
    %add3A_449 = arith.constant 1.000000e+00 : f32
    %add3A_450 = vector.broadcast %add3A_449 : f32 to vector<16xf32>
    %add3A_451 = arith.addf %exp3A_448, %add3A_450 : vector<16xf32>
    %div3A_452 = arith.constant 2.000000e+00 : f32
    %div3A_453 = vector.broadcast %div3A_452 : f32 to vector<16xf32>
    %div3A_454 = arith.divf %div3A_453, %add3A_451 : vector<16xf32>
    %sub3A_455 = arith.constant 1.000000e+00 : f32
    %sub3A_456 = vector.broadcast %sub3A_455 : f32 to vector<16xf32>
    %sub3A_457 = arith.subf %sub3A_456, %div3A_454 : vector<16xf32>
    %swap3A_458 = arith.constant 240 : index
    %swap3A_459 = tpu.vector_load %arg7[%swap3A_458] {strides = array<i32>} : memref<1152xf32, #tpu.memory_space<vmem>>, vector<16xf32>,
    tpu.vector_store %arg7[%swap3A_458], %sub3A_457 {strides = array<i32>} : memref<1152xf32, #tpu.memory_space<vmem>>, vector<16xf32>,
    %get3A_460 = arith.constant 256 : index
    %get3A_461 = tpu.vector_load %arg6[%get3A_460] {strides = array<i32>} : memref<1152xf32, #tpu.memory_space<vmem>>, vector<16xf32>,
    %get3A_462 = arith.constant 0 : i32
    %get3A_463 = arith.constant 0 : i32
    %get3A_464 = arith.index_cast %get3A_462 : i32 to index
    %get3A_465 = arith.index_cast %get3A_463 : i32 to index
    %get3A_466 = arith.constant 256 : index
    %get3A_467 = tpu.vector_load %arg5[%get3A_464, %get3A_465, %get3A_466] {strides = array<i32>} : memref<2x2x576xf32, #tpu.memory_space<vmem>>, vector<16xf32>,
    %add3A_468 = arith.addf %get3A_461, %get3A_467 : vector<16xf32>
    %get3A_469 = arith.constant 1 : i32
    %get3A_470 = arith.constant 0 : i32
    %get3A_471 = arith.index_cast %get3A_469 : i32 to index
    %get3A_472 = arith.index_cast %get3A_470 : i32 to index
    %get3A_473 = arith.constant 256 : index
    %get3A_474 = tpu.vector_load %arg5[%get3A_471, %get3A_472, %get3A_473] {strides = array<i32>} : memref<2x2x576xf32, #tpu.memory_space<vmem>>, vector<16xf32>,
    %mul3A_475 = arith.mulf %add3A_468, %get3A_474 : vector<16xf32>
    %add3A_476 = arith.addf %mul3A_475, %mul3A_475 : vector<16xf32>
    %exp3A_477 = math.exp %add3A_476 : vector<16xf32>
    %add3A_478 = arith.constant 1.000000e+00 : f32
    %add3A_479 = vector.broadcast %add3A_478 : f32 to vector<16xf32>
    %add3A_480 = arith.addf %exp3A_477, %add3A_479 : vector<16xf32>
    %div3A_481 = arith.constant 2.000000e+00 : f32
    %div3A_482 = vector.broadcast %div3A_481 : f32 to vector<16xf32>
    %div3A_483 = arith.divf %div3A_482, %add3A_480 : vector<16xf32>
    %sub3A_484 = arith.constant 1.000000e+00 : f32
    %sub3A_485 = vector.broadcast %sub3A_484 : f32 to vector<16xf32>
    %sub3A_486 = arith.subf %sub3A_485, %div3A_483 : vector<16xf32>
    %swap3A_487 = arith.constant 256 : index
    %swap3A_488 = tpu.vector_load %arg7[%swap3A_487] {strides = array<i32>} : memref<1152xf32, #tpu.memory_space<vmem>>, vector<16xf32>,
    tpu.vector_store %arg7[%swap3A_487], %sub3A_486 {strides = array<i32>} : memref<1152xf32, #tpu.memory_space<vmem>>, vector<16xf32>,
    %get3A_489 = arith.constant 272 : index
    %get3A_490 = tpu.vector_load %arg6[%get3A_489] {strides = array<i32>} : memref<1152xf32, #tpu.memory_space<vmem>>, vector<16xf32>,
    %get3A_491 = arith.constant 0 : i32
    %get3A_492 = arith.constant 0 : i32
    %get3A_493 = arith.index_cast %get3A_491 : i32 to index
    %get3A_494 = arith.index_cast %get3A_492 : i32 to index
    %get3A_495 = arith.constant 272 : index
    %get3A_496 = tpu.vector_load %arg5[%get3A_493, %get3A_494, %get3A_495] {strides = array<i32>} : memref<2x2x576xf32, #tpu.memory_space<vmem>>, vector<16xf32>,
    %add3A_497 = arith.addf %get3A_490, %get3A_496 : vector<16xf32>
    %get3A_498 = arith.constant 1 : i32
    %get3A_499 = arith.constant 0 : i32
    %get3A_500 = arith.index_cast %get3A_498 : i32 to index
    %get3A_501 = arith.index_cast %get3A_499 : i32 to index
    %get3A_502 = arith.constant 272 : index
    %get3A_503 = tpu.vector_load %arg5[%get3A_500, %get3A_501, %get3A_502] {strides = array<i32>} : memref<2x2x576xf32, #tpu.memory_space<vmem>>, vector<16xf32>,
    %mul3A_504 = arith.mulf %add3A_497, %get3A_503 : vector<16xf32>
    %add3A_505 = arith.addf %mul3A_504, %mul3A_504 : vector<16xf32>
    %exp3A_506 = math.exp %add3A_505 : vector<16xf32>
    %add3A_507 = arith.constant 1.000000e+00 : f32
    %add3A_508 = vector.broadcast %add3A_507 : f32 to vector<16xf32>
    %add3A_509 = arith.addf %exp3A_506, %add3A_508 : vector<16xf32>
    %div3A_510 = arith.constant 2.000000e+00 : f32
    %div3A_511 = vector.broadcast %div3A_510 : f32 to vector<16xf32>
    %div3A_512 = arith.divf %div3A_511, %add3A_509 : vector<16xf32>
    %sub3A_513 = arith.constant 1.000000e+00 : f32
    %sub3A_514 = vector.broadcast %sub3A_513 : f32 to vector<16xf32>
    %sub3A_515 = arith.subf %sub3A_514, %div3A_512 : vector<16xf32>
    %swap3A_516 = arith.constant 272 : index
    %swap3A_517 = tpu.vector_load %arg7[%swap3A_516] {strides = array<i32>} : memref<1152xf32, #tpu.memory_space<vmem>>, vector<16xf32>,
    tpu.vector_store %arg7[%swap3A_516], %sub3A_515 {strides = array<i32>} : memref<1152xf32, #tpu.memory_space<vmem>>, vector<16xf32>,
    %get3A_518 = arith.constant 288 : index
    %get3A_519 = tpu.vector_load %arg6[%get3A_518] {strides = array<i32>} : memref<1152xf32, #tpu.memory_space<vmem>>, vector<16xf32>,
    %get3A_520 = arith.constant 0 : i32
    %get3A_521 = arith.constant 0 : i32
    %get3A_522 = arith.index_cast %get3A_520 : i32 to index
    %get3A_523 = arith.index_cast %get3A_521 : i32 to index
    %get3A_524 = arith.constant 288 : index
    %get3A_525 = tpu.vector_load %arg5[%get3A_522, %get3A_523, %get3A_524] {strides = array<i32>} : memref<2x2x576xf32, #tpu.memory_space<vmem>>, vector<16xf32>,
    %add3A_526 = arith.addf %get3A_519, %get3A_525 : vector<16xf32>
    %get3A_527 = arith.constant 1 : i32
    %get3A_528 = arith.constant 0 : i32
    %get3A_529 = arith.index_cast %get3A_527 : i32 to index
    %get3A_530 = arith.index_cast %get3A_528 : i32 to index
    %get3A_531 = arith.constant 288 : index
    %get3A_532 = tpu.vector_load %arg5[%get3A_529, %get3A_530, %get3A_531] {strides = array<i32>} : memref<2x2x576xf32, #tpu.memory_space<vmem>>, vector<16xf32>,
    %mul3A_533 = arith.mulf %add3A_526, %get3A_532 : vector<16xf32>
    %add3A_534 = arith.addf %mul3A_533, %mul3A_533 : vector<16xf32>
    %exp3A_535 = math.exp %add3A_534 : vector<16xf32>
    %add3A_536 = arith.constant 1.000000e+00 : f32
    %add3A_537 = vector.broadcast %add3A_536 : f32 to vector<16xf32>
    %add3A_538 = arith.addf %exp3A_535, %add3A_537 : vector<16xf32>
    %div3A_539 = arith.constant 2.000000e+00 : f32
    %div3A_540 = vector.broadcast %div3A_539 : f32 to vector<16xf32>
    %div3A_541 = arith.divf %div3A_540, %add3A_538 : vector<16xf32>
    %sub3A_542 = arith.constant 1.000000e+00 : f32
    %sub3A_543 = vector.broadcast %sub3A_542 : f32 to vector<16xf32>
    %sub3A_544 = arith.subf %sub3A_543, %div3A_541 : vector<16xf32>
    %swap3A_545 = arith.constant 288 : index
    %swap3A_546 = tpu.vector_load %arg7[%swap3A_545] {strides = array<i32>} : memref<1152xf32, #tpu.memory_space<vmem>>, vector<16xf32>,
    tpu.vector_store %arg7[%swap3A_545], %sub3A_544 {strides = array<i32>} : memref<1152xf32, #tpu.memory_space<vmem>>, vector<16xf32>,
    %get3A_547 = arith.constant 304 : index
    %get3A_548 = tpu.vector_load %arg6[%get3A_547] {strides = array<i32>} : memref<1152xf32, #tpu.memory_space<vmem>>, vector<16xf32>,
    %get3A_549 = arith.constant 0 : i32
    %get3A_550 = arith.constant 0 : i32
    %get3A_551 = arith.index_cast %get3A_549 : i32 to index
    %get3A_552 = arith.index_cast %get3A_550 : i32 to index
    %get3A_553 = arith.constant 304 : index
    %get3A_554 = tpu.vector_load %arg5[%get3A_551, %get3A_552, %get3A_553] {strides = array<i32>} : memref<2x2x576xf32, #tpu.memory_space<vmem>>, vector<16xf32>,
    %add3A_555 = arith.addf %get3A_548, %get3A_554 : vector<16xf32>
    %get3A_556 = arith.constant 1 : i32
    %get3A_557 = arith.constant 0 : i32
    %get3A_558 = arith.index_cast %get3A_556 : i32 to index
    %get3A_559 = arith.index_cast %get3A_557 : i32 to index
    %get3A_560 = arith.constant 304 : index
    %get3A_561 = tpu.vector_load %arg5[%get3A_558, %get3A_559, %get3A_560] {strides = array<i32>} : memref<2x2x576xf32, #tpu.memory_space<vmem>>, vector<16xf32>,
    %mul3A_562 = arith.mulf %add3A_555, %get3A_561 : vector<16xf32>
    %add3A_563 = arith.addf %mul3A_562, %mul3A_562 : vector<16xf32>
    %exp3A_564 = math.exp %add3A_563 : vector<16xf32>
    %add3A_565 = arith.constant 1.000000e+00 : f32
    %add3A_566 = vector.broadcast %add3A_565 : f32 to vector<16xf32>
    %add3A_567 = arith.addf %exp3A_564, %add3A_566 : vector<16xf32>
    %div3A_568 = arith.constant 2.000000e+00 : f32
    %div3A_569 = vector.broadcast %div3A_568 : f32 to vector<16xf32>
    %div3A_570 = arith.divf %div3A_569, %add3A_567 : vector<16xf32>
    %sub3A_571 = arith.constant 1.000000e+00 : f32
    %sub3A_572 = vector.broadcast %sub3A_571 : f32 to vector<16xf32>
    %sub3A_573 = arith.subf %sub3A_572, %div3A_570 : vector<16xf32>
    %swap3A_574 = arith.constant 304 : index
    %swap3A_575 = tpu.vector_load %arg7[%swap3A_574] {strides = array<i32>} : memref<1152xf32, #tpu.memory_space<vmem>>, vector<16xf32>,
    tpu.vector_store %arg7[%swap3A_574], %sub3A_573 {strides = array<i32>} : memref<1152xf32, #tpu.memory_space<vmem>>, vector<16xf32>,
    %get3A_576 = arith.constant 320 : index
    %get3A_577 = tpu.vector_load %arg6[%get3A_576] {strides = array<i32>} : memref<1152xf32, #tpu.memory_space<vmem>>, vector<16xf32>,
    %get3A_578 = arith.constant 0 : i32
    %get3A_579 = arith.constant 0 : i32
    %get3A_580 = arith.index_cast %get3A_578 : i32 to index
    %get3A_581 = arith.index_cast %get3A_579 : i32 to index
    %get3A_582 = arith.constant 320 : index
    %get3A_583 = tpu.vector_load %arg5[%get3A_580, %get3A_581, %get3A_582] {strides = array<i32>} : memref<2x2x576xf32, #tpu.memory_space<vmem>>, vector<16xf32>,
    %add3A_584 = arith.addf %get3A_577, %get3A_583 : vector<16xf32>
    %get3A_585 = arith.constant 1 : i32
    %get3A_586 = arith.constant 0 : i32
    %get3A_587 = arith.index_cast %get3A_585 : i32 to index
    %get3A_588 = arith.index_cast %get3A_586 : i32 to index
    %get3A_589 = arith.constant 320 : index
    %get3A_590 = tpu.vector_load %arg5[%get3A_587, %get3A_588, %get3A_589] {strides = array<i32>} : memref<2x2x576xf32, #tpu.memory_space<vmem>>, vector<16xf32>,
    %mul3A_591 = arith.mulf %add3A_584, %get3A_590 : vector<16xf32>
    %add3A_592 = arith.addf %mul3A_591, %mul3A_591 : vector<16xf32>
    %exp3A_593 = math.exp %add3A_592 : vector<16xf32>
    %add3A_594 = arith.constant 1.000000e+00 : f32
    %add3A_595 = vector.broadcast %add3A_594 : f32 to vector<16xf32>
    %add3A_596 = arith.addf %exp3A_593, %add3A_595 : vector<16xf32>
    %div3A_597 = arith.constant 2.000000e+00 : f32
    %div3A_598 = vector.broadcast %div3A_597 : f32 to vector<16xf32>
    %div3A_599 = arith.divf %div3A_598, %add3A_596 : vector<16xf32>
    %sub3A_600 = arith.constant 1.000000e+00 : f32
    %sub3A_601 = vector.broadcast %sub3A_600 : f32 to vector<16xf32>
    %sub3A_602 = arith.subf %sub3A_601, %div3A_599 : vector<16xf32>
    %swap3A_603 = arith.constant 320 : index
    %swap3A_604 = tpu.vector_load %arg7[%swap3A_603] {strides = array<i32>} : memref<1152xf32, #tpu.memory_space<vmem>>, vector<16xf32>,
    tpu.vector_store %arg7[%swap3A_603], %sub3A_602 {strides = array<i32>} : memref<1152xf32, #tpu.memory_space<vmem>>, vector<16xf32>,
    %get3A_605 = arith.constant 336 : index
    %get3A_606 = tpu.vector_load %arg6[%get3A_605] {strides = array<i32>} : memref<1152xf32, #tpu.memory_space<vmem>>, vector<16xf32>,
    %get3A_607 = arith.constant 0 : i32
    %get3A_608 = arith.constant 0 : i32
    %get3A_609 = arith.index_cast %get3A_607 : i32 to index
    %get3A_610 = arith.index_cast %get3A_608 : i32 to index
    %get3A_611 = arith.constant 336 : index
    %get3A_612 = tpu.vector_load %arg5[%get3A_609, %get3A_610, %get3A_611] {strides = array<i32>} : memref<2x2x576xf32, #tpu.memory_space<vmem>>, vector<16xf32>,
    %add3A_613 = arith.addf %get3A_606, %get3A_612 : vector<16xf32>
    %get3A_614 = arith.constant 1 : i32
    %get3A_615 = arith.constant 0 : i32
    %get3A_616 = arith.index_cast %get3A_614 : i32 to index
    %get3A_617 = arith.index_cast %get3A_615 : i32 to index
    %get3A_618 = arith.constant 336 : index
    %get3A_619 = tpu.vector_load %arg5[%get3A_616, %get3A_617, %get3A_618] {strides = array<i32>} : memref<2x2x576xf32, #tpu.memory_space<vmem>>, vector<16xf32>,
    %mul3A_620 = arith.mulf %add3A_613, %get3A_619 : vector<16xf32>
    %add3A_621 = arith.addf %mul3A_620, %mul3A_620 : vector<16xf32>
    %exp3A_622 = math.exp %add3A_621 : vector<16xf32>
    %add3A_623 = arith.constant 1.000000e+00 : f32
    %add3A_624 = vector.broadcast %add3A_623 : f32 to vector<16xf32>
    %add3A_625 = arith.addf %exp3A_622, %add3A_624 : vector<16xf32>
    %div3A_626 = arith.constant 2.000000e+00 : f32
    %div3A_627 = vector.broadcast %div3A_626 : f32 to vector<16xf32>
    %div3A_628 = arith.divf %div3A_627, %add3A_625 : vector<16xf32>
    %sub3A_629 = arith.constant 1.000000e+00 : f32
    %sub3A_630 = vector.broadcast %sub3A_629 : f32 to vector<16xf32>
    %sub3A_631 = arith.subf %sub3A_630, %div3A_628 : vector<16xf32>
    %swap3A_632 = arith.constant 336 : index
    %swap3A_633 = tpu.vector_load %arg7[%swap3A_632] {strides = array<i32>} : memref<1152xf32, #tpu.memory_space<vmem>>, vector<16xf32>,
    tpu.vector_store %arg7[%swap3A_632], %sub3A_631 {strides = array<i32>} : memref<1152xf32, #tpu.memory_space<vmem>>, vector<16xf32>,
    %get3A_634 = arith.constant 352 : index
    %get3A_635 = tpu.vector_load %arg6[%get3A_634] {strides = array<i32>} : memref<1152xf32, #tpu.memory_space<vmem>>, vector<16xf32>,
    %get3A_636 = arith.constant 0 : i32
    %get3A_637 = arith.constant 0 : i32
    %get3A_638 = arith.index_cast %get3A_636 : i32 to index
    %get3A_639 = arith.index_cast %get3A_637 : i32 to index
    %get3A_640 = arith.constant 352 : index
    %get3A_641 = tpu.vector_load %arg5[%get3A_638, %get3A_639, %get3A_640] {strides = array<i32>} : memref<2x2x576xf32, #tpu.memory_space<vmem>>, vector<16xf32>,
    %add3A_642 = arith.addf %get3A_635, %get3A_641 : vector<16xf32>
    %get3A_643 = arith.constant 1 : i32
    %get3A_644 = arith.constant 0 : i32
    %get3A_645 = arith.index_cast %get3A_643 : i32 to index
    %get3A_646 = arith.index_cast %get3A_644 : i32 to index
    %get3A_647 = arith.constant 352 : index
    %get3A_648 = tpu.vector_load %arg5[%get3A_645, %get3A_646, %get3A_647] {strides = array<i32>} : memref<2x2x576xf32, #tpu.memory_space<vmem>>, vector<16xf32>,
    %mul3A_649 = arith.mulf %add3A_642, %get3A_648 : vector<16xf32>
    %add3A_650 = arith.addf %mul3A_649, %mul3A_649 : vector<16xf32>
    %exp3A_651 = math.exp %add3A_650 : vector<16xf32>
    %add3A_652 = arith.constant 1.000000e+00 : f32
    %add3A_653 = vector.broadcast %add3A_652 : f32 to vector<16xf32>
    %add3A_654 = arith.addf %exp3A_651, %add3A_653 : vector<16xf32>
    %div3A_655 = arith.constant 2.000000e+00 : f32
    %div3A_656 = vector.broadcast %div3A_655 : f32 to vector<16xf32>
    %div3A_657 = arith.divf %div3A_656, %add3A_654 : vector<16xf32>
    %sub3A_658 = arith.constant 1.000000e+00 : f32
    %sub3A_659 = vector.broadcast %sub3A_658 : f32 to vector<16xf32>
    %sub3A_660 = arith.subf %sub3A_659, %div3A_657 : vector<16xf32>
    %swap3A_661 = arith.constant 352 : index
    %swap3A_662 = tpu.vector_load %arg7[%swap3A_661] {strides = array<i32>} : memref<1152xf32, #tpu.memory_space<vmem>>, vector<16xf32>,
    tpu.vector_store %arg7[%swap3A_661], %sub3A_660 {strides = array<i32>} : memref<1152xf32, #tpu.memory_space<vmem>>, vector<16xf32>,
    %get3A_663 = arith.constant 368 : index
    %get3A_664 = tpu.vector_load %arg6[%get3A_663] {strides = array<i32>} : memref<1152xf32, #tpu.memory_space<vmem>>, vector<16xf32>,
    %get3A_665 = arith.constant 0 : i32
    %get3A_666 = arith.constant 0 : i32
    %get3A_667 = arith.index_cast %get3A_665 : i32 to index
    %get3A_668 = arith.index_cast %get3A_666 : i32 to index
    %get3A_669 = arith.constant 368 : index
    %get3A_670 = tpu.vector_load %arg5[%get3A_667, %get3A_668, %get3A_669] {strides = array<i32>} : memref<2x2x576xf32, #tpu.memory_space<vmem>>, vector<16xf32>,
    %add3A_671 = arith.addf %get3A_664, %get3A_670 : vector<16xf32>
    %get3A_672 = arith.constant 1 : i32
    %get3A_673 = arith.constant 0 : i32
    %get3A_674 = arith.index_cast %get3A_672 : i32 to index
    %get3A_675 = arith.index_cast %get3A_673 : i32 to index
    %get3A_676 = arith.constant 368 : index
    %get3A_677 = tpu.vector_load %arg5[%get3A_674, %get3A_675, %get3A_676] {strides = array<i32>} : memref<2x2x576xf32, #tpu.memory_space<vmem>>, vector<16xf32>,
    %mul3A_678 = arith.mulf %add3A_671, %get3A_677 : vector<16xf32>
    %add3A_679 = arith.addf %mul3A_678, %mul3A_678 : vector<16xf32>
    %exp3A_680 = math.exp %add3A_679 : vector<16xf32>
    %add3A_681 = arith.constant 1.000000e+00 : f32
    %add3A_682 = vector.broadcast %add3A_681 : f32 to vector<16xf32>
    %add3A_683 = arith.addf %exp3A_680, %add3A_682 : vector<16xf32>
    %div3A_684 = arith.constant 2.000000e+00 : f32
    %div3A_685 = vector.broadcast %div3A_684 : f32 to vector<16xf32>
    %div3A_686 = arith.divf %div3A_685, %add3A_683 : vector<16xf32>
    %sub3A_687 = arith.constant 1.000000e+00 : f32
    %sub3A_688 = vector.broadcast %sub3A_687 : f32 to vector<16xf32>
    %sub3A_689 = arith.subf %sub3A_688, %div3A_686 : vector<16xf32>
    %swap3A_690 = arith.constant 368 : index
    %swap3A_691 = tpu.vector_load %arg7[%swap3A_690] {strides = array<i32>} : memref<1152xf32, #tpu.memory_space<vmem>>, vector<16xf32>,
    tpu.vector_store %arg7[%swap3A_690], %sub3A_689 {strides = array<i32>} : memref<1152xf32, #tpu.memory_space<vmem>>, vector<16xf32>,
    %get3A_692 = arith.constant 384 : index
    %get3A_693 = tpu.vector_load %arg6[%get3A_692] {strides = array<i32>} : memref<1152xf32, #tpu.memory_space<vmem>>, vector<16xf32>,
    %get3A_694 = arith.constant 0 : i32
    %get3A_695 = arith.constant 0 : i32
    %get3A_696 = arith.index_cast %get3A_694 : i32 to index
    %get3A_697 = arith.index_cast %get3A_695 : i32 to index
    %get3A_698 = arith.constant 384 : index
    %get3A_699 = tpu.vector_load %arg5[%get3A_696, %get3A_697, %get3A_698] {strides = array<i32>} : memref<2x2x576xf32, #tpu.memory_space<vmem>>, vector<16xf32>,
    %add3A_700 = arith.addf %get3A_693, %get3A_699 : vector<16xf32>
    %get3A_701 = arith.constant 1 : i32
    %get3A_702 = arith.constant 0 : i32
    %get3A_703 = arith.index_cast %get3A_701 : i32 to index
    %get3A_704 = arith.index_cast %get3A_702 : i32 to index
    %get3A_705 = arith.constant 384 : index
    %get3A_706 = tpu.vector_load %arg5[%get3A_703, %get3A_704, %get3A_705] {strides = array<i32>} : memref<2x2x576xf32, #tpu.memory_space<vmem>>, vector<16xf32>,
    %mul3A_707 = arith.mulf %add3A_700, %get3A_706 : vector<16xf32>
    %add3A_708 = arith.addf %mul3A_707, %mul3A_707 : vector<16xf32>
    %exp3A_709 = math.exp %add3A_708 : vector<16xf32>
    %add3A_710 = arith.constant 1.000000e+00 : f32
    %add3A_711 = vector.broadcast %add3A_710 : f32 to vector<16xf32>
    %add3A_712 = arith.addf %exp3A_709, %add3A_711 : vector<16xf32>
    %div3A_713 = arith.constant 2.000000e+00 : f32
    %div3A_714 = vector.broadcast %div3A_713 : f32 to vector<16xf32>
    %div3A_715 = arith.divf %div3A_714, %add3A_712 : vector<16xf32>
    %sub3A_716 = arith.constant 1.000000e+00 : f32
    %sub3A_717 = vector.broadcast %sub3A_716 : f32 to vector<16xf32>
    %sub3A_718 = arith.subf %sub3A_717, %div3A_715 : vector<16xf32>
    %swap3A_719 = arith.constant 384 : index
    %swap3A_720 = tpu.vector_load %arg7[%swap3A_719] {strides = array<i32>} : memref<1152xf32, #tpu.memory_space<vmem>>, vector<16xf32>,
    tpu.vector_store %arg7[%swap3A_719], %sub3A_718 {strides = array<i32>} : memref<1152xf32, #tpu.memory_space<vmem>>, vector<16xf32>,
    %get3A_721 = arith.constant 400 : index
    %get3A_722 = tpu.vector_load %arg6[%get3A_721] {strides = array<i32>} : memref<1152xf32, #tpu.memory_space<vmem>>, vector<16xf32>,
    %get3A_723 = arith.constant 0 : i32
    %get3A_724 = arith.constant 0 : i32
    %get3A_725 = arith.index_cast %get3A_723 : i32 to index
    %get3A_726 = arith.index_cast %get3A_724 : i32 to index
    %get3A_727 = arith.constant 400 : index
    %get3A_728 = tpu.vector_load %arg5[%get3A_725, %get3A_726, %get3A_727] {strides = array<i32>} : memref<2x2x576xf32, #tpu.memory_space<vmem>>, vector<16xf32>,
    %add3A_729 = arith.addf %get3A_722, %get3A_728 : vector<16xf32>
    %get3A_730 = arith.constant 1 : i32
    %get3A_731 = arith.constant 0 : i32
    %get3A_732 = arith.index_cast %get3A_730 : i32 to index
    %get3A_733 = arith.index_cast %get3A_731 : i32 to index
    %get3A_734 = arith.constant 400 : index
    %get3A_735 = tpu.vector_load %arg5[%get3A_732, %get3A_733, %get3A_734] {strides = array<i32>} : memref<2x2x576xf32, #tpu.memory_space<vmem>>, vector<16xf32>,
    %mul3A_736 = arith.mulf %add3A_729, %get3A_735 : vector<16xf32>
    %add3A_737 = arith.addf %mul3A_736, %mul3A_736 : vector<16xf32>
    %exp3A_738 = math.exp %add3A_737 : vector<16xf32>
    %add3A_739 = arith.constant 1.000000e+00 : f32
    %add3A_740 = vector.broadcast %add3A_739 : f32 to vector<16xf32>
    %add3A_741 = arith.addf %exp3A_738, %add3A_740 : vector<16xf32>
    %div3A_742 = arith.constant 2.000000e+00 : f32
    %div3A_743 = vector.broadcast %div3A_742 : f32 to vector<16xf32>
    %div3A_744 = arith.divf %div3A_743, %add3A_741 : vector<16xf32>
    %sub3A_745 = arith.constant 1.000000e+00 : f32
    %sub3A_746 = vector.broadcast %sub3A_745 : f32 to vector<16xf32>
    %sub3A_747 = arith.subf %sub3A_746, %div3A_744 : vector<16xf32>
    %swap3A_748 = arith.constant 400 : index
    %swap3A_749 = tpu.vector_load %arg7[%swap3A_748] {strides = array<i32>} : memref<1152xf32, #tpu.memory_space<vmem>>, vector<16xf32>,
    tpu.vector_store %arg7[%swap3A_748], %sub3A_747 {strides = array<i32>} : memref<1152xf32, #tpu.memory_space<vmem>>, vector<16xf32>,
    %get3A_750 = arith.constant 416 : index
    %get3A_751 = tpu.vector_load %arg6[%get3A_750] {strides = array<i32>} : memref<1152xf32, #tpu.memory_space<vmem>>, vector<16xf32>,
    %get3A_752 = arith.constant 0 : i32
    %get3A_753 = arith.constant 0 : i32
    %get3A_754 = arith.index_cast %get3A_752 : i32 to index
    %get3A_755 = arith.index_cast %get3A_753 : i32 to index
    %get3A_756 = arith.constant 416 : index
    %get3A_757 = tpu.vector_load %arg5[%get3A_754, %get3A_755, %get3A_756] {strides = array<i32>} : memref<2x2x576xf32, #tpu.memory_space<vmem>>, vector<16xf32>,
    %add3A_758 = arith.addf %get3A_751, %get3A_757 : vector<16xf32>
    %get3A_759 = arith.constant 1 : i32
    %get3A_760 = arith.constant 0 : i32
    %get3A_761 = arith.index_cast %get3A_759 : i32 to index
    %get3A_762 = arith.index_cast %get3A_760 : i32 to index
    %get3A_763 = arith.constant 416 : index
    %get3A_764 = tpu.vector_load %arg5[%get3A_761, %get3A_762, %get3A_763] {strides = array<i32>} : memref<2x2x576xf32, #tpu.memory_space<vmem>>, vector<16xf32>,
    %mul3A_765 = arith.mulf %add3A_758, %get3A_764 : vector<16xf32>
    %add3A_766 = arith.addf %mul3A_765, %mul3A_765 : vector<16xf32>
    %exp3A_767 = math.exp %add3A_766 : vector<16xf32>
    %add3A_768 = arith.constant 1.000000e+00 : f32
    %add3A_769 = vector.broadcast %add3A_768 : f32 to vector<16xf32>
    %add3A_770 = arith.addf %exp3A_767, %add3A_769 : vector<16xf32>
    %div3A_771 = arith.constant 2.000000e+00 : f32
    %div3A_772 = vector.broadcast %div3A_771 : f32 to vector<16xf32>
    %div3A_773 = arith.divf %div3A_772, %add3A_770 : vector<16xf32>
    %sub3A_774 = arith.constant 1.000000e+00 : f32
    %sub3A_775 = vector.broadcast %sub3A_774 : f32 to vector<16xf32>
    %sub3A_776 = arith.subf %sub3A_775, %div3A_773 : vector<16xf32>
    %swap3A_777 = arith.constant 416 : index
    %swap3A_778 = tpu.vector_load %arg7[%swap3A_777] {strides = array<i32>} : memref<1152xf32, #tpu.memory_space<vmem>>, vector<16xf32>,
    tpu.vector_store %arg7[%swap3A_777], %sub3A_776 {strides = array<i32>} : memref<1152xf32, #tpu.memory_space<vmem>>, vector<16xf32>,
    %get3A_779 = arith.constant 432 : index
    %get3A_780 = tpu.vector_load %arg6[%get3A_779] {strides = array<i32>} : memref<1152xf32, #tpu.memory_space<vmem>>, vector<16xf32>,
    %get3A_781 = arith.constant 0 : i32
    %get3A_782 = arith.constant 0 : i32
    %get3A_783 = arith.index_cast %get3A_781 : i32 to index
    %get3A_784 = arith.index_cast %get3A_782 : i32 to index
    %get3A_785 = arith.constant 432 : index
    %get3A_786 = tpu.vector_load %arg5[%get3A_783, %get3A_784, %get3A_785] {strides = array<i32>} : memref<2x2x576xf32, #tpu.memory_space<vmem>>, vector<16xf32>,
    %add3A_787 = arith.addf %get3A_780, %get3A_786 : vector<16xf32>
    %get3A_788 = arith.constant 1 : i32
    %get3A_789 = arith.constant 0 : i32
    %get3A_790 = arith.index_cast %get3A_788 : i32 to index
    %get3A_791 = arith.index_cast %get3A_789 : i32 to index
    %get3A_792 = arith.constant 432 : index
    %get3A_793 = tpu.vector_load %arg5[%get3A_790, %get3A_791, %get3A_792] {strides = array<i32>} : memref<2x2x576xf32, #tpu.memory_space<vmem>>, vector<16xf32>,
    %mul3A_794 = arith.mulf %add3A_787, %get3A_793 : vector<16xf32>
    %add3A_795 = arith.addf %mul3A_794, %mul3A_794 : vector<16xf32>
    %exp3A_796 = math.exp %add3A_795 : vector<16xf32>
    %add3A_797 = arith.constant 1.000000e+00 : f32
    %add3A_798 = vector.broadcast %add3A_797 : f32 to vector<16xf32>
    %add3A_799 = arith.addf %exp3A_796, %add3A_798 : vector<16xf32>
    %div3A_800 = arith.constant 2.000000e+00 : f32
    %div3A_801 = vector.broadcast %div3A_800 : f32 to vector<16xf32>
    %div3A_802 = arith.divf %div3A_801, %add3A_799 : vector<16xf32>
    %sub3A_803 = arith.constant 1.000000e+00 : f32
    %sub3A_804 = vector.broadcast %sub3A_803 : f32 to vector<16xf32>
    %sub3A_805 = arith.subf %sub3A_804, %div3A_802 : vector<16xf32>
    %swap3A_806 = arith.constant 432 : index
    %swap3A_807 = tpu.vector_load %arg7[%swap3A_806] {strides = array<i32>} : memref<1152xf32, #tpu.memory_space<vmem>>, vector<16xf32>,
    tpu.vector_store %arg7[%swap3A_806], %sub3A_805 {strides = array<i32>} : memref<1152xf32, #tpu.memory_space<vmem>>, vector<16xf32>,
    %get3A_808 = arith.constant 448 : index
    %get3A_809 = tpu.vector_load %arg6[%get3A_808] {strides = array<i32>} : memref<1152xf32, #tpu.memory_space<vmem>>, vector<16xf32>,
    %get3A_810 = arith.constant 0 : i32
    %get3A_811 = arith.constant 0 : i32
    %get3A_812 = arith.index_cast %get3A_810 : i32 to index
    %get3A_813 = arith.index_cast %get3A_811 : i32 to index
    %get3A_814 = arith.constant 448 : index
    %get3A_815 = tpu.vector_load %arg5[%get3A_812, %get3A_813, %get3A_814] {strides = array<i32>} : memref<2x2x576xf32, #tpu.memory_space<vmem>>, vector<16xf32>,
    %add3A_816 = arith.addf %get3A_809, %get3A_815 : vector<16xf32>
    %get3A_817 = arith.constant 1 : i32
    %get3A_818 = arith.constant 0 : i32
    %get3A_819 = arith.index_cast %get3A_817 : i32 to index
    %get3A_820 = arith.index_cast %get3A_818 : i32 to index
    %get3A_821 = arith.constant 448 : index
    %get3A_822 = tpu.vector_load %arg5[%get3A_819, %get3A_820, %get3A_821] {strides = array<i32>} : memref<2x2x576xf32, #tpu.memory_space<vmem>>, vector<16xf32>,
    %mul3A_823 = arith.mulf %add3A_816, %get3A_822 : vector<16xf32>
    %add3A_824 = arith.addf %mul3A_823, %mul3A_823 : vector<16xf32>
    %exp3A_825 = math.exp %add3A_824 : vector<16xf32>
    %add3A_826 = arith.constant 1.000000e+00 : f32
    %add3A_827 = vector.broadcast %add3A_826 : f32 to vector<16xf32>
    %add3A_828 = arith.addf %exp3A_825, %add3A_827 : vector<16xf32>
    %div3A_829 = arith.constant 2.000000e+00 : f32
    %div3A_830 = vector.broadcast %div3A_829 : f32 to vector<16xf32>
    %div3A_831 = arith.divf %div3A_830, %add3A_828 : vector<16xf32>
    %sub3A_832 = arith.constant 1.000000e+00 : f32
    %sub3A_833 = vector.broadcast %sub3A_832 : f32 to vector<16xf32>
    %sub3A_834 = arith.subf %sub3A_833, %div3A_831 : vector<16xf32>
    %swap3A_835 = arith.constant 448 : index
    %swap3A_836 = tpu.vector_load %arg7[%swap3A_835] {strides = array<i32>} : memref<1152xf32, #tpu.memory_space<vmem>>, vector<16xf32>,
    tpu.vector_store %arg7[%swap3A_835], %sub3A_834 {strides = array<i32>} : memref<1152xf32, #tpu.memory_space<vmem>>, vector<16xf32>,
    %get3A_837 = arith.constant 464 : index
    %get3A_838 = tpu.vector_load %arg6[%get3A_837] {strides = array<i32>} : memref<1152xf32, #tpu.memory_space<vmem>>, vector<16xf32>,
    %get3A_839 = arith.constant 0 : i32
    %get3A_840 = arith.constant 0 : i32
    %get3A_841 = arith.index_cast %get3A_839 : i32 to index
    %get3A_842 = arith.index_cast %get3A_840 : i32 to index
    %get3A_843 = arith.constant 464 : index
    %get3A_844 = tpu.vector_load %arg5[%get3A_841, %get3A_842, %get3A_843] {strides = array<i32>} : memref<2x2x576xf32, #tpu.memory_space<vmem>>, vector<16xf32>,
    %add3A_845 = arith.addf %get3A_838, %get3A_844 : vector<16xf32>
    %get3A_846 = arith.constant 1 : i32
    %get3A_847 = arith.constant 0 : i32
    %get3A_848 = arith.index_cast %get3A_846 : i32 to index
    %get3A_849 = arith.index_cast %get3A_847 : i32 to index
    %get3A_850 = arith.constant 464 : index
    %get3A_851 = tpu.vector_load %arg5[%get3A_848, %get3A_849, %get3A_850] {strides = array<i32>} : memref<2x2x576xf32, #tpu.memory_space<vmem>>, vector<16xf32>,
    %mul3A_852 = arith.mulf %add3A_845, %get3A_851 : vector<16xf32>
    %add3A_853 = arith.addf %mul3A_852, %mul3A_852 : vector<16xf32>
    %exp3A_854 = math.exp %add3A_853 : vector<16xf32>
    %add3A_855 = arith.constant 1.000000e+00 : f32
    %add3A_856 = vector.broadcast %add3A_855 : f32 to vector<16xf32>
    %add3A_857 = arith.addf %exp3A_854, %add3A_856 : vector<16xf32>
    %div3A_858 = arith.constant 2.000000e+00 : f32
    %div3A_859 = vector.broadcast %div3A_858 : f32 to vector<16xf32>
    %div3A_860 = arith.divf %div3A_859, %add3A_857 : vector<16xf32>
    %sub3A_861 = arith.constant 1.000000e+00 : f32
    %sub3A_862 = vector.broadcast %sub3A_861 : f32 to vector<16xf32>
    %sub3A_863 = arith.subf %sub3A_862, %div3A_860 : vector<16xf32>
    %swap3A_864 = arith.constant 464 : index
    %swap3A_865 = tpu.vector_load %arg7[%swap3A_864] {strides = array<i32>} : memref<1152xf32, #tpu.memory_space<vmem>>, vector<16xf32>,
    tpu.vector_store %arg7[%swap3A_864], %sub3A_863 {strides = array<i32>} : memref<1152xf32, #tpu.memory_space<vmem>>, vector<16xf32>,
    %get3A_866 = arith.constant 480 : index
    %get3A_867 = tpu.vector_load %arg6[%get3A_866] {strides = array<i32>} : memref<1152xf32, #tpu.memory_space<vmem>>, vector<16xf32>,
    %get3A_868 = arith.constant 0 : i32
    %get3A_869 = arith.constant 0 : i32
    %get3A_870 = arith.index_cast %get3A_868 : i32 to index
    %get3A_871 = arith.index_cast %get3A_869 : i32 to index
    %get3A_872 = arith.constant 480 : index
    %get3A_873 = tpu.vector_load %arg5[%get3A_870, %get3A_871, %get3A_872] {strides = array<i32>} : memref<2x2x576xf32, #tpu.memory_space<vmem>>, vector<16xf32>,
    %add3A_874 = arith.addf %get3A_867, %get3A_873 : vector<16xf32>
    %get3A_875 = arith.constant 1 : i32
    %get3A_876 = arith.constant 0 : i32
    %get3A_877 = arith.index_cast %get3A_875 : i32 to index
    %get3A_878 = arith.index_cast %get3A_876 : i32 to index
    %get3A_879 = arith.constant 480 : index
    %get3A_880 = tpu.vector_load %arg5[%get3A_877, %get3A_878, %get3A_879] {strides = array<i32>} : memref<2x2x576xf32, #tpu.memory_space<vmem>>, vector<16xf32>,
    %mul3A_881 = arith.mulf %add3A_874, %get3A_880 : vector<16xf32>
    %add3A_882 = arith.addf %mul3A_881, %mul3A_881 : vector<16xf32>
    %exp3A_883 = math.exp %add3A_882 : vector<16xf32>
    %add3A_884 = arith.constant 1.000000e+00 : f32
    %add3A_885 = vector.broadcast %add3A_884 : f32 to vector<16xf32>
    %add3A_886 = arith.addf %exp3A_883, %add3A_885 : vector<16xf32>
    %div3A_887 = arith.constant 2.000000e+00 : f32
    %div3A_888 = vector.broadcast %div3A_887 : f32 to vector<16xf32>
    %div3A_889 = arith.divf %div3A_888, %add3A_886 : vector<16xf32>
    %sub3A_890 = arith.constant 1.000000e+00 : f32
    %sub3A_891 = vector.broadcast %sub3A_890 : f32 to vector<16xf32>
    %sub3A_892 = arith.subf %sub3A_891, %div3A_889 : vector<16xf32>
    %swap3A_893 = arith.constant 480 : index
    %swap3A_894 = tpu.vector_load %arg7[%swap3A_893] {strides = array<i32>} : memref<1152xf32, #tpu.memory_space<vmem>>, vector<16xf32>,
    tpu.vector_store %arg7[%swap3A_893], %sub3A_892 {strides = array<i32>} : memref<1152xf32, #tpu.memory_space<vmem>>, vector<16xf32>,
    %get3A_895 = arith.constant 496 : index
    %get3A_896 = tpu.vector_load %arg6[%get3A_895] {strides = array<i32>} : memref<1152xf32, #tpu.memory_space<vmem>>, vector<16xf32>,
    %get3A_897 = arith.constant 0 : i32
    %get3A_898 = arith.constant 0 : i32
    %get3A_899 = arith.index_cast %get3A_897 : i32 to index
    %get3A_900 = arith.index_cast %get3A_898 : i32 to index
    %get3A_901 = arith.constant 496 : index
    %get3A_902 = tpu.vector_load %arg5[%get3A_899, %get3A_900, %get3A_901] {strides = array<i32>} : memref<2x2x576xf32, #tpu.memory_space<vmem>>, vector<16xf32>,
    %add3A_903 = arith.addf %get3A_896, %get3A_902 : vector<16xf32>
    %get3A_904 = arith.constant 1 : i32
    %get3A_905 = arith.constant 0 : i32
    %get3A_906 = arith.index_cast %get3A_904 : i32 to index
    %get3A_907 = arith.index_cast %get3A_905 : i32 to index
    %get3A_908 = arith.constant 496 : index
    %get3A_909 = tpu.vector_load %arg5[%get3A_906, %get3A_907, %get3A_908] {strides = array<i32>} : memref<2x2x576xf32, #tpu.memory_space<vmem>>, vector<16xf32>,
    %mul3A_910 = arith.mulf %add3A_903, %get3A_909 : vector<16xf32>
    %add3A_911 = arith.addf %mul3A_910, %mul3A_910 : vector<16xf32>
    %exp3A_912 = math.exp %add3A_911 : vector<16xf32>
    %add3A_913 = arith.constant 1.000000e+00 : f32
    %add3A_914 = vector.broadcast %add3A_913 : f32 to vector<16xf32>
    %add3A_915 = arith.addf %exp3A_912, %add3A_914 : vector<16xf32>
    %div3A_916 = arith.constant 2.000000e+00 : f32
    %div3A_917 = vector.broadcast %div3A_916 : f32 to vector<16xf32>
    %div3A_918 = arith.divf %div3A_917, %add3A_915 : vector<16xf32>
    %sub3A_919 = arith.constant 1.000000e+00 : f32
    %sub3A_920 = vector.broadcast %sub3A_919 : f32 to vector<16xf32>
    %sub3A_921 = arith.subf %sub3A_920, %div3A_918 : vector<16xf32>
    %swap3A_922 = arith.constant 496 : index
    %swap3A_923 = tpu.vector_load %arg7[%swap3A_922] {strides = array<i32>} : memref<1152xf32, #tpu.memory_space<vmem>>, vector<16xf32>,
    tpu.vector_store %arg7[%swap3A_922], %sub3A_921 {strides = array<i32>} : memref<1152xf32, #tpu.memory_space<vmem>>, vector<16xf32>,
    %get3A_924 = arith.constant 512 : index
    %get3A_925 = tpu.vector_load %arg6[%get3A_924] {strides = array<i32>} : memref<1152xf32, #tpu.memory_space<vmem>>, vector<16xf32>,
    %get3A_926 = arith.constant 0 : i32
    %get3A_927 = arith.constant 0 : i32
    %get3A_928 = arith.index_cast %get3A_926 : i32 to index
    %get3A_929 = arith.index_cast %get3A_927 : i32 to index
    %get3A_930 = arith.constant 512 : index
    %get3A_931 = tpu.vector_load %arg5[%get3A_928, %get3A_929, %get3A_930] {strides = array<i32>} : memref<2x2x576xf32, #tpu.memory_space<vmem>>, vector<16xf32>,
    %add3A_932 = arith.addf %get3A_925, %get3A_931 : vector<16xf32>
    %get3A_933 = arith.constant 1 : i32
    %get3A_934 = arith.constant 0 : i32
    %get3A_935 = arith.index_cast %get3A_933 : i32 to index
    %get3A_936 = arith.index_cast %get3A_934 : i32 to index
    %get3A_937 = arith.constant 512 : index
    %get3A_938 = tpu.vector_load %arg5[%get3A_935, %get3A_936, %get3A_937] {strides = array<i32>} : memref<2x2x576xf32, #tpu.memory_space<vmem>>, vector<16xf32>,
    %mul3A_939 = arith.mulf %add3A_932, %get3A_938 : vector<16xf32>
    %add3A_940 = arith.addf %mul3A_939, %mul3A_939 : vector<16xf32>
    %exp3A_941 = math.exp %add3A_940 : vector<16xf32>
    %add3A_942 = arith.constant 1.000000e+00 : f32
    %add3A_943 = vector.broadcast %add3A_942 : f32 to vector<16xf32>
    %add3A_944 = arith.addf %exp3A_941, %add3A_943 : vector<16xf32>
    %div3A_945 = arith.constant 2.000000e+00 : f32
    %div3A_946 = vector.broadcast %div3A_945 : f32 to vector<16xf32>
    %div3A_947 = arith.divf %div3A_946, %add3A_944 : vector<16xf32>
    %sub3A_948 = arith.constant 1.000000e+00 : f32
    %sub3A_949 = vector.broadcast %sub3A_948 : f32 to vector<16xf32>
    %sub3A_950 = arith.subf %sub3A_949, %div3A_947 : vector<16xf32>
    %swap3A_951 = arith.constant 512 : index
    %swap3A_952 = tpu.vector_load %arg7[%swap3A_951] {strides = array<i32>} : memref<1152xf32, #tpu.memory_space<vmem>>, vector<16xf32>,
    tpu.vector_store %arg7[%swap3A_951], %sub3A_950 {strides = array<i32>} : memref<1152xf32, #tpu.memory_space<vmem>>, vector<16xf32>,
    %get3A_953 = arith.constant 528 : index
    %get3A_954 = tpu.vector_load %arg6[%get3A_953] {strides = array<i32>} : memref<1152xf32, #tpu.memory_space<vmem>>, vector<16xf32>,
    %get3A_955 = arith.constant 0 : i32
    %get3A_956 = arith.constant 0 : i32
    %get3A_957 = arith.index_cast %get3A_955 : i32 to index
    %get3A_958 = arith.index_cast %get3A_956 : i32 to index
    %get3A_959 = arith.constant 528 : index
    %get3A_960 = tpu.vector_load %arg5[%get3A_957, %get3A_958, %get3A_959] {strides = array<i32>} : memref<2x2x576xf32, #tpu.memory_space<vmem>>, vector<16xf32>,
    %add3A_961 = arith.addf %get3A_954, %get3A_960 : vector<16xf32>
    %get3A_962 = arith.constant 1 : i32
    %get3A_963 = arith.constant 0 : i32
    %get3A_964 = arith.index_cast %get3A_962 : i32 to index
    %get3A_965 = arith.index_cast %get3A_963 : i32 to index
    %get3A_966 = arith.constant 528 : index
    %get3A_967 = tpu.vector_load %arg5[%get3A_964, %get3A_965, %get3A_966] {strides = array<i32>} : memref<2x2x576xf32, #tpu.memory_space<vmem>>, vector<16xf32>,
    %mul3A_968 = arith.mulf %add3A_961, %get3A_967 : vector<16xf32>
    %add3A_969 = arith.addf %mul3A_968, %mul3A_968 : vector<16xf32>
    %exp3A_970 = math.exp %add3A_969 : vector<16xf32>
    %add3A_971 = arith.constant 1.000000e+00 : f32
    %add3A_972 = vector.broadcast %add3A_971 : f32 to vector<16xf32>
    %add3A_973 = arith.addf %exp3A_970, %add3A_972 : vector<16xf32>
    %div3A_974 = arith.constant 2.000000e+00 : f32
    %div3A_975 = vector.broadcast %div3A_974 : f32 to vector<16xf32>
    %div3A_976 = arith.divf %div3A_975, %add3A_973 : vector<16xf32>
    %sub3A_977 = arith.constant 1.000000e+00 : f32
    %sub3A_978 = vector.broadcast %sub3A_977 : f32 to vector<16xf32>
    %sub3A_979 = arith.subf %sub3A_978, %div3A_976 : vector<16xf32>
    %swap3A_980 = arith.constant 528 : index
    %swap3A_981 = tpu.vector_load %arg7[%swap3A_980] {strides = array<i32>} : memref<1152xf32, #tpu.memory_space<vmem>>, vector<16xf32>,
    tpu.vector_store %arg7[%swap3A_980], %sub3A_979 {strides = array<i32>} : memref<1152xf32, #tpu.memory_space<vmem>>, vector<16xf32>,
    %get3A_982 = arith.constant 544 : index
    %get3A_983 = tpu.vector_load %arg6[%get3A_982] {strides = array<i32>} : memref<1152xf32, #tpu.memory_space<vmem>>, vector<16xf32>,
    %get3A_984 = arith.constant 0 : i32
    %get3A_985 = arith.constant 0 : i32
    %get3A_986 = arith.index_cast %get3A_984 : i32 to index
    %get3A_987 = arith.index_cast %get3A_985 : i32 to index
    %get3A_988 = arith.constant 544 : index
    %get3A_989 = tpu.vector_load %arg5[%get3A_986, %get3A_987, %get3A_988] {strides = array<i32>} : memref<2x2x576xf32, #tpu.memory_space<vmem>>, vector<16xf32>,
    %add3A_990 = arith.addf %get3A_983, %get3A_989 : vector<16xf32>
    %get3A_991 = arith.constant 1 : i32
    %get3A_992 = arith.constant 0 : i32
    %get3A_993 = arith.index_cast %get3A_991 : i32 to index
    %get3A_994 = arith.index_cast %get3A_992 : i32 to index
    %get3A_995 = arith.constant 544 : index
    %get3A_996 = tpu.vector_load %arg5[%get3A_993, %get3A_994, %get3A_995] {strides = array<i32>} : memref<2x2x576xf32, #tpu.memory_space<vmem>>, vector<16xf32>,
    %mul3A_997 = arith.mulf %add3A_990, %get3A_996 : vector<16xf32>
    %add3A_998 = arith.addf %mul3A_997, %mul3A_997 : vector<16xf32>
    %exp3A_999 = math.exp %add3A_998 : vector<16xf32>
    %add3A_1000 = arith.constant 1.000000e+00 : f32
    %add3A_1001 = vector.broadcast %add3A_1000 : f32 to vector<16xf32>
    %add3A_1002 = arith.addf %exp3A_999, %add3A_1001 : vector<16xf32>
    %div3A_1003 = arith.constant 2.000000e+00 : f32
    %div3A_1004 = vector.broadcast %div3A_1003 : f32 to vector<16xf32>
    %div3A_1005 = arith.divf %div3A_1004, %add3A_1002 : vector<16xf32>
    %sub3A_1006 = arith.constant 1.000000e+00 : f32
    %sub3A_1007 = vector.broadcast %sub3A_1006 : f32 to vector<16xf32>
    %sub3A_1008 = arith.subf %sub3A_1007, %div3A_1005 : vector<16xf32>
    %swap3A_1009 = arith.constant 544 : index
    %swap3A_1010 = tpu.vector_load %arg7[%swap3A_1009] {strides = array<i32>} : memref<1152xf32, #tpu.memory_space<vmem>>, vector<16xf32>,
    tpu.vector_store %arg7[%swap3A_1009], %sub3A_1008 {strides = array<i32>} : memref<1152xf32, #tpu.memory_space<vmem>>, vector<16xf32>,
    %get3A_1011 = arith.constant 560 : index
    %get3A_1012 = tpu.vector_load %arg6[%get3A_1011] {strides = array<i32>} : memref<1152xf32, #tpu.memory_space<vmem>>, vector<16xf32>,
    %get3A_1013 = arith.constant 0 : i32
    %get3A_1014 = arith.constant 0 : i32
    %get3A_1015 = arith.index_cast %get3A_1013 : i32 to index
    %get3A_1016 = arith.index_cast %get3A_1014 : i32 to index
    %get3A_1017 = arith.constant 560 : index
    %get3A_1018 = tpu.vector_load %arg5[%get3A_1015, %get3A_1016, %get3A_1017] {strides = array<i32>} : memref<2x2x576xf32, #tpu.memory_space<vmem>>, vector<16xf32>,
    %add3A_1019 = arith.addf %get3A_1012, %get3A_1018 : vector<16xf32>
    %get3A_1020 = arith.constant 1 : i32
    %get3A_1021 = arith.constant 0 : i32
    %get3A_1022 = arith.index_cast %get3A_1020 : i32 to index
    %get3A_1023 = arith.index_cast %get3A_1021 : i32 to index
    %get3A_1024 = arith.constant 560 : index
    %get3A_1025 = tpu.vector_load %arg5[%get3A_1022, %get3A_1023, %get3A_1024] {strides = array<i32>} : memref<2x2x576xf32, #tpu.memory_space<vmem>>, vector<16xf32>,
    %mul3A_1026 = arith.mulf %add3A_1019, %get3A_1025 : vector<16xf32>
    %add3A_1027 = arith.addf %mul3A_1026, %mul3A_1026 : vector<16xf32>
    %exp3A_1028 = math.exp %add3A_1027 : vector<16xf32>
    %add3A_1029 = arith.constant 1.000000e+00 : f32
    %add3A_1030 = vector.broadcast %add3A_1029 : f32 to vector<16xf32>
    %add3A_1031 = arith.addf %exp3A_1028, %add3A_1030 : vector<16xf32>
    %div3A_1032 = arith.constant 2.000000e+00 : f32
    %div3A_1033 = vector.broadcast %div3A_1032 : f32 to vector<16xf32>
    %div3A_1034 = arith.divf %div3A_1033, %add3A_1031 : vector<16xf32>
    %sub3A_1035 = arith.constant 1.000000e+00 : f32
    %sub3A_1036 = vector.broadcast %sub3A_1035 : f32 to vector<16xf32>
    %sub3A_1037 = arith.subf %sub3A_1036, %div3A_1034 : vector<16xf32>
    %swap3A_1038 = arith.constant 560 : index
    %swap3A_1039 = tpu.vector_load %arg7[%swap3A_1038] {strides = array<i32>} : memref<1152xf32, #tpu.memory_space<vmem>>, vector<16xf32>,
    tpu.vector_store %arg7[%swap3A_1038], %sub3A_1037 {strides = array<i32>} : memref<1152xf32, #tpu.memory_space<vmem>>, vector<16xf32>,
    %get3A_1040 = arith.constant 576 : index
    %get3A_1041 = tpu.vector_load %arg6[%get3A_1040] {strides = array<i32>} : memref<1152xf32, #tpu.memory_space<vmem>>, vector<16xf32>,
    %get3A_1042 = arith.constant 0 : i32
    %get3A_1043 = arith.constant 1 : i32
    %get3A_1044 = arith.index_cast %get3A_1042 : i32 to index
    %get3A_1045 = arith.index_cast %get3A_1043 : i32 to index
    %get3A_1046 = arith.constant 0 : index
    %get3A_1047 = tpu.vector_load %arg5[%get3A_1044, %get3A_1045, %get3A_1046] {strides = array<i32>} : memref<2x2x576xf32, #tpu.memory_space<vmem>>, vector<16xf32>,
    %add3A_1048 = arith.addf %get3A_1041, %get3A_1047 : vector<16xf32>
    %get3A_1049 = arith.constant 1 : i32
    %get3A_1050 = arith.constant 1 : i32
    %get3A_1051 = arith.index_cast %get3A_1049 : i32 to index
    %get3A_1052 = arith.index_cast %get3A_1050 : i32 to index
    %get3A_1053 = arith.constant 0 : index
    %get3A_1054 = tpu.vector_load %arg5[%get3A_1051, %get3A_1052, %get3A_1053] {strides = array<i32>} : memref<2x2x576xf32, #tpu.memory_space<vmem>>, vector<16xf32>,
    %mul3A_1055 = arith.mulf %add3A_1048, %get3A_1054 : vector<16xf32>
    %add3A_1056 = arith.addf %mul3A_1055, %mul3A_1055 : vector<16xf32>
    %exp3A_1057 = math.exp %add3A_1056 : vector<16xf32>
    %add3A_1058 = arith.constant 1.000000e+00 : f32
    %add3A_1059 = vector.broadcast %add3A_1058 : f32 to vector<16xf32>
    %add3A_1060 = arith.addf %exp3A_1057, %add3A_1059 : vector<16xf32>
    %div3A_1061 = arith.constant 2.000000e+00 : f32
    %div3A_1062 = vector.broadcast %div3A_1061 : f32 to vector<16xf32>
    %div3A_1063 = arith.divf %div3A_1062, %add3A_1060 : vector<16xf32>
    %sub3A_1064 = arith.constant 1.000000e+00 : f32
    %sub3A_1065 = vector.broadcast %sub3A_1064 : f32 to vector<16xf32>
    %sub3A_1066 = arith.subf %sub3A_1065, %div3A_1063 : vector<16xf32>
    %swap3A_1067 = arith.constant 576 : index
    %swap3A_1068 = tpu.vector_load %arg7[%swap3A_1067] {strides = array<i32>} : memref<1152xf32, #tpu.memory_space<vmem>>, vector<16xf32>,
    tpu.vector_store %arg7[%swap3A_1067], %sub3A_1066 {strides = array<i32>} : memref<1152xf32, #tpu.memory_space<vmem>>, vector<16xf32>,
    %get3A_1069 = arith.constant 592 : index
    %get3A_1070 = tpu.vector_load %arg6[%get3A_1069] {strides = array<i32>} : memref<1152xf32, #tpu.memory_space<vmem>>, vector<16xf32>,
    %get3A_1071 = arith.constant 0 : i32
    %get3A_1072 = arith.constant 1 : i32
    %get3A_1073 = arith.index_cast %get3A_1071 : i32 to index
    %get3A_1074 = arith.index_cast %get3A_1072 : i32 to index
    %get3A_1075 = arith.constant 16 : index
    %get3A_1076 = tpu.vector_load %arg5[%get3A_1073, %get3A_1074, %get3A_1075] {strides = array<i32>} : memref<2x2x576xf32, #tpu.memory_space<vmem>>, vector<16xf32>,
    %add3A_1077 = arith.addf %get3A_1070, %get3A_1076 : vector<16xf32>
    %get3A_1078 = arith.constant 1 : i32
    %get3A_1079 = arith.constant 1 : i32
    %get3A_1080 = arith.index_cast %get3A_1078 : i32 to index
    %get3A_1081 = arith.index_cast %get3A_1079 : i32 to index
    %get3A_1082 = arith.constant 16 : index
    %get3A_1083 = tpu.vector_load %arg5[%get3A_1080, %get3A_1081, %get3A_1082] {strides = array<i32>} : memref<2x2x576xf32, #tpu.memory_space<vmem>>, vector<16xf32>,
    %mul3A_1084 = arith.mulf %add3A_1077, %get3A_1083 : vector<16xf32>
    %add3A_1085 = arith.addf %mul3A_1084, %mul3A_1084 : vector<16xf32>
    %exp3A_1086 = math.exp %add3A_1085 : vector<16xf32>
    %add3A_1087 = arith.constant 1.000000e+00 : f32
    %add3A_1088 = vector.broadcast %add3A_1087 : f32 to vector<16xf32>
    %add3A_1089 = arith.addf %exp3A_1086, %add3A_1088 : vector<16xf32>
    %div3A_1090 = arith.constant 2.000000e+00 : f32
    %div3A_1091 = vector.broadcast %div3A_1090 : f32 to vector<16xf32>
    %div3A_1092 = arith.divf %div3A_1091, %add3A_1089 : vector<16xf32>
    %sub3A_1093 = arith.constant 1.000000e+00 : f32
    %sub3A_1094 = vector.broadcast %sub3A_1093 : f32 to vector<16xf32>
    %sub3A_1095 = arith.subf %sub3A_1094, %div3A_1092 : vector<16xf32>
    %swap3A_1096 = arith.constant 592 : index
    %swap3A_1097 = tpu.vector_load %arg7[%swap3A_1096] {strides = array<i32>} : memref<1152xf32, #tpu.memory_space<vmem>>, vector<16xf32>,
    tpu.vector_store %arg7[%swap3A_1096], %sub3A_1095 {strides = array<i32>} : memref<1152xf32, #tpu.memory_space<vmem>>, vector<16xf32>,
    %get3A_1098 = arith.constant 608 : index
    %get3A_1099 = tpu.vector_load %arg6[%get3A_1098] {strides = array<i32>} : memref<1152xf32, #tpu.memory_space<vmem>>, vector<16xf32>,
    %get3A_1100 = arith.constant 0 : i32
    %get3A_1101 = arith.constant 1 : i32
    %get3A_1102 = arith.index_cast %get3A_1100 : i32 to index
    %get3A_1103 = arith.index_cast %get3A_1101 : i32 to index
    %get3A_1104 = arith.constant 32 : index
    %get3A_1105 = tpu.vector_load %arg5[%get3A_1102, %get3A_1103, %get3A_1104] {strides = array<i32>} : memref<2x2x576xf32, #tpu.memory_space<vmem>>, vector<16xf32>,
    %add3A_1106 = arith.addf %get3A_1099, %get3A_1105 : vector<16xf32>
    %get3A_1107 = arith.constant 1 : i32
    %get3A_1108 = arith.constant 1 : i32
    %get3A_1109 = arith.index_cast %get3A_1107 : i32 to index
    %get3A_1110 = arith.index_cast %get3A_1108 : i32 to index
    %get3A_1111 = arith.constant 32 : index
    %get3A_1112 = tpu.vector_load %arg5[%get3A_1109, %get3A_1110, %get3A_1111] {strides = array<i32>} : memref<2x2x576xf32, #tpu.memory_space<vmem>>, vector<16xf32>,
    %mul3A_1113 = arith.mulf %add3A_1106, %get3A_1112 : vector<16xf32>
    %add3A_1114 = arith.addf %mul3A_1113, %mul3A_1113 : vector<16xf32>
    %exp3A_1115 = math.exp %add3A_1114 : vector<16xf32>
    %add3A_1116 = arith.constant 1.000000e+00 : f32
    %add3A_1117 = vector.broadcast %add3A_1116 : f32 to vector<16xf32>
    %add3A_1118 = arith.addf %exp3A_1115, %add3A_1117 : vector<16xf32>
    %div3A_1119 = arith.constant 2.000000e+00 : f32
    %div3A_1120 = vector.broadcast %div3A_1119 : f32 to vector<16xf32>
    %div3A_1121 = arith.divf %div3A_1120, %add3A_1118 : vector<16xf32>
    %sub3A_1122 = arith.constant 1.000000e+00 : f32
    %sub3A_1123 = vector.broadcast %sub3A_1122 : f32 to vector<16xf32>
    %sub3A_1124 = arith.subf %sub3A_1123, %div3A_1121 : vector<16xf32>
    %swap3A_1125 = arith.constant 608 : index
    %swap3A_1126 = tpu.vector_load %arg7[%swap3A_1125] {strides = array<i32>} : memref<1152xf32, #tpu.memory_space<vmem>>, vector<16xf32>,
    tpu.vector_store %arg7[%swap3A_1125], %sub3A_1124 {strides = array<i32>} : memref<1152xf32, #tpu.memory_space<vmem>>, vector<16xf32>,
    %get3A_1127 = arith.constant 624 : index
    %get3A_1128 = tpu.vector_load %arg6[%get3A_1127] {strides = array<i32>} : memref<1152xf32, #tpu.memory_space<vmem>>, vector<16xf32>,
    %get3A_1129 = arith.constant 0 : i32
    %get3A_1130 = arith.constant 1 : i32
    %get3A_1131 = arith.index_cast %get3A_1129 : i32 to index
    %get3A_1132 = arith.index_cast %get3A_1130 : i32 to index
    %get3A_1133 = arith.constant 48 : index
    %get3A_1134 = tpu.vector_load %arg5[%get3A_1131, %get3A_1132, %get3A_1133] {strides = array<i32>} : memref<2x2x576xf32, #tpu.memory_space<vmem>>, vector<16xf32>,
    %add3A_1135 = arith.addf %get3A_1128, %get3A_1134 : vector<16xf32>
    %get3A_1136 = arith.constant 1 : i32
    %get3A_1137 = arith.constant 1 : i32
    %get3A_1138 = arith.index_cast %get3A_1136 : i32 to index
    %get3A_1139 = arith.index_cast %get3A_1137 : i32 to index
    %get3A_1140 = arith.constant 48 : index
    %get3A_1141 = tpu.vector_load %arg5[%get3A_1138, %get3A_1139, %get3A_1140] {strides = array<i32>} : memref<2x2x576xf32, #tpu.memory_space<vmem>>, vector<16xf32>,
    %mul3A_1142 = arith.mulf %add3A_1135, %get3A_1141 : vector<16xf32>
    %add3A_1143 = arith.addf %mul3A_1142, %mul3A_1142 : vector<16xf32>
    %exp3A_1144 = math.exp %add3A_1143 : vector<16xf32>
    %add3A_1145 = arith.constant 1.000000e+00 : f32
    %add3A_1146 = vector.broadcast %add3A_1145 : f32 to vector<16xf32>
    %add3A_1147 = arith.addf %exp3A_1144, %add3A_1146 : vector<16xf32>
    %div3A_1148 = arith.constant 2.000000e+00 : f32
    %div3A_1149 = vector.broadcast %div3A_1148 : f32 to vector<16xf32>
    %div3A_1150 = arith.divf %div3A_1149, %add3A_1147 : vector<16xf32>
    %sub3A_1151 = arith.constant 1.000000e+00 : f32
    %sub3A_1152 = vector.broadcast %sub3A_1151 : f32 to vector<16xf32>
    %sub3A_1153 = arith.subf %sub3A_1152, %div3A_1150 : vector<16xf32>
    %swap3A_1154 = arith.constant 624 : index
    %swap3A_1155 = tpu.vector_load %arg7[%swap3A_1154] {strides = array<i32>} : memref<1152xf32, #tpu.memory_space<vmem>>, vector<16xf32>,
    tpu.vector_store %arg7[%swap3A_1154], %sub3A_1153 {strides = array<i32>} : memref<1152xf32, #tpu.memory_space<vmem>>, vector<16xf32>,
    %get3A_1156 = arith.constant 640 : index
    %get3A_1157 = tpu.vector_load %arg6[%get3A_1156] {strides = array<i32>} : memref<1152xf32, #tpu.memory_space<vmem>>, vector<16xf32>,
    %get3A_1158 = arith.constant 0 : i32
    %get3A_1159 = arith.constant 1 : i32
    %get3A_1160 = arith.index_cast %get3A_1158 : i32 to index
    %get3A_1161 = arith.index_cast %get3A_1159 : i32 to index
    %get3A_1162 = arith.constant 64 : index
    %get3A_1163 = tpu.vector_load %arg5[%get3A_1160, %get3A_1161, %get3A_1162] {strides = array<i32>} : memref<2x2x576xf32, #tpu.memory_space<vmem>>, vector<16xf32>,
    %add3A_1164 = arith.addf %get3A_1157, %get3A_1163 : vector<16xf32>
    %get3A_1165 = arith.constant 1 : i32
    %get3A_1166 = arith.constant 1 : i32
    %get3A_1167 = arith.index_cast %get3A_1165 : i32 to index
    %get3A_1168 = arith.index_cast %get3A_1166 : i32 to index
    %get3A_1169 = arith.constant 64 : index
    %get3A_1170 = tpu.vector_load %arg5[%get3A_1167, %get3A_1168, %get3A_1169] {strides = array<i32>} : memref<2x2x576xf32, #tpu.memory_space<vmem>>, vector<16xf32>,
    %mul3A_1171 = arith.mulf %add3A_1164, %get3A_1170 : vector<16xf32>
    %add3A_1172 = arith.addf %mul3A_1171, %mul3A_1171 : vector<16xf32>
    %exp3A_1173 = math.exp %add3A_1172 : vector<16xf32>
    %add3A_1174 = arith.constant 1.000000e+00 : f32
    %add3A_1175 = vector.broadcast %add3A_1174 : f32 to vector<16xf32>
    %add3A_1176 = arith.addf %exp3A_1173, %add3A_1175 : vector<16xf32>
    %div3A_1177 = arith.constant 2.000000e+00 : f32
    %div3A_1178 = vector.broadcast %div3A_1177 : f32 to vector<16xf32>
    %div3A_1179 = arith.divf %div3A_1178, %add3A_1176 : vector<16xf32>
    %sub3A_1180 = arith.constant 1.000000e+00 : f32
    %sub3A_1181 = vector.broadcast %sub3A_1180 : f32 to vector<16xf32>
    %sub3A_1182 = arith.subf %sub3A_1181, %div3A_1179 : vector<16xf32>
    %swap3A_1183 = arith.constant 640 : index
    %swap3A_1184 = tpu.vector_load %arg7[%swap3A_1183] {strides = array<i32>} : memref<1152xf32, #tpu.memory_space<vmem>>, vector<16xf32>,
    tpu.vector_store %arg7[%swap3A_1183], %sub3A_1182 {strides = array<i32>} : memref<1152xf32, #tpu.memory_space<vmem>>, vector<16xf32>,
    %get3A_1185 = arith.constant 656 : index
    %get3A_1186 = tpu.vector_load %arg6[%get3A_1185] {strides = array<i32>} : memref<1152xf32, #tpu.memory_space<vmem>>, vector<16xf32>,
    %get3A_1187 = arith.constant 0 : i32
    %get3A_1188 = arith.constant 1 : i32
    %get3A_1189 = arith.index_cast %get3A_1187 : i32 to index
    %get3A_1190 = arith.index_cast %get3A_1188 : i32 to index
    %get3A_1191 = arith.constant 80 : index
    %get3A_1192 = tpu.vector_load %arg5[%get3A_1189, %get3A_1190, %get3A_1191] {strides = array<i32>} : memref<2x2x576xf32, #tpu.memory_space<vmem>>, vector<16xf32>,
    %add3A_1193 = arith.addf %get3A_1186, %get3A_1192 : vector<16xf32>
    %get3A_1194 = arith.constant 1 : i32
    %get3A_1195 = arith.constant 1 : i32
    %get3A_1196 = arith.index_cast %get3A_1194 : i32 to index
    %get3A_1197 = arith.index_cast %get3A_1195 : i32 to index
    %get3A_1198 = arith.constant 80 : index
    %get3A_1199 = tpu.vector_load %arg5[%get3A_1196, %get3A_1197, %get3A_1198] {strides = array<i32>} : memref<2x2x576xf32, #tpu.memory_space<vmem>>, vector<16xf32>,
    %mul3A_1200 = arith.mulf %add3A_1193, %get3A_1199 : vector<16xf32>
    %add3A_1201 = arith.addf %mul3A_1200, %mul3A_1200 : vector<16xf32>
    %exp3A_1202 = math.exp %add3A_1201 : vector<16xf32>
    %add3A_1203 = arith.constant 1.000000e+00 : f32
    %add3A_1204 = vector.broadcast %add3A_1203 : f32 to vector<16xf32>
    %add3A_1205 = arith.addf %exp3A_1202, %add3A_1204 : vector<16xf32>
    %div3A_1206 = arith.constant 2.000000e+00 : f32
    %div3A_1207 = vector.broadcast %div3A_1206 : f32 to vector<16xf32>
    %div3A_1208 = arith.divf %div3A_1207, %add3A_1205 : vector<16xf32>
    %sub3A_1209 = arith.constant 1.000000e+00 : f32
    %sub3A_1210 = vector.broadcast %sub3A_1209 : f32 to vector<16xf32>
    %sub3A_1211 = arith.subf %sub3A_1210, %div3A_1208 : vector<16xf32>
    %swap3A_1212 = arith.constant 656 : index
    %swap3A_1213 = tpu.vector_load %arg7[%swap3A_1212] {strides = array<i32>} : memref<1152xf32, #tpu.memory_space<vmem>>, vector<16xf32>,
    tpu.vector_store %arg7[%swap3A_1212], %sub3A_1211 {strides = array<i32>} : memref<1152xf32, #tpu.memory_space<vmem>>, vector<16xf32>,
    %get3A_1214 = arith.constant 672 : index
    %get3A_1215 = tpu.vector_load %arg6[%get3A_1214] {strides = array<i32>} : memref<1152xf32, #tpu.memory_space<vmem>>, vector<16xf32>,
    %get3A_1216 = arith.constant 0 : i32
    %get3A_1217 = arith.constant 1 : i32
    %get3A_1218 = arith.index_cast %get3A_1216 : i32 to index
    %get3A_1219 = arith.index_cast %get3A_1217 : i32 to index
    %get3A_1220 = arith.constant 96 : index
    %get3A_1221 = tpu.vector_load %arg5[%get3A_1218, %get3A_1219, %get3A_1220] {strides = array<i32>} : memref<2x2x576xf32, #tpu.memory_space<vmem>>, vector<16xf32>,
    %add3A_1222 = arith.addf %get3A_1215, %get3A_1221 : vector<16xf32>
    %get3A_1223 = arith.constant 1 : i32
    %get3A_1224 = arith.constant 1 : i32
    %get3A_1225 = arith.index_cast %get3A_1223 : i32 to index
    %get3A_1226 = arith.index_cast %get3A_1224 : i32 to index
    %get3A_1227 = arith.constant 96 : index
    %get3A_1228 = tpu.vector_load %arg5[%get3A_1225, %get3A_1226, %get3A_1227] {strides = array<i32>} : memref<2x2x576xf32, #tpu.memory_space<vmem>>, vector<16xf32>,
    %mul3A_1229 = arith.mulf %add3A_1222, %get3A_1228 : vector<16xf32>
    %add3A_1230 = arith.addf %mul3A_1229, %mul3A_1229 : vector<16xf32>
    %exp3A_1231 = math.exp %add3A_1230 : vector<16xf32>
    %add3A_1232 = arith.constant 1.000000e+00 : f32
    %add3A_1233 = vector.broadcast %add3A_1232 : f32 to vector<16xf32>
    %add3A_1234 = arith.addf %exp3A_1231, %add3A_1233 : vector<16xf32>
    %div3A_1235 = arith.constant 2.000000e+00 : f32
    %div3A_1236 = vector.broadcast %div3A_1235 : f32 to vector<16xf32>
    %div3A_1237 = arith.divf %div3A_1236, %add3A_1234 : vector<16xf32>
    %sub3A_1238 = arith.constant 1.000000e+00 : f32
    %sub3A_1239 = vector.broadcast %sub3A_1238 : f32 to vector<16xf32>
    %sub3A_1240 = arith.subf %sub3A_1239, %div3A_1237 : vector<16xf32>
    %swap3A_1241 = arith.constant 672 : index
    %swap3A_1242 = tpu.vector_load %arg7[%swap3A_1241] {strides = array<i32>} : memref<1152xf32, #tpu.memory_space<vmem>>, vector<16xf32>,
    tpu.vector_store %arg7[%swap3A_1241], %sub3A_1240 {strides = array<i32>} : memref<1152xf32, #tpu.memory_space<vmem>>, vector<16xf32>,
    %get3A_1243 = arith.constant 688 : index
    %get3A_1244 = tpu.vector_load %arg6[%get3A_1243] {strides = array<i32>} : memref<1152xf32, #tpu.memory_space<vmem>>, vector<16xf32>,
    %get3A_1245 = arith.constant 0 : i32
    %get3A_1246 = arith.constant 1 : i32
    %get3A_1247 = arith.index_cast %get3A_1245 : i32 to index
    %get3A_1248 = arith.index_cast %get3A_1246 : i32 to index
    %get3A_1249 = arith.constant 112 : index
    %get3A_1250 = tpu.vector_load %arg5[%get3A_1247, %get3A_1248, %get3A_1249] {strides = array<i32>} : memref<2x2x576xf32, #tpu.memory_space<vmem>>, vector<16xf32>,
    %add3A_1251 = arith.addf %get3A_1244, %get3A_1250 : vector<16xf32>
    %get3A_1252 = arith.constant 1 : i32
    %get3A_1253 = arith.constant 1 : i32
    %get3A_1254 = arith.index_cast %get3A_1252 : i32 to index
    %get3A_1255 = arith.index_cast %get3A_1253 : i32 to index
    %get3A_1256 = arith.constant 112 : index
    %get3A_1257 = tpu.vector_load %arg5[%get3A_1254, %get3A_1255, %get3A_1256] {strides = array<i32>} : memref<2x2x576xf32, #tpu.memory_space<vmem>>, vector<16xf32>,
    %mul3A_1258 = arith.mulf %add3A_1251, %get3A_1257 : vector<16xf32>
    %add3A_1259 = arith.addf %mul3A_1258, %mul3A_1258 : vector<16xf32>
    %exp3A_1260 = math.exp %add3A_1259 : vector<16xf32>
    %add3A_1261 = arith.constant 1.000000e+00 : f32
    %add3A_1262 = vector.broadcast %add3A_1261 : f32 to vector<16xf32>
    %add3A_1263 = arith.addf %exp3A_1260, %add3A_1262 : vector<16xf32>
    %div3A_1264 = arith.constant 2.000000e+00 : f32
    %div3A_1265 = vector.broadcast %div3A_1264 : f32 to vector<16xf32>
    %div3A_1266 = arith.divf %div3A_1265, %add3A_1263 : vector<16xf32>
    %sub3A_1267 = arith.constant 1.000000e+00 : f32
    %sub3A_1268 = vector.broadcast %sub3A_1267 : f32 to vector<16xf32>
    %sub3A_1269 = arith.subf %sub3A_1268, %div3A_1266 : vector<16xf32>
    %swap3A_1270 = arith.constant 688 : index
    %swap3A_1271 = tpu.vector_load %arg7[%swap3A_1270] {strides = array<i32>} : memref<1152xf32, #tpu.memory_space<vmem>>, vector<16xf32>,
    tpu.vector_store %arg7[%swap3A_1270], %sub3A_1269 {strides = array<i32>} : memref<1152xf32, #tpu.memory_space<vmem>>, vector<16xf32>,
    %get3A_1272 = arith.constant 704 : index
    %get3A_1273 = tpu.vector_load %arg6[%get3A_1272] {strides = array<i32>} : memref<1152xf32, #tpu.memory_space<vmem>>, vector<16xf32>,
    %get3A_1274 = arith.constant 0 : i32
    %get3A_1275 = arith.constant 1 : i32
    %get3A_1276 = arith.index_cast %get3A_1274 : i32 to index
    %get3A_1277 = arith.index_cast %get3A_1275 : i32 to index
    %get3A_1278 = arith.constant 128 : index
    %get3A_1279 = tpu.vector_load %arg5[%get3A_1276, %get3A_1277, %get3A_1278] {strides = array<i32>} : memref<2x2x576xf32, #tpu.memory_space<vmem>>, vector<16xf32>,
    %add3A_1280 = arith.addf %get3A_1273, %get3A_1279 : vector<16xf32>
    %get3A_1281 = arith.constant 1 : i32
    %get3A_1282 = arith.constant 1 : i32
    %get3A_1283 = arith.index_cast %get3A_1281 : i32 to index
    %get3A_1284 = arith.index_cast %get3A_1282 : i32 to index
    %get3A_1285 = arith.constant 128 : index
    %get3A_1286 = tpu.vector_load %arg5[%get3A_1283, %get3A_1284, %get3A_1285] {strides = array<i32>} : memref<2x2x576xf32, #tpu.memory_space<vmem>>, vector<16xf32>,
    %mul3A_1287 = arith.mulf %add3A_1280, %get3A_1286 : vector<16xf32>
    %add3A_1288 = arith.addf %mul3A_1287, %mul3A_1287 : vector<16xf32>
    %exp3A_1289 = math.exp %add3A_1288 : vector<16xf32>
    %add3A_1290 = arith.constant 1.000000e+00 : f32
    %add3A_1291 = vector.broadcast %add3A_1290 : f32 to vector<16xf32>
    %add3A_1292 = arith.addf %exp3A_1289, %add3A_1291 : vector<16xf32>
    %div3A_1293 = arith.constant 2.000000e+00 : f32
    %div3A_1294 = vector.broadcast %div3A_1293 : f32 to vector<16xf32>
    %div3A_1295 = arith.divf %div3A_1294, %add3A_1292 : vector<16xf32>
    %sub3A_1296 = arith.constant 1.000000e+00 : f32
    %sub3A_1297 = vector.broadcast %sub3A_1296 : f32 to vector<16xf32>
    %sub3A_1298 = arith.subf %sub3A_1297, %div3A_1295 : vector<16xf32>
    %swap3A_1299 = arith.constant 704 : index
    %swap3A_1300 = tpu.vector_load %arg7[%swap3A_1299] {strides = array<i32>} : memref<1152xf32, #tpu.memory_space<vmem>>, vector<16xf32>,
    tpu.vector_store %arg7[%swap3A_1299], %sub3A_1298 {strides = array<i32>} : memref<1152xf32, #tpu.memory_space<vmem>>, vector<16xf32>,
    %get3A_1301 = arith.constant 720 : index
    %get3A_1302 = tpu.vector_load %arg6[%get3A_1301] {strides = array<i32>} : memref<1152xf32, #tpu.memory_space<vmem>>, vector<16xf32>,
    %get3A_1303 = arith.constant 0 : i32
    %get3A_1304 = arith.constant 1 : i32
    %get3A_1305 = arith.index_cast %get3A_1303 : i32 to index
    %get3A_1306 = arith.index_cast %get3A_1304 : i32 to index
    %get3A_1307 = arith.constant 144 : index
    %get3A_1308 = tpu.vector_load %arg5[%get3A_1305, %get3A_1306, %get3A_1307] {strides = array<i32>} : memref<2x2x576xf32, #tpu.memory_space<vmem>>, vector<16xf32>,
    %add3A_1309 = arith.addf %get3A_1302, %get3A_1308 : vector<16xf32>
    %get3A_1310 = arith.constant 1 : i32
    %get3A_1311 = arith.constant 1 : i32
    %get3A_1312 = arith.index_cast %get3A_1310 : i32 to index
    %get3A_1313 = arith.index_cast %get3A_1311 : i32 to index
    %get3A_1314 = arith.constant 144 : index
    %get3A_1315 = tpu.vector_load %arg5[%get3A_1312, %get3A_1313, %get3A_1314] {strides = array<i32>} : memref<2x2x576xf32, #tpu.memory_space<vmem>>, vector<16xf32>,
    %mul3A_1316 = arith.mulf %add3A_1309, %get3A_1315 : vector<16xf32>
    %add3A_1317 = arith.addf %mul3A_1316, %mul3A_1316 : vector<16xf32>
    %exp3A_1318 = math.exp %add3A_1317 : vector<16xf32>
    %add3A_1319 = arith.constant 1.000000e+00 : f32
    %add3A_1320 = vector.broadcast %add3A_1319 : f32 to vector<16xf32>
    %add3A_1321 = arith.addf %exp3A_1318, %add3A_1320 : vector<16xf32>
    %div3A_1322 = arith.constant 2.000000e+00 : f32
    %div3A_1323 = vector.broadcast %div3A_1322 : f32 to vector<16xf32>
    %div3A_1324 = arith.divf %div3A_1323, %add3A_1321 : vector<16xf32>
    %sub3A_1325 = arith.constant 1.000000e+00 : f32
    %sub3A_1326 = vector.broadcast %sub3A_1325 : f32 to vector<16xf32>
    %sub3A_1327 = arith.subf %sub3A_1326, %div3A_1324 : vector<16xf32>
    %swap3A_1328 = arith.constant 720 : index
    %swap3A_1329 = tpu.vector_load %arg7[%swap3A_1328] {strides = array<i32>} : memref<1152xf32, #tpu.memory_space<vmem>>, vector<16xf32>,
    tpu.vector_store %arg7[%swap3A_1328], %sub3A_1327 {strides = array<i32>} : memref<1152xf32, #tpu.memory_space<vmem>>, vector<16xf32>,
    %get3A_1330 = arith.constant 736 : index
    %get3A_1331 = tpu.vector_load %arg6[%get3A_1330] {strides = array<i32>} : memref<1152xf32, #tpu.memory_space<vmem>>, vector<16xf32>,
    %get3A_1332 = arith.constant 0 : i32
    %get3A_1333 = arith.constant 1 : i32
    %get3A_1334 = arith.index_cast %get3A_1332 : i32 to index
    %get3A_1335 = arith.index_cast %get3A_1333 : i32 to index
    %get3A_1336 = arith.constant 160 : index
    %get3A_1337 = tpu.vector_load %arg5[%get3A_1334, %get3A_1335, %get3A_1336] {strides = array<i32>} : memref<2x2x576xf32, #tpu.memory_space<vmem>>, vector<16xf32>,
    %add3A_1338 = arith.addf %get3A_1331, %get3A_1337 : vector<16xf32>
    %get3A_1339 = arith.constant 1 : i32
    %get3A_1340 = arith.constant 1 : i32
    %get3A_1341 = arith.index_cast %get3A_1339 : i32 to index
    %get3A_1342 = arith.index_cast %get3A_1340 : i32 to index
    %get3A_1343 = arith.constant 160 : index
    %get3A_1344 = tpu.vector_load %arg5[%get3A_1341, %get3A_1342, %get3A_1343] {strides = array<i32>} : memref<2x2x576xf32, #tpu.memory_space<vmem>>, vector<16xf32>,
    %mul3A_1345 = arith.mulf %add3A_1338, %get3A_1344 : vector<16xf32>
    %add3A_1346 = arith.addf %mul3A_1345, %mul3A_1345 : vector<16xf32>
    %exp3A_1347 = math.exp %add3A_1346 : vector<16xf32>
    %add3A_1348 = arith.constant 1.000000e+00 : f32
    %add3A_1349 = vector.broadcast %add3A_1348 : f32 to vector<16xf32>
    %add3A_1350 = arith.addf %exp3A_1347, %add3A_1349 : vector<16xf32>
    %div3A_1351 = arith.constant 2.000000e+00 : f32
    %div3A_1352 = vector.broadcast %div3A_1351 : f32 to vector<16xf32>
    %div3A_1353 = arith.divf %div3A_1352, %add3A_1350 : vector<16xf32>
    %sub3A_1354 = arith.constant 1.000000e+00 : f32
    %sub3A_1355 = vector.broadcast %sub3A_1354 : f32 to vector<16xf32>
    %sub3A_1356 = arith.subf %sub3A_1355, %div3A_1353 : vector<16xf32>
    %swap3A_1357 = arith.constant 736 : index
    %swap3A_1358 = tpu.vector_load %arg7[%swap3A_1357] {strides = array<i32>} : memref<1152xf32, #tpu.memory_space<vmem>>, vector<16xf32>,
    tpu.vector_store %arg7[%swap3A_1357], %sub3A_1356 {strides = array<i32>} : memref<1152xf32, #tpu.memory_space<vmem>>, vector<16xf32>,
    %get3A_1359 = arith.constant 752 : index
    %get3A_1360 = tpu.vector_load %arg6[%get3A_1359] {strides = array<i32>} : memref<1152xf32, #tpu.memory_space<vmem>>, vector<16xf32>,
    %get3A_1361 = arith.constant 0 : i32
    %get3A_1362 = arith.constant 1 : i32
    %get3A_1363 = arith.index_cast %get3A_1361 : i32 to index
    %get3A_1364 = arith.index_cast %get3A_1362 : i32 to index
    %get3A_1365 = arith.constant 176 : index
    %get3A_1366 = tpu.vector_load %arg5[%get3A_1363, %get3A_1364, %get3A_1365] {strides = array<i32>} : memref<2x2x576xf32, #tpu.memory_space<vmem>>, vector<16xf32>,
    %add3A_1367 = arith.addf %get3A_1360, %get3A_1366 : vector<16xf32>
    %get3A_1368 = arith.constant 1 : i32
    %get3A_1369 = arith.constant 1 : i32
    %get3A_1370 = arith.index_cast %get3A_1368 : i32 to index
    %get3A_1371 = arith.index_cast %get3A_1369 : i32 to index
    %get3A_1372 = arith.constant 176 : index
    %get3A_1373 = tpu.vector_load %arg5[%get3A_1370, %get3A_1371, %get3A_1372] {strides = array<i32>} : memref<2x2x576xf32, #tpu.memory_space<vmem>>, vector<16xf32>,
    %mul3A_1374 = arith.mulf %add3A_1367, %get3A_1373 : vector<16xf32>
    %add3A_1375 = arith.addf %mul3A_1374, %mul3A_1374 : vector<16xf32>
    %exp3A_1376 = math.exp %add3A_1375 : vector<16xf32>
    %add3A_1377 = arith.constant 1.000000e+00 : f32
    %add3A_1378 = vector.broadcast %add3A_1377 : f32 to vector<16xf32>
    %add3A_1379 = arith.addf %exp3A_1376, %add3A_1378 : vector<16xf32>
    %div3A_1380 = arith.constant 2.000000e+00 : f32
    %div3A_1381 = vector.broadcast %div3A_1380 : f32 to vector<16xf32>
    %div3A_1382 = arith.divf %div3A_1381, %add3A_1379 : vector<16xf32>
    %sub3A_1383 = arith.constant 1.000000e+00 : f32
    %sub3A_1384 = vector.broadcast %sub3A_1383 : f32 to vector<16xf32>
    %sub3A_1385 = arith.subf %sub3A_1384, %div3A_1382 : vector<16xf32>
    %swap3A_1386 = arith.constant 752 : index
    %swap3A_1387 = tpu.vector_load %arg7[%swap3A_1386] {strides = array<i32>} : memref<1152xf32, #tpu.memory_space<vmem>>, vector<16xf32>,
    tpu.vector_store %arg7[%swap3A_1386], %sub3A_1385 {strides = array<i32>} : memref<1152xf32, #tpu.memory_space<vmem>>, vector<16xf32>,
    %get3A_1388 = arith.constant 768 : index
    %get3A_1389 = tpu.vector_load %arg6[%get3A_1388] {strides = array<i32>} : memref<1152xf32, #tpu.memory_space<vmem>>, vector<16xf32>,
    %get3A_1390 = arith.constant 0 : i32
    %get3A_1391 = arith.constant 1 : i32
    %get3A_1392 = arith.index_cast %get3A_1390 : i32 to index
    %get3A_1393 = arith.index_cast %get3A_1391 : i32 to index
    %get3A_1394 = arith.constant 192 : index
    %get3A_1395 = tpu.vector_load %arg5[%get3A_1392, %get3A_1393, %get3A_1394] {strides = array<i32>} : memref<2x2x576xf32, #tpu.memory_space<vmem>>, vector<16xf32>,
    %add3A_1396 = arith.addf %get3A_1389, %get3A_1395 : vector<16xf32>
    %get3A_1397 = arith.constant 1 : i32
    %get3A_1398 = arith.constant 1 : i32
    %get3A_1399 = arith.index_cast %get3A_1397 : i32 to index
    %get3A_1400 = arith.index_cast %get3A_1398 : i32 to index
    %get3A_1401 = arith.constant 192 : index
    %get3A_1402 = tpu.vector_load %arg5[%get3A_1399, %get3A_1400, %get3A_1401] {strides = array<i32>} : memref<2x2x576xf32, #tpu.memory_space<vmem>>, vector<16xf32>,
    %mul3A_1403 = arith.mulf %add3A_1396, %get3A_1402 : vector<16xf32>
    %add3A_1404 = arith.addf %mul3A_1403, %mul3A_1403 : vector<16xf32>
    %exp3A_1405 = math.exp %add3A_1404 : vector<16xf32>
    %add3A_1406 = arith.constant 1.000000e+00 : f32
    %add3A_1407 = vector.broadcast %add3A_1406 : f32 to vector<16xf32>
    %add3A_1408 = arith.addf %exp3A_1405, %add3A_1407 : vector<16xf32>
    %div3A_1409 = arith.constant 2.000000e+00 : f32
    %div3A_1410 = vector.broadcast %div3A_1409 : f32 to vector<16xf32>
    %div3A_1411 = arith.divf %div3A_1410, %add3A_1408 : vector<16xf32>
    %sub3A_1412 = arith.constant 1.000000e+00 : f32
    %sub3A_1413 = vector.broadcast %sub3A_1412 : f32 to vector<16xf32>
    %sub3A_1414 = arith.subf %sub3A_1413, %div3A_1411 : vector<16xf32>
    %swap3A_1415 = arith.constant 768 : index
    %swap3A_1416 = tpu.vector_load %arg7[%swap3A_1415] {strides = array<i32>} : memref<1152xf32, #tpu.memory_space<vmem>>, vector<16xf32>,
    tpu.vector_store %arg7[%swap3A_1415], %sub3A_1414 {strides = array<i32>} : memref<1152xf32, #tpu.memory_space<vmem>>, vector<16xf32>,
    %get3A_1417 = arith.constant 784 : index
    %get3A_1418 = tpu.vector_load %arg6[%get3A_1417] {strides = array<i32>} : memref<1152xf32, #tpu.memory_space<vmem>>, vector<16xf32>,
    %get3A_1419 = arith.constant 0 : i32
    %get3A_1420 = arith.constant 1 : i32
    %get3A_1421 = arith.index_cast %get3A_1419 : i32 to index
    %get3A_1422 = arith.index_cast %get3A_1420 : i32 to index
    %get3A_1423 = arith.constant 208 : index
    %get3A_1424 = tpu.vector_load %arg5[%get3A_1421, %get3A_1422, %get3A_1423] {strides = array<i32>} : memref<2x2x576xf32, #tpu.memory_space<vmem>>, vector<16xf32>,
    %add3A_1425 = arith.addf %get3A_1418, %get3A_1424 : vector<16xf32>
    %get3A_1426 = arith.constant 1 : i32
    %get3A_1427 = arith.constant 1 : i32
    %get3A_1428 = arith.index_cast %get3A_1426 : i32 to index
    %get3A_1429 = arith.index_cast %get3A_1427 : i32 to index
    %get3A_1430 = arith.constant 208 : index
    %get3A_1431 = tpu.vector_load %arg5[%get3A_1428, %get3A_1429, %get3A_1430] {strides = array<i32>} : memref<2x2x576xf32, #tpu.memory_space<vmem>>, vector<16xf32>,
    %mul3A_1432 = arith.mulf %add3A_1425, %get3A_1431 : vector<16xf32>
    %add3A_1433 = arith.addf %mul3A_1432, %mul3A_1432 : vector<16xf32>
    %exp3A_1434 = math.exp %add3A_1433 : vector<16xf32>
    %add3A_1435 = arith.constant 1.000000e+00 : f32
    %add3A_1436 = vector.broadcast %add3A_1435 : f32 to vector<16xf32>
    %add3A_1437 = arith.addf %exp3A_1434, %add3A_1436 : vector<16xf32>
    %div3A_1438 = arith.constant 2.000000e+00 : f32
    %div3A_1439 = vector.broadcast %div3A_1438 : f32 to vector<16xf32>
    %div3A_1440 = arith.divf %div3A_1439, %add3A_1437 : vector<16xf32>
    %sub3A_1441 = arith.constant 1.000000e+00 : f32
    %sub3A_1442 = vector.broadcast %sub3A_1441 : f32 to vector<16xf32>
    %sub3A_1443 = arith.subf %sub3A_1442, %div3A_1440 : vector<16xf32>
    %swap3A_1444 = arith.constant 784 : index
    %swap3A_1445 = tpu.vector_load %arg7[%swap3A_1444] {strides = array<i32>} : memref<1152xf32, #tpu.memory_space<vmem>>, vector<16xf32>,
    tpu.vector_store %arg7[%swap3A_1444], %sub3A_1443 {strides = array<i32>} : memref<1152xf32, #tpu.memory_space<vmem>>, vector<16xf32>,
    %get3A_1446 = arith.constant 800 : index
    %get3A_1447 = tpu.vector_load %arg6[%get3A_1446] {strides = array<i32>} : memref<1152xf32, #tpu.memory_space<vmem>>, vector<16xf32>,
    %get3A_1448 = arith.constant 0 : i32
    %get3A_1449 = arith.constant 1 : i32
    %get3A_1450 = arith.index_cast %get3A_1448 : i32 to index
    %get3A_1451 = arith.index_cast %get3A_1449 : i32 to index
    %get3A_1452 = arith.constant 224 : index
    %get3A_1453 = tpu.vector_load %arg5[%get3A_1450, %get3A_1451, %get3A_1452] {strides = array<i32>} : memref<2x2x576xf32, #tpu.memory_space<vmem>>, vector<16xf32>,
    %add3A_1454 = arith.addf %get3A_1447, %get3A_1453 : vector<16xf32>
    %get3A_1455 = arith.constant 1 : i32
    %get3A_1456 = arith.constant 1 : i32
    %get3A_1457 = arith.index_cast %get3A_1455 : i32 to index
    %get3A_1458 = arith.index_cast %get3A_1456 : i32 to index
    %get3A_1459 = arith.constant 224 : index
    %get3A_1460 = tpu.vector_load %arg5[%get3A_1457, %get3A_1458, %get3A_1459] {strides = array<i32>} : memref<2x2x576xf32, #tpu.memory_space<vmem>>, vector<16xf32>,
    %mul3A_1461 = arith.mulf %add3A_1454, %get3A_1460 : vector<16xf32>
    %add3A_1462 = arith.addf %mul3A_1461, %mul3A_1461 : vector<16xf32>
    %exp3A_1463 = math.exp %add3A_1462 : vector<16xf32>
    %add3A_1464 = arith.constant 1.000000e+00 : f32
    %add3A_1465 = vector.broadcast %add3A_1464 : f32 to vector<16xf32>
    %add3A_1466 = arith.addf %exp3A_1463, %add3A_1465 : vector<16xf32>
    %div3A_1467 = arith.constant 2.000000e+00 : f32
    %div3A_1468 = vector.broadcast %div3A_1467 : f32 to vector<16xf32>
    %div3A_1469 = arith.divf %div3A_1468, %add3A_1466 : vector<16xf32>
    %sub3A_1470 = arith.constant 1.000000e+00 : f32
    %sub3A_1471 = vector.broadcast %sub3A_1470 : f32 to vector<16xf32>
    %sub3A_1472 = arith.subf %sub3A_1471, %div3A_1469 : vector<16xf32>
    %swap3A_1473 = arith.constant 800 : index
    %swap3A_1474 = tpu.vector_load %arg7[%swap3A_1473] {strides = array<i32>} : memref<1152xf32, #tpu.memory_space<vmem>>, vector<16xf32>,
    tpu.vector_store %arg7[%swap3A_1473], %sub3A_1472 {strides = array<i32>} : memref<1152xf32, #tpu.memory_space<vmem>>, vector<16xf32>,
    %get3A_1475 = arith.constant 816 : index
    %get3A_1476 = tpu.vector_load %arg6[%get3A_1475] {strides = array<i32>} : memref<1152xf32, #tpu.memory_space<vmem>>, vector<16xf32>,
    %get3A_1477 = arith.constant 0 : i32
    %get3A_1478 = arith.constant 1 : i32
    %get3A_1479 = arith.index_cast %get3A_1477 : i32 to index
    %get3A_1480 = arith.index_cast %get3A_1478 : i32 to index
    %get3A_1481 = arith.constant 240 : index
    %get3A_1482 = tpu.vector_load %arg5[%get3A_1479, %get3A_1480, %get3A_1481] {strides = array<i32>} : memref<2x2x576xf32, #tpu.memory_space<vmem>>, vector<16xf32>,
    %add3A_1483 = arith.addf %get3A_1476, %get3A_1482 : vector<16xf32>
    %get3A_1484 = arith.constant 1 : i32
    %get3A_1485 = arith.constant 1 : i32
    %get3A_1486 = arith.index_cast %get3A_1484 : i32 to index
    %get3A_1487 = arith.index_cast %get3A_1485 : i32 to index
    %get3A_1488 = arith.constant 240 : index
    %get3A_1489 = tpu.vector_load %arg5[%get3A_1486, %get3A_1487, %get3A_1488] {strides = array<i32>} : memref<2x2x576xf32, #tpu.memory_space<vmem>>, vector<16xf32>,
    %mul3A_1490 = arith.mulf %add3A_1483, %get3A_1489 : vector<16xf32>
    %add3A_1491 = arith.addf %mul3A_1490, %mul3A_1490 : vector<16xf32>
    %exp3A_1492 = math.exp %add3A_1491 : vector<16xf32>
    %add3A_1493 = arith.constant 1.000000e+00 : f32
    %add3A_1494 = vector.broadcast %add3A_1493 : f32 to vector<16xf32>
    %add3A_1495 = arith.addf %exp3A_1492, %add3A_1494 : vector<16xf32>
    %div3A_1496 = arith.constant 2.000000e+00 : f32
    %div3A_1497 = vector.broadcast %div3A_1496 : f32 to vector<16xf32>
    %div3A_1498 = arith.divf %div3A_1497, %add3A_1495 : vector<16xf32>
    %sub3A_1499 = arith.constant 1.000000e+00 : f32
    %sub3A_1500 = vector.broadcast %sub3A_1499 : f32 to vector<16xf32>
    %sub3A_1501 = arith.subf %sub3A_1500, %div3A_1498 : vector<16xf32>
    %swap3A_1502 = arith.constant 816 : index
    %swap3A_1503 = tpu.vector_load %arg7[%swap3A_1502] {strides = array<i32>} : memref<1152xf32, #tpu.memory_space<vmem>>, vector<16xf32>,
    tpu.vector_store %arg7[%swap3A_1502], %sub3A_1501 {strides = array<i32>} : memref<1152xf32, #tpu.memory_space<vmem>>, vector<16xf32>,
    %get3A_1504 = arith.constant 832 : index
    %get3A_1505 = tpu.vector_load %arg6[%get3A_1504] {strides = array<i32>} : memref<1152xf32, #tpu.memory_space<vmem>>, vector<16xf32>,
    %get3A_1506 = arith.constant 0 : i32
    %get3A_1507 = arith.constant 1 : i32
    %get3A_1508 = arith.index_cast %get3A_1506 : i32 to index
    %get3A_1509 = arith.index_cast %get3A_1507 : i32 to index
    %get3A_1510 = arith.constant 256 : index
    %get3A_1511 = tpu.vector_load %arg5[%get3A_1508, %get3A_1509, %get3A_1510] {strides = array<i32>} : memref<2x2x576xf32, #tpu.memory_space<vmem>>, vector<16xf32>,
    %add3A_1512 = arith.addf %get3A_1505, %get3A_1511 : vector<16xf32>
    %get3A_1513 = arith.constant 1 : i32
    %get3A_1514 = arith.constant 1 : i32
    %get3A_1515 = arith.index_cast %get3A_1513 : i32 to index
    %get3A_1516 = arith.index_cast %get3A_1514 : i32 to index
    %get3A_1517 = arith.constant 256 : index
    %get3A_1518 = tpu.vector_load %arg5[%get3A_1515, %get3A_1516, %get3A_1517] {strides = array<i32>} : memref<2x2x576xf32, #tpu.memory_space<vmem>>, vector<16xf32>,
    %mul3A_1519 = arith.mulf %add3A_1512, %get3A_1518 : vector<16xf32>
    %add3A_1520 = arith.addf %mul3A_1519, %mul3A_1519 : vector<16xf32>
    %exp3A_1521 = math.exp %add3A_1520 : vector<16xf32>
    %add3A_1522 = arith.constant 1.000000e+00 : f32
    %add3A_1523 = vector.broadcast %add3A_1522 : f32 to vector<16xf32>
    %add3A_1524 = arith.addf %exp3A_1521, %add3A_1523 : vector<16xf32>
    %div3A_1525 = arith.constant 2.000000e+00 : f32
    %div3A_1526 = vector.broadcast %div3A_1525 : f32 to vector<16xf32>
    %div3A_1527 = arith.divf %div3A_1526, %add3A_1524 : vector<16xf32>
    %sub3A_1528 = arith.constant 1.000000e+00 : f32
    %sub3A_1529 = vector.broadcast %sub3A_1528 : f32 to vector<16xf32>
    %sub3A_1530 = arith.subf %sub3A_1529, %div3A_1527 : vector<16xf32>
    %swap3A_1531 = arith.constant 832 : index
    %swap3A_1532 = tpu.vector_load %arg7[%swap3A_1531] {strides = array<i32>} : memref<1152xf32, #tpu.memory_space<vmem>>, vector<16xf32>,
    tpu.vector_store %arg7[%swap3A_1531], %sub3A_1530 {strides = array<i32>} : memref<1152xf32, #tpu.memory_space<vmem>>, vector<16xf32>,
    %get3A_1533 = arith.constant 848 : index
    %get3A_1534 = tpu.vector_load %arg6[%get3A_1533] {strides = array<i32>} : memref<1152xf32, #tpu.memory_space<vmem>>, vector<16xf32>,
    %get3A_1535 = arith.constant 0 : i32
    %get3A_1536 = arith.constant 1 : i32
    %get3A_1537 = arith.index_cast %get3A_1535 : i32 to index
    %get3A_1538 = arith.index_cast %get3A_1536 : i32 to index
    %get3A_1539 = arith.constant 272 : index
    %get3A_1540 = tpu.vector_load %arg5[%get3A_1537, %get3A_1538, %get3A_1539] {strides = array<i32>} : memref<2x2x576xf32, #tpu.memory_space<vmem>>, vector<16xf32>,
    %add3A_1541 = arith.addf %get3A_1534, %get3A_1540 : vector<16xf32>
    %get3A_1542 = arith.constant 1 : i32
    %get3A_1543 = arith.constant 1 : i32
    %get3A_1544 = arith.index_cast %get3A_1542 : i32 to index
    %get3A_1545 = arith.index_cast %get3A_1543 : i32 to index
    %get3A_1546 = arith.constant 272 : index
    %get3A_1547 = tpu.vector_load %arg5[%get3A_1544, %get3A_1545, %get3A_1546] {strides = array<i32>} : memref<2x2x576xf32, #tpu.memory_space<vmem>>, vector<16xf32>,
    %mul3A_1548 = arith.mulf %add3A_1541, %get3A_1547 : vector<16xf32>
    %add3A_1549 = arith.addf %mul3A_1548, %mul3A_1548 : vector<16xf32>
    %exp3A_1550 = math.exp %add3A_1549 : vector<16xf32>
    %add3A_1551 = arith.constant 1.000000e+00 : f32
    %add3A_1552 = vector.broadcast %add3A_1551 : f32 to vector<16xf32>
    %add3A_1553 = arith.addf %exp3A_1550, %add3A_1552 : vector<16xf32>
    %div3A_1554 = arith.constant 2.000000e+00 : f32
    %div3A_1555 = vector.broadcast %div3A_1554 : f32 to vector<16xf32>
    %div3A_1556 = arith.divf %div3A_1555, %add3A_1553 : vector<16xf32>
    %sub3A_1557 = arith.constant 1.000000e+00 : f32
    %sub3A_1558 = vector.broadcast %sub3A_1557 : f32 to vector<16xf32>
    %sub3A_1559 = arith.subf %sub3A_1558, %div3A_1556 : vector<16xf32>
    %swap3A_1560 = arith.constant 848 : index
    %swap3A_1561 = tpu.vector_load %arg7[%swap3A_1560] {strides = array<i32>} : memref<1152xf32, #tpu.memory_space<vmem>>, vector<16xf32>,
    tpu.vector_store %arg7[%swap3A_1560], %sub3A_1559 {strides = array<i32>} : memref<1152xf32, #tpu.memory_space<vmem>>, vector<16xf32>,
    %get3A_1562 = arith.constant 864 : index
    %get3A_1563 = tpu.vector_load %arg6[%get3A_1562] {strides = array<i32>} : memref<1152xf32, #tpu.memory_space<vmem>>, vector<16xf32>,
    %get3A_1564 = arith.constant 0 : i32
    %get3A_1565 = arith.constant 1 : i32
    %get3A_1566 = arith.index_cast %get3A_1564 : i32 to index
    %get3A_1567 = arith.index_cast %get3A_1565 : i32 to index
    %get3A_1568 = arith.constant 288 : index
    %get3A_1569 = tpu.vector_load %arg5[%get3A_1566, %get3A_1567, %get3A_1568] {strides = array<i32>} : memref<2x2x576xf32, #tpu.memory_space<vmem>>, vector<16xf32>,
    %add3A_1570 = arith.addf %get3A_1563, %get3A_1569 : vector<16xf32>
    %get3A_1571 = arith.constant 1 : i32
    %get3A_1572 = arith.constant 1 : i32
    %get3A_1573 = arith.index_cast %get3A_1571 : i32 to index
    %get3A_1574 = arith.index_cast %get3A_1572 : i32 to index
    %get3A_1575 = arith.constant 288 : index
    %get3A_1576 = tpu.vector_load %arg5[%get3A_1573, %get3A_1574, %get3A_1575] {strides = array<i32>} : memref<2x2x576xf32, #tpu.memory_space<vmem>>, vector<16xf32>,
    %mul3A_1577 = arith.mulf %add3A_1570, %get3A_1576 : vector<16xf32>
    %add3A_1578 = arith.addf %mul3A_1577, %mul3A_1577 : vector<16xf32>
    %exp3A_1579 = math.exp %add3A_1578 : vector<16xf32>
    %add3A_1580 = arith.constant 1.000000e+00 : f32
    %add3A_1581 = vector.broadcast %add3A_1580 : f32 to vector<16xf32>
    %add3A_1582 = arith.addf %exp3A_1579, %add3A_1581 : vector<16xf32>
    %div3A_1583 = arith.constant 2.000000e+00 : f32
    %div3A_1584 = vector.broadcast %div3A_1583 : f32 to vector<16xf32>
    %div3A_1585 = arith.divf %div3A_1584, %add3A_1582 : vector<16xf32>
    %sub3A_1586 = arith.constant 1.000000e+00 : f32
    %sub3A_1587 = vector.broadcast %sub3A_1586 : f32 to vector<16xf32>
    %sub3A_1588 = arith.subf %sub3A_1587, %div3A_1585 : vector<16xf32>
    %swap3A_1589 = arith.constant 864 : index
    %swap3A_1590 = tpu.vector_load %arg7[%swap3A_1589] {strides = array<i32>} : memref<1152xf32, #tpu.memory_space<vmem>>, vector<16xf32>,
    tpu.vector_store %arg7[%swap3A_1589], %sub3A_1588 {strides = array<i32>} : memref<1152xf32, #tpu.memory_space<vmem>>, vector<16xf32>,
    %get3A_1591 = arith.constant 880 : index
    %get3A_1592 = tpu.vector_load %arg6[%get3A_1591] {strides = array<i32>} : memref<1152xf32, #tpu.memory_space<vmem>>, vector<16xf32>,
    %get3A_1593 = arith.constant 0 : i32
    %get3A_1594 = arith.constant 1 : i32
    %get3A_1595 = arith.index_cast %get3A_1593 : i32 to index
    %get3A_1596 = arith.index_cast %get3A_1594 : i32 to index
    %get3A_1597 = arith.constant 304 : index
    %get3A_1598 = tpu.vector_load %arg5[%get3A_1595, %get3A_1596, %get3A_1597] {strides = array<i32>} : memref<2x2x576xf32, #tpu.memory_space<vmem>>, vector<16xf32>,
    %add3A_1599 = arith.addf %get3A_1592, %get3A_1598 : vector<16xf32>
    %get3A_1600 = arith.constant 1 : i32
    %get3A_1601 = arith.constant 1 : i32
    %get3A_1602 = arith.index_cast %get3A_1600 : i32 to index
    %get3A_1603 = arith.index_cast %get3A_1601 : i32 to index
    %get3A_1604 = arith.constant 304 : index
    %get3A_1605 = tpu.vector_load %arg5[%get3A_1602, %get3A_1603, %get3A_1604] {strides = array<i32>} : memref<2x2x576xf32, #tpu.memory_space<vmem>>, vector<16xf32>,
    %mul3A_1606 = arith.mulf %add3A_1599, %get3A_1605 : vector<16xf32>
    %add3A_1607 = arith.addf %mul3A_1606, %mul3A_1606 : vector<16xf32>
    %exp3A_1608 = math.exp %add3A_1607 : vector<16xf32>
    %add3A_1609 = arith.constant 1.000000e+00 : f32
    %add3A_1610 = vector.broadcast %add3A_1609 : f32 to vector<16xf32>
    %add3A_1611 = arith.addf %exp3A_1608, %add3A_1610 : vector<16xf32>
    %div3A_1612 = arith.constant 2.000000e+00 : f32
    %div3A_1613 = vector.broadcast %div3A_1612 : f32 to vector<16xf32>
    %div3A_1614 = arith.divf %div3A_1613, %add3A_1611 : vector<16xf32>
    %sub3A_1615 = arith.constant 1.000000e+00 : f32
    %sub3A_1616 = vector.broadcast %sub3A_1615 : f32 to vector<16xf32>
    %sub3A_1617 = arith.subf %sub3A_1616, %div3A_1614 : vector<16xf32>
    %swap3A_1618 = arith.constant 880 : index
    %swap3A_1619 = tpu.vector_load %arg7[%swap3A_1618] {strides = array<i32>} : memref<1152xf32, #tpu.memory_space<vmem>>, vector<16xf32>,
    tpu.vector_store %arg7[%swap3A_1618], %sub3A_1617 {strides = array<i32>} : memref<1152xf32, #tpu.memory_space<vmem>>, vector<16xf32>,
    %get3A_1620 = arith.constant 896 : index
    %get3A_1621 = tpu.vector_load %arg6[%get3A_1620] {strides = array<i32>} : memref<1152xf32, #tpu.memory_space<vmem>>, vector<16xf32>,
    %get3A_1622 = arith.constant 0 : i32
    %get3A_1623 = arith.constant 1 : i32
    %get3A_1624 = arith.index_cast %get3A_1622 : i32 to index
    %get3A_1625 = arith.index_cast %get3A_1623 : i32 to index
    %get3A_1626 = arith.constant 320 : index
    %get3A_1627 = tpu.vector_load %arg5[%get3A_1624, %get3A_1625, %get3A_1626] {strides = array<i32>} : memref<2x2x576xf32, #tpu.memory_space<vmem>>, vector<16xf32>,
    %add3A_1628 = arith.addf %get3A_1621, %get3A_1627 : vector<16xf32>
    %get3A_1629 = arith.constant 1 : i32
    %get3A_1630 = arith.constant 1 : i32
    %get3A_1631 = arith.index_cast %get3A_1629 : i32 to index
    %get3A_1632 = arith.index_cast %get3A_1630 : i32 to index
    %get3A_1633 = arith.constant 320 : index
    %get3A_1634 = tpu.vector_load %arg5[%get3A_1631, %get3A_1632, %get3A_1633] {strides = array<i32>} : memref<2x2x576xf32, #tpu.memory_space<vmem>>, vector<16xf32>,
    %mul3A_1635 = arith.mulf %add3A_1628, %get3A_1634 : vector<16xf32>
    %add3A_1636 = arith.addf %mul3A_1635, %mul3A_1635 : vector<16xf32>
    %exp3A_1637 = math.exp %add3A_1636 : vector<16xf32>
    %add3A_1638 = arith.constant 1.000000e+00 : f32
    %add3A_1639 = vector.broadcast %add3A_1638 : f32 to vector<16xf32>
    %add3A_1640 = arith.addf %exp3A_1637, %add3A_1639 : vector<16xf32>
    %div3A_1641 = arith.constant 2.000000e+00 : f32
    %div3A_1642 = vector.broadcast %div3A_1641 : f32 to vector<16xf32>
    %div3A_1643 = arith.divf %div3A_1642, %add3A_1640 : vector<16xf32>
    %sub3A_1644 = arith.constant 1.000000e+00 : f32
    %sub3A_1645 = vector.broadcast %sub3A_1644 : f32 to vector<16xf32>
    %sub3A_1646 = arith.subf %sub3A_1645, %div3A_1643 : vector<16xf32>
    %swap3A_1647 = arith.constant 896 : index
    %swap3A_1648 = tpu.vector_load %arg7[%swap3A_1647] {strides = array<i32>} : memref<1152xf32, #tpu.memory_space<vmem>>, vector<16xf32>,
    tpu.vector_store %arg7[%swap3A_1647], %sub3A_1646 {strides = array<i32>} : memref<1152xf32, #tpu.memory_space<vmem>>, vector<16xf32>,
    %get3A_1649 = arith.constant 912 : index
    %get3A_1650 = tpu.vector_load %arg6[%get3A_1649] {strides = array<i32>} : memref<1152xf32, #tpu.memory_space<vmem>>, vector<16xf32>,
    %get3A_1651 = arith.constant 0 : i32
    %get3A_1652 = arith.constant 1 : i32
    %get3A_1653 = arith.index_cast %get3A_1651 : i32 to index
    %get3A_1654 = arith.index_cast %get3A_1652 : i32 to index
    %get3A_1655 = arith.constant 336 : index
    %get3A_1656 = tpu.vector_load %arg5[%get3A_1653, %get3A_1654, %get3A_1655] {strides = array<i32>} : memref<2x2x576xf32, #tpu.memory_space<vmem>>, vector<16xf32>,
    %add3A_1657 = arith.addf %get3A_1650, %get3A_1656 : vector<16xf32>
    %get3A_1658 = arith.constant 1 : i32
    %get3A_1659 = arith.constant 1 : i32
    %get3A_1660 = arith.index_cast %get3A_1658 : i32 to index
    %get3A_1661 = arith.index_cast %get3A_1659 : i32 to index
    %get3A_1662 = arith.constant 336 : index
    %get3A_1663 = tpu.vector_load %arg5[%get3A_1660, %get3A_1661, %get3A_1662] {strides = array<i32>} : memref<2x2x576xf32, #tpu.memory_space<vmem>>, vector<16xf32>,
    %mul3A_1664 = arith.mulf %add3A_1657, %get3A_1663 : vector<16xf32>
    %add3A_1665 = arith.addf %mul3A_1664, %mul3A_1664 : vector<16xf32>
    %exp3A_1666 = math.exp %add3A_1665 : vector<16xf32>
    %add3A_1667 = arith.constant 1.000000e+00 : f32
    %add3A_1668 = vector.broadcast %add3A_1667 : f32 to vector<16xf32>
    %add3A_1669 = arith.addf %exp3A_1666, %add3A_1668 : vector<16xf32>
    %div3A_1670 = arith.constant 2.000000e+00 : f32
    %div3A_1671 = vector.broadcast %div3A_1670 : f32 to vector<16xf32>
    %div3A_1672 = arith.divf %div3A_1671, %add3A_1669 : vector<16xf32>
    %sub3A_1673 = arith.constant 1.000000e+00 : f32
    %sub3A_1674 = vector.broadcast %sub3A_1673 : f32 to vector<16xf32>
    %sub3A_1675 = arith.subf %sub3A_1674, %div3A_1672 : vector<16xf32>
    %swap3A_1676 = arith.constant 912 : index
    %swap3A_1677 = tpu.vector_load %arg7[%swap3A_1676] {strides = array<i32>} : memref<1152xf32, #tpu.memory_space<vmem>>, vector<16xf32>,
    tpu.vector_store %arg7[%swap3A_1676], %sub3A_1675 {strides = array<i32>} : memref<1152xf32, #tpu.memory_space<vmem>>, vector<16xf32>,
    %get3A_1678 = arith.constant 928 : index
    %get3A_1679 = tpu.vector_load %arg6[%get3A_1678] {strides = array<i32>} : memref<1152xf32, #tpu.memory_space<vmem>>, vector<16xf32>,
    %get3A_1680 = arith.constant 0 : i32
    %get3A_1681 = arith.constant 1 : i32
    %get3A_1682 = arith.index_cast %get3A_1680 : i32 to index
    %get3A_1683 = arith.index_cast %get3A_1681 : i32 to index
    %get3A_1684 = arith.constant 352 : index
    %get3A_1685 = tpu.vector_load %arg5[%get3A_1682, %get3A_1683, %get3A_1684] {strides = array<i32>} : memref<2x2x576xf32, #tpu.memory_space<vmem>>, vector<16xf32>,
    %add3A_1686 = arith.addf %get3A_1679, %get3A_1685 : vector<16xf32>
    %get3A_1687 = arith.constant 1 : i32
    %get3A_1688 = arith.constant 1 : i32
    %get3A_1689 = arith.index_cast %get3A_1687 : i32 to index
    %get3A_1690 = arith.index_cast %get3A_1688 : i32 to index
    %get3A_1691 = arith.constant 352 : index
    %get3A_1692 = tpu.vector_load %arg5[%get3A_1689, %get3A_1690, %get3A_1691] {strides = array<i32>} : memref<2x2x576xf32, #tpu.memory_space<vmem>>, vector<16xf32>,
    %mul3A_1693 = arith.mulf %add3A_1686, %get3A_1692 : vector<16xf32>
    %add3A_1694 = arith.addf %mul3A_1693, %mul3A_1693 : vector<16xf32>
    %exp3A_1695 = math.exp %add3A_1694 : vector<16xf32>
    %add3A_1696 = arith.constant 1.000000e+00 : f32
    %add3A_1697 = vector.broadcast %add3A_1696 : f32 to vector<16xf32>
    %add3A_1698 = arith.addf %exp3A_1695, %add3A_1697 : vector<16xf32>
    %div3A_1699 = arith.constant 2.000000e+00 : f32
    %div3A_1700 = vector.broadcast %div3A_1699 : f32 to vector<16xf32>
    %div3A_1701 = arith.divf %div3A_1700, %add3A_1698 : vector<16xf32>
    %sub3A_1702 = arith.constant 1.000000e+00 : f32
    %sub3A_1703 = vector.broadcast %sub3A_1702 : f32 to vector<16xf32>
    %sub3A_1704 = arith.subf %sub3A_1703, %div3A_1701 : vector<16xf32>
    %swap3A_1705 = arith.constant 928 : index
    %swap3A_1706 = tpu.vector_load %arg7[%swap3A_1705] {strides = array<i32>} : memref<1152xf32, #tpu.memory_space<vmem>>, vector<16xf32>,
    tpu.vector_store %arg7[%swap3A_1705], %sub3A_1704 {strides = array<i32>} : memref<1152xf32, #tpu.memory_space<vmem>>, vector<16xf32>,
    %get3A_1707 = arith.constant 944 : index
    %get3A_1708 = tpu.vector_load %arg6[%get3A_1707] {strides = array<i32>} : memref<1152xf32, #tpu.memory_space<vmem>>, vector<16xf32>,
    %get3A_1709 = arith.constant 0 : i32
    %get3A_1710 = arith.constant 1 : i32
    %get3A_1711 = arith.index_cast %get3A_1709 : i32 to index
    %get3A_1712 = arith.index_cast %get3A_1710 : i32 to index
    %get3A_1713 = arith.constant 368 : index
    %get3A_1714 = tpu.vector_load %arg5[%get3A_1711, %get3A_1712, %get3A_1713] {strides = array<i32>} : memref<2x2x576xf32, #tpu.memory_space<vmem>>, vector<16xf32>,
    %add3A_1715 = arith.addf %get3A_1708, %get3A_1714 : vector<16xf32>
    %get3A_1716 = arith.constant 1 : i32
    %get3A_1717 = arith.constant 1 : i32
    %get3A_1718 = arith.index_cast %get3A_1716 : i32 to index
    %get3A_1719 = arith.index_cast %get3A_1717 : i32 to index
    %get3A_1720 = arith.constant 368 : index
    %get3A_1721 = tpu.vector_load %arg5[%get3A_1718, %get3A_1719, %get3A_1720] {strides = array<i32>} : memref<2x2x576xf32, #tpu.memory_space<vmem>>, vector<16xf32>,
    %mul3A_1722 = arith.mulf %add3A_1715, %get3A_1721 : vector<16xf32>
    %add3A_1723 = arith.addf %mul3A_1722, %mul3A_1722 : vector<16xf32>
    %exp3A_1724 = math.exp %add3A_1723 : vector<16xf32>
    %add3A_1725 = arith.constant 1.000000e+00 : f32
    %add3A_1726 = vector.broadcast %add3A_1725 : f32 to vector<16xf32>
    %add3A_1727 = arith.addf %exp3A_1724, %add3A_1726 : vector<16xf32>
    %div3A_1728 = arith.constant 2.000000e+00 : f32
    %div3A_1729 = vector.broadcast %div3A_1728 : f32 to vector<16xf32>
    %div3A_1730 = arith.divf %div3A_1729, %add3A_1727 : vector<16xf32>
    %sub3A_1731 = arith.constant 1.000000e+00 : f32
    %sub3A_1732 = vector.broadcast %sub3A_1731 : f32 to vector<16xf32>
    %sub3A_1733 = arith.subf %sub3A_1732, %div3A_1730 : vector<16xf32>
    %swap3A_1734 = arith.constant 944 : index
    %swap3A_1735 = tpu.vector_load %arg7[%swap3A_1734] {strides = array<i32>} : memref<1152xf32, #tpu.memory_space<vmem>>, vector<16xf32>,
    tpu.vector_store %arg7[%swap3A_1734], %sub3A_1733 {strides = array<i32>} : memref<1152xf32, #tpu.memory_space<vmem>>, vector<16xf32>,
    %get3A_1736 = arith.constant 960 : index
    %get3A_1737 = tpu.vector_load %arg6[%get3A_1736] {strides = array<i32>} : memref<1152xf32, #tpu.memory_space<vmem>>, vector<16xf32>,
    %get3A_1738 = arith.constant 0 : i32
    %get3A_1739 = arith.constant 1 : i32
    %get3A_1740 = arith.index_cast %get3A_1738 : i32 to index
    %get3A_1741 = arith.index_cast %get3A_1739 : i32 to index
    %get3A_1742 = arith.constant 384 : index
    %get3A_1743 = tpu.vector_load %arg5[%get3A_1740, %get3A_1741, %get3A_1742] {strides = array<i32>} : memref<2x2x576xf32, #tpu.memory_space<vmem>>, vector<16xf32>,
    %add3A_1744 = arith.addf %get3A_1737, %get3A_1743 : vector<16xf32>
    %get3A_1745 = arith.constant 1 : i32
    %get3A_1746 = arith.constant 1 : i32
    %get3A_1747 = arith.index_cast %get3A_1745 : i32 to index
    %get3A_1748 = arith.index_cast %get3A_1746 : i32 to index
    %get3A_1749 = arith.constant 384 : index
    %get3A_1750 = tpu.vector_load %arg5[%get3A_1747, %get3A_1748, %get3A_1749] {strides = array<i32>} : memref<2x2x576xf32, #tpu.memory_space<vmem>>, vector<16xf32>,
    %mul3A_1751 = arith.mulf %add3A_1744, %get3A_1750 : vector<16xf32>
    %add3A_1752 = arith.addf %mul3A_1751, %mul3A_1751 : vector<16xf32>
    %exp3A_1753 = math.exp %add3A_1752 : vector<16xf32>
    %add3A_1754 = arith.constant 1.000000e+00 : f32
    %add3A_1755 = vector.broadcast %add3A_1754 : f32 to vector<16xf32>
    %add3A_1756 = arith.addf %exp3A_1753, %add3A_1755 : vector<16xf32>
    %div3A_1757 = arith.constant 2.000000e+00 : f32
    %div3A_1758 = vector.broadcast %div3A_1757 : f32 to vector<16xf32>
    %div3A_1759 = arith.divf %div3A_1758, %add3A_1756 : vector<16xf32>
    %sub3A_1760 = arith.constant 1.000000e+00 : f32
    %sub3A_1761 = vector.broadcast %sub3A_1760 : f32 to vector<16xf32>
    %sub3A_1762 = arith.subf %sub3A_1761, %div3A_1759 : vector<16xf32>
    %swap3A_1763 = arith.constant 960 : index
    %swap3A_1764 = tpu.vector_load %arg7[%swap3A_1763] {strides = array<i32>} : memref<1152xf32, #tpu.memory_space<vmem>>, vector<16xf32>,
    tpu.vector_store %arg7[%swap3A_1763], %sub3A_1762 {strides = array<i32>} : memref<1152xf32, #tpu.memory_space<vmem>>, vector<16xf32>,
    %get3A_1765 = arith.constant 976 : index
    %get3A_1766 = tpu.vector_load %arg6[%get3A_1765] {strides = array<i32>} : memref<1152xf32, #tpu.memory_space<vmem>>, vector<16xf32>,
    %get3A_1767 = arith.constant 0 : i32
    %get3A_1768 = arith.constant 1 : i32
    %get3A_1769 = arith.index_cast %get3A_1767 : i32 to index
    %get3A_1770 = arith.index_cast %get3A_1768 : i32 to index
    %get3A_1771 = arith.constant 400 : index
    %get3A_1772 = tpu.vector_load %arg5[%get3A_1769, %get3A_1770, %get3A_1771] {strides = array<i32>} : memref<2x2x576xf32, #tpu.memory_space<vmem>>, vector<16xf32>,
    %add3A_1773 = arith.addf %get3A_1766, %get3A_1772 : vector<16xf32>
    %get3A_1774 = arith.constant 1 : i32
    %get3A_1775 = arith.constant 1 : i32
    %get3A_1776 = arith.index_cast %get3A_1774 : i32 to index
    %get3A_1777 = arith.index_cast %get3A_1775 : i32 to index
    %get3A_1778 = arith.constant 400 : index
    %get3A_1779 = tpu.vector_load %arg5[%get3A_1776, %get3A_1777, %get3A_1778] {strides = array<i32>} : memref<2x2x576xf32, #tpu.memory_space<vmem>>, vector<16xf32>,
    %mul3A_1780 = arith.mulf %add3A_1773, %get3A_1779 : vector<16xf32>
    %add3A_1781 = arith.addf %mul3A_1780, %mul3A_1780 : vector<16xf32>
    %exp3A_1782 = math.exp %add3A_1781 : vector<16xf32>
    %add3A_1783 = arith.constant 1.000000e+00 : f32
    %add3A_1784 = vector.broadcast %add3A_1783 : f32 to vector<16xf32>
    %add3A_1785 = arith.addf %exp3A_1782, %add3A_1784 : vector<16xf32>
    %div3A_1786 = arith.constant 2.000000e+00 : f32
    %div3A_1787 = vector.broadcast %div3A_1786 : f32 to vector<16xf32>
    %div3A_1788 = arith.divf %div3A_1787, %add3A_1785 : vector<16xf32>
    %sub3A_1789 = arith.constant 1.000000e+00 : f32
    %sub3A_1790 = vector.broadcast %sub3A_1789 : f32 to vector<16xf32>
    %sub3A_1791 = arith.subf %sub3A_1790, %div3A_1788 : vector<16xf32>
    %swap3A_1792 = arith.constant 976 : index
    %swap3A_1793 = tpu.vector_load %arg7[%swap3A_1792] {strides = array<i32>} : memref<1152xf32, #tpu.memory_space<vmem>>, vector<16xf32>,
    tpu.vector_store %arg7[%swap3A_1792], %sub3A_1791 {strides = array<i32>} : memref<1152xf32, #tpu.memory_space<vmem>>, vector<16xf32>,
    %get3A_1794 = arith.constant 992 : index
    %get3A_1795 = tpu.vector_load %arg6[%get3A_1794] {strides = array<i32>} : memref<1152xf32, #tpu.memory_space<vmem>>, vector<16xf32>,
    %get3A_1796 = arith.constant 0 : i32
    %get3A_1797 = arith.constant 1 : i32
    %get3A_1798 = arith.index_cast %get3A_1796 : i32 to index
    %get3A_1799 = arith.index_cast %get3A_1797 : i32 to index
    %get3A_1800 = arith.constant 416 : index
    %get3A_1801 = tpu.vector_load %arg5[%get3A_1798, %get3A_1799, %get3A_1800] {strides = array<i32>} : memref<2x2x576xf32, #tpu.memory_space<vmem>>, vector<16xf32>,
    %add3A_1802 = arith.addf %get3A_1795, %get3A_1801 : vector<16xf32>
    %get3A_1803 = arith.constant 1 : i32
    %get3A_1804 = arith.constant 1 : i32
    %get3A_1805 = arith.index_cast %get3A_1803 : i32 to index
    %get3A_1806 = arith.index_cast %get3A_1804 : i32 to index
    %get3A_1807 = arith.constant 416 : index
    %get3A_1808 = tpu.vector_load %arg5[%get3A_1805, %get3A_1806, %get3A_1807] {strides = array<i32>} : memref<2x2x576xf32, #tpu.memory_space<vmem>>, vector<16xf32>,
    %mul3A_1809 = arith.mulf %add3A_1802, %get3A_1808 : vector<16xf32>
    %add3A_1810 = arith.addf %mul3A_1809, %mul3A_1809 : vector<16xf32>
    %exp3A_1811 = math.exp %add3A_1810 : vector<16xf32>
    %add3A_1812 = arith.constant 1.000000e+00 : f32
    %add3A_1813 = vector.broadcast %add3A_1812 : f32 to vector<16xf32>
    %add3A_1814 = arith.addf %exp3A_1811, %add3A_1813 : vector<16xf32>
    %div3A_1815 = arith.constant 2.000000e+00 : f32
    %div3A_1816 = vector.broadcast %div3A_1815 : f32 to vector<16xf32>
    %div3A_1817 = arith.divf %div3A_1816, %add3A_1814 : vector<16xf32>
    %sub3A_1818 = arith.constant 1.000000e+00 : f32
    %sub3A_1819 = vector.broadcast %sub3A_1818 : f32 to vector<16xf32>
    %sub3A_1820 = arith.subf %sub3A_1819, %div3A_1817 : vector<16xf32>
    %swap3A_1821 = arith.constant 992 : index
    %swap3A_1822 = tpu.vector_load %arg7[%swap3A_1821] {strides = array<i32>} : memref<1152xf32, #tpu.memory_space<vmem>>, vector<16xf32>,
    tpu.vector_store %arg7[%swap3A_1821], %sub3A_1820 {strides = array<i32>} : memref<1152xf32, #tpu.memory_space<vmem>>, vector<16xf32>,
    %get3A_1823 = arith.constant 1008 : index
    %get3A_1824 = tpu.vector_load %arg6[%get3A_1823] {strides = array<i32>} : memref<1152xf32, #tpu.memory_space<vmem>>, vector<16xf32>,
    %get3A_1825 = arith.constant 0 : i32
    %get3A_1826 = arith.constant 1 : i32
    %get3A_1827 = arith.index_cast %get3A_1825 : i32 to index
    %get3A_1828 = arith.index_cast %get3A_1826 : i32 to index
    %get3A_1829 = arith.constant 432 : index
    %get3A_1830 = tpu.vector_load %arg5[%get3A_1827, %get3A_1828, %get3A_1829] {strides = array<i32>} : memref<2x2x576xf32, #tpu.memory_space<vmem>>, vector<16xf32>,
    %add3A_1831 = arith.addf %get3A_1824, %get3A_1830 : vector<16xf32>
    %get3A_1832 = arith.constant 1 : i32
    %get3A_1833 = arith.constant 1 : i32
    %get3A_1834 = arith.index_cast %get3A_1832 : i32 to index
    %get3A_1835 = arith.index_cast %get3A_1833 : i32 to index
    %get3A_1836 = arith.constant 432 : index
    %get3A_1837 = tpu.vector_load %arg5[%get3A_1834, %get3A_1835, %get3A_1836] {strides = array<i32>} : memref<2x2x576xf32, #tpu.memory_space<vmem>>, vector<16xf32>,
    %mul3A_1838 = arith.mulf %add3A_1831, %get3A_1837 : vector<16xf32>
    %add3A_1839 = arith.addf %mul3A_1838, %mul3A_1838 : vector<16xf32>
    %exp3A_1840 = math.exp %add3A_1839 : vector<16xf32>
    %add3A_1841 = arith.constant 1.000000e+00 : f32
    %add3A_1842 = vector.broadcast %add3A_1841 : f32 to vector<16xf32>
    %add3A_1843 = arith.addf %exp3A_1840, %add3A_1842 : vector<16xf32>
    %div3A_1844 = arith.constant 2.000000e+00 : f32
    %div3A_1845 = vector.broadcast %div3A_1844 : f32 to vector<16xf32>
    %div3A_1846 = arith.divf %div3A_1845, %add3A_1843 : vector<16xf32>
    %sub3A_1847 = arith.constant 1.000000e+00 : f32
    %sub3A_1848 = vector.broadcast %sub3A_1847 : f32 to vector<16xf32>
    %sub3A_1849 = arith.subf %sub3A_1848, %div3A_1846 : vector<16xf32>
    %swap3A_1850 = arith.constant 1008 : index
    %swap3A_1851 = tpu.vector_load %arg7[%swap3A_1850] {strides = array<i32>} : memref<1152xf32, #tpu.memory_space<vmem>>, vector<16xf32>,
    tpu.vector_store %arg7[%swap3A_1850], %sub3A_1849 {strides = array<i32>} : memref<1152xf32, #tpu.memory_space<vmem>>, vector<16xf32>,
    %get3A_1852 = arith.constant 1024 : index
    %get3A_1853 = tpu.vector_load %arg6[%get3A_1852] {strides = array<i32>} : memref<1152xf32, #tpu.memory_space<vmem>>, vector<16xf32>,
    %get3A_1854 = arith.constant 0 : i32
    %get3A_1855 = arith.constant 1 : i32
    %get3A_1856 = arith.index_cast %get3A_1854 : i32 to index
    %get3A_1857 = arith.index_cast %get3A_1855 : i32 to index
    %get3A_1858 = arith.constant 448 : index
    %get3A_1859 = tpu.vector_load %arg5[%get3A_1856, %get3A_1857, %get3A_1858] {strides = array<i32>} : memref<2x2x576xf32, #tpu.memory_space<vmem>>, vector<16xf32>,
    %add3A_1860 = arith.addf %get3A_1853, %get3A_1859 : vector<16xf32>
    %get3A_1861 = arith.constant 1 : i32
    %get3A_1862 = arith.constant 1 : i32
    %get3A_1863 = arith.index_cast %get3A_1861 : i32 to index
    %get3A_1864 = arith.index_cast %get3A_1862 : i32 to index
    %get3A_1865 = arith.constant 448 : index
    %get3A_1866 = tpu.vector_load %arg5[%get3A_1863, %get3A_1864, %get3A_1865] {strides = array<i32>} : memref<2x2x576xf32, #tpu.memory_space<vmem>>, vector<16xf32>,
    %mul3A_1867 = arith.mulf %add3A_1860, %get3A_1866 : vector<16xf32>
    %add3A_1868 = arith.addf %mul3A_1867, %mul3A_1867 : vector<16xf32>
    %exp3A_1869 = math.exp %add3A_1868 : vector<16xf32>
    %add3A_1870 = arith.constant 1.000000e+00 : f32
    %add3A_1871 = vector.broadcast %add3A_1870 : f32 to vector<16xf32>
    %add3A_1872 = arith.addf %exp3A_1869, %add3A_1871 : vector<16xf32>
    %div3A_1873 = arith.constant 2.000000e+00 : f32
    %div3A_1874 = vector.broadcast %div3A_1873 : f32 to vector<16xf32>
    %div3A_1875 = arith.divf %div3A_1874, %add3A_1872 : vector<16xf32>
    %sub3A_1876 = arith.constant 1.000000e+00 : f32
    %sub3A_1877 = vector.broadcast %sub3A_1876 : f32 to vector<16xf32>
    %sub3A_1878 = arith.subf %sub3A_1877, %div3A_1875 : vector<16xf32>
    %swap3A_1879 = arith.constant 1024 : index
    %swap3A_1880 = tpu.vector_load %arg7[%swap3A_1879] {strides = array<i32>} : memref<1152xf32, #tpu.memory_space<vmem>>, vector<16xf32>,
    tpu.vector_store %arg7[%swap3A_1879], %sub3A_1878 {strides = array<i32>} : memref<1152xf32, #tpu.memory_space<vmem>>, vector<16xf32>,
    %get3A_1881 = arith.constant 1040 : index
    %get3A_1882 = tpu.vector_load %arg6[%get3A_1881] {strides = array<i32>} : memref<1152xf32, #tpu.memory_space<vmem>>, vector<16xf32>,
    %get3A_1883 = arith.constant 0 : i32
    %get3A_1884 = arith.constant 1 : i32
    %get3A_1885 = arith.index_cast %get3A_1883 : i32 to index
    %get3A_1886 = arith.index_cast %get3A_1884 : i32 to index
    %get3A_1887 = arith.constant 464 : index
    %get3A_1888 = tpu.vector_load %arg5[%get3A_1885, %get3A_1886, %get3A_1887] {strides = array<i32>} : memref<2x2x576xf32, #tpu.memory_space<vmem>>, vector<16xf32>,
    %add3A_1889 = arith.addf %get3A_1882, %get3A_1888 : vector<16xf32>
    %get3A_1890 = arith.constant 1 : i32
    %get3A_1891 = arith.constant 1 : i32
    %get3A_1892 = arith.index_cast %get3A_1890 : i32 to index
    %get3A_1893 = arith.index_cast %get3A_1891 : i32 to index
    %get3A_1894 = arith.constant 464 : index
    %get3A_1895 = tpu.vector_load %arg5[%get3A_1892, %get3A_1893, %get3A_1894] {strides = array<i32>} : memref<2x2x576xf32, #tpu.memory_space<vmem>>, vector<16xf32>,
    %mul3A_1896 = arith.mulf %add3A_1889, %get3A_1895 : vector<16xf32>
    %add3A_1897 = arith.addf %mul3A_1896, %mul3A_1896 : vector<16xf32>
    %exp3A_1898 = math.exp %add3A_1897 : vector<16xf32>
    %add3A_1899 = arith.constant 1.000000e+00 : f32
    %add3A_1900 = vector.broadcast %add3A_1899 : f32 to vector<16xf32>
    %add3A_1901 = arith.addf %exp3A_1898, %add3A_1900 : vector<16xf32>
    %div3A_1902 = arith.constant 2.000000e+00 : f32
    %div3A_1903 = vector.broadcast %div3A_1902 : f32 to vector<16xf32>
    %div3A_1904 = arith.divf %div3A_1903, %add3A_1901 : vector<16xf32>
    %sub3A_1905 = arith.constant 1.000000e+00 : f32
    %sub3A_1906 = vector.broadcast %sub3A_1905 : f32 to vector<16xf32>
    %sub3A_1907 = arith.subf %sub3A_1906, %div3A_1904 : vector<16xf32>
    %swap3A_1908 = arith.constant 1040 : index
    %swap3A_1909 = tpu.vector_load %arg7[%swap3A_1908] {strides = array<i32>} : memref<1152xf32, #tpu.memory_space<vmem>>, vector<16xf32>,
    tpu.vector_store %arg7[%swap3A_1908], %sub3A_1907 {strides = array<i32>} : memref<1152xf32, #tpu.memory_space<vmem>>, vector<16xf32>,
    %get3A_1910 = arith.constant 1056 : index
    %get3A_1911 = tpu.vector_load %arg6[%get3A_1910] {strides = array<i32>} : memref<1152xf32, #tpu.memory_space<vmem>>, vector<16xf32>,
    %get3A_1912 = arith.constant 0 : i32
    %get3A_1913 = arith.constant 1 : i32
    %get3A_1914 = arith.index_cast %get3A_1912 : i32 to index
    %get3A_1915 = arith.index_cast %get3A_1913 : i32 to index
    %get3A_1916 = arith.constant 480 : index
    %get3A_1917 = tpu.vector_load %arg5[%get3A_1914, %get3A_1915, %get3A_1916] {strides = array<i32>} : memref<2x2x576xf32, #tpu.memory_space<vmem>>, vector<16xf32>,
    %add3A_1918 = arith.addf %get3A_1911, %get3A_1917 : vector<16xf32>
    %get3A_1919 = arith.constant 1 : i32
    %get3A_1920 = arith.constant 1 : i32
    %get3A_1921 = arith.index_cast %get3A_1919 : i32 to index
    %get3A_1922 = arith.index_cast %get3A_1920 : i32 to index
    %get3A_1923 = arith.constant 480 : index
    %get3A_1924 = tpu.vector_load %arg5[%get3A_1921, %get3A_1922, %get3A_1923] {strides = array<i32>} : memref<2x2x576xf32, #tpu.memory_space<vmem>>, vector<16xf32>,
    %mul3A_1925 = arith.mulf %add3A_1918, %get3A_1924 : vector<16xf32>
    %add3A_1926 = arith.addf %mul3A_1925, %mul3A_1925 : vector<16xf32>
    %exp3A_1927 = math.exp %add3A_1926 : vector<16xf32>
    %add3A_1928 = arith.constant 1.000000e+00 : f32
    %add3A_1929 = vector.broadcast %add3A_1928 : f32 to vector<16xf32>
    %add3A_1930 = arith.addf %exp3A_1927, %add3A_1929 : vector<16xf32>
    %div3A_1931 = arith.constant 2.000000e+00 : f32
    %div3A_1932 = vector.broadcast %div3A_1931 : f32 to vector<16xf32>
    %div3A_1933 = arith.divf %div3A_1932, %add3A_1930 : vector<16xf32>
    %sub3A_1934 = arith.constant 1.000000e+00 : f32
    %sub3A_1935 = vector.broadcast %sub3A_1934 : f32 to vector<16xf32>
    %sub3A_1936 = arith.subf %sub3A_1935, %div3A_1933 : vector<16xf32>
    %swap3A_1937 = arith.constant 1056 : index
    %swap3A_1938 = tpu.vector_load %arg7[%swap3A_1937] {strides = array<i32>} : memref<1152xf32, #tpu.memory_space<vmem>>, vector<16xf32>,
    tpu.vector_store %arg7[%swap3A_1937], %sub3A_1936 {strides = array<i32>} : memref<1152xf32, #tpu.memory_space<vmem>>, vector<16xf32>,
    %get3A_1939 = arith.constant 1072 : index
    %get3A_1940 = tpu.vector_load %arg6[%get3A_1939] {strides = array<i32>} : memref<1152xf32, #tpu.memory_space<vmem>>, vector<16xf32>,
    %get3A_1941 = arith.constant 0 : i32
    %get3A_1942 = arith.constant 1 : i32
    %get3A_1943 = arith.index_cast %get3A_1941 : i32 to index
    %get3A_1944 = arith.index_cast %get3A_1942 : i32 to index
    %get3A_1945 = arith.constant 496 : index
    %get3A_1946 = tpu.vector_load %arg5[%get3A_1943, %get3A_1944, %get3A_1945] {strides = array<i32>} : memref<2x2x576xf32, #tpu.memory_space<vmem>>, vector<16xf32>,
    %add3A_1947 = arith.addf %get3A_1940, %get3A_1946 : vector<16xf32>
    %get3A_1948 = arith.constant 1 : i32
    %get3A_1949 = arith.constant 1 : i32
    %get3A_1950 = arith.index_cast %get3A_1948 : i32 to index
    %get3A_1951 = arith.index_cast %get3A_1949 : i32 to index
    %get3A_1952 = arith.constant 496 : index
    %get3A_1953 = tpu.vector_load %arg5[%get3A_1950, %get3A_1951, %get3A_1952] {strides = array<i32>} : memref<2x2x576xf32, #tpu.memory_space<vmem>>, vector<16xf32>,
    %mul3A_1954 = arith.mulf %add3A_1947, %get3A_1953 : vector<16xf32>
    %add3A_1955 = arith.addf %mul3A_1954, %mul3A_1954 : vector<16xf32>
    %exp3A_1956 = math.exp %add3A_1955 : vector<16xf32>
    %add3A_1957 = arith.constant 1.000000e+00 : f32
    %add3A_1958 = vector.broadcast %add3A_1957 : f32 to vector<16xf32>
    %add3A_1959 = arith.addf %exp3A_1956, %add3A_1958 : vector<16xf32>
    %div3A_1960 = arith.constant 2.000000e+00 : f32
    %div3A_1961 = vector.broadcast %div3A_1960 : f32 to vector<16xf32>
    %div3A_1962 = arith.divf %div3A_1961, %add3A_1959 : vector<16xf32>
    %sub3A_1963 = arith.constant 1.000000e+00 : f32
    %sub3A_1964 = vector.broadcast %sub3A_1963 : f32 to vector<16xf32>
    %sub3A_1965 = arith.subf %sub3A_1964, %div3A_1962 : vector<16xf32>
    %swap3A_1966 = arith.constant 1072 : index
    %swap3A_1967 = tpu.vector_load %arg7[%swap3A_1966] {strides = array<i32>} : memref<1152xf32, #tpu.memory_space<vmem>>, vector<16xf32>,
    tpu.vector_store %arg7[%swap3A_1966], %sub3A_1965 {strides = array<i32>} : memref<1152xf32, #tpu.memory_space<vmem>>, vector<16xf32>,
    %get3A_1968 = arith.constant 1088 : index
    %get3A_1969 = tpu.vector_load %arg6[%get3A_1968] {strides = array<i32>} : memref<1152xf32, #tpu.memory_space<vmem>>, vector<16xf32>,
    %get3A_1970 = arith.constant 0 : i32
    %get3A_1971 = arith.constant 1 : i32
    %get3A_1972 = arith.index_cast %get3A_1970 : i32 to index
    %get3A_1973 = arith.index_cast %get3A_1971 : i32 to index
    %get3A_1974 = arith.constant 512 : index
    %get3A_1975 = tpu.vector_load %arg5[%get3A_1972, %get3A_1973, %get3A_1974] {strides = array<i32>} : memref<2x2x576xf32, #tpu.memory_space<vmem>>, vector<16xf32>,
    %add3A_1976 = arith.addf %get3A_1969, %get3A_1975 : vector<16xf32>
    %get3A_1977 = arith.constant 1 : i32
    %get3A_1978 = arith.constant 1 : i32
    %get3A_1979 = arith.index_cast %get3A_1977 : i32 to index
    %get3A_1980 = arith.index_cast %get3A_1978 : i32 to index
    %get3A_1981 = arith.constant 512 : index
    %get3A_1982 = tpu.vector_load %arg5[%get3A_1979, %get3A_1980, %get3A_1981] {strides = array<i32>} : memref<2x2x576xf32, #tpu.memory_space<vmem>>, vector<16xf32>,
    %mul3A_1983 = arith.mulf %add3A_1976, %get3A_1982 : vector<16xf32>
    %add3A_1984 = arith.addf %mul3A_1983, %mul3A_1983 : vector<16xf32>
    %exp3A_1985 = math.exp %add3A_1984 : vector<16xf32>
    %add3A_1986 = arith.constant 1.000000e+00 : f32
    %add3A_1987 = vector.broadcast %add3A_1986 : f32 to vector<16xf32>
    %add3A_1988 = arith.addf %exp3A_1985, %add3A_1987 : vector<16xf32>
    %div3A_1989 = arith.constant 2.000000e+00 : f32
    %div3A_1990 = vector.broadcast %div3A_1989 : f32 to vector<16xf32>
    %div3A_1991 = arith.divf %div3A_1990, %add3A_1988 : vector<16xf32>
    %sub3A_1992 = arith.constant 1.000000e+00 : f32
    %sub3A_1993 = vector.broadcast %sub3A_1992 : f32 to vector<16xf32>
    %sub3A_1994 = arith.subf %sub3A_1993, %div3A_1991 : vector<16xf32>
    %swap3A_1995 = arith.constant 1088 : index
    %swap3A_1996 = tpu.vector_load %arg7[%swap3A_1995] {strides = array<i32>} : memref<1152xf32, #tpu.memory_space<vmem>>, vector<16xf32>,
    tpu.vector_store %arg7[%swap3A_1995], %sub3A_1994 {strides = array<i32>} : memref<1152xf32, #tpu.memory_space<vmem>>, vector<16xf32>,
    %get3A_1997 = arith.constant 1104 : index
    %get3A_1998 = tpu.vector_load %arg6[%get3A_1997] {strides = array<i32>} : memref<1152xf32, #tpu.memory_space<vmem>>, vector<16xf32>,
    %get3A_1999 = arith.constant 0 : i32
    %get3A_2000 = arith.constant 1 : i32
    %get3A_2001 = arith.index_cast %get3A_1999 : i32 to index
    %get3A_2002 = arith.index_cast %get3A_2000 : i32 to index
    %get3A_2003 = arith.constant 528 : index
    %get3A_2004 = tpu.vector_load %arg5[%get3A_2001, %get3A_2002, %get3A_2003] {strides = array<i32>} : memref<2x2x576xf32, #tpu.memory_space<vmem>>, vector<16xf32>,
    %add3A_2005 = arith.addf %get3A_1998, %get3A_2004 : vector<16xf32>
    %get3A_2006 = arith.constant 1 : i32
    %get3A_2007 = arith.constant 1 : i32
    %get3A_2008 = arith.index_cast %get3A_2006 : i32 to index
    %get3A_2009 = arith.index_cast %get3A_2007 : i32 to index
    %get3A_2010 = arith.constant 528 : index
    %get3A_2011 = tpu.vector_load %arg5[%get3A_2008, %get3A_2009, %get3A_2010] {strides = array<i32>} : memref<2x2x576xf32, #tpu.memory_space<vmem>>, vector<16xf32>,
    %mul3A_2012 = arith.mulf %add3A_2005, %get3A_2011 : vector<16xf32>
    %add3A_2013 = arith.addf %mul3A_2012, %mul3A_2012 : vector<16xf32>
    %exp3A_2014 = math.exp %add3A_2013 : vector<16xf32>
    %add3A_2015 = arith.constant 1.000000e+00 : f32
    %add3A_2016 = vector.broadcast %add3A_2015 : f32 to vector<16xf32>
    %add3A_2017 = arith.addf %exp3A_2014, %add3A_2016 : vector<16xf32>
    %div3A_2018 = arith.constant 2.000000e+00 : f32
    %div3A_2019 = vector.broadcast %div3A_2018 : f32 to vector<16xf32>
    %div3A_2020 = arith.divf %div3A_2019, %add3A_2017 : vector<16xf32>
    %sub3A_2021 = arith.constant 1.000000e+00 : f32
    %sub3A_2022 = vector.broadcast %sub3A_2021 : f32 to vector<16xf32>
    %sub3A_2023 = arith.subf %sub3A_2022, %div3A_2020 : vector<16xf32>
    %swap3A_2024 = arith.constant 1104 : index
    %swap3A_2025 = tpu.vector_load %arg7[%swap3A_2024] {strides = array<i32>} : memref<1152xf32, #tpu.memory_space<vmem>>, vector<16xf32>,
    tpu.vector_store %arg7[%swap3A_2024], %sub3A_2023 {strides = array<i32>} : memref<1152xf32, #tpu.memory_space<vmem>>, vector<16xf32>,
    %get3A_2026 = arith.constant 1120 : index
    %get3A_2027 = tpu.vector_load %arg6[%get3A_2026] {strides = array<i32>} : memref<1152xf32, #tpu.memory_space<vmem>>, vector<16xf32>,
    %get3A_2028 = arith.constant 0 : i32
    %get3A_2029 = arith.constant 1 : i32
    %get3A_2030 = arith.index_cast %get3A_2028 : i32 to index
    %get3A_2031 = arith.index_cast %get3A_2029 : i32 to index
    %get3A_2032 = arith.constant 544 : index
    %get3A_2033 = tpu.vector_load %arg5[%get3A_2030, %get3A_2031, %get3A_2032] {strides = array<i32>} : memref<2x2x576xf32, #tpu.memory_space<vmem>>, vector<16xf32>,
    %add3A_2034 = arith.addf %get3A_2027, %get3A_2033 : vector<16xf32>
    %get3A_2035 = arith.constant 1 : i32
    %get3A_2036 = arith.constant 1 : i32
    %get3A_2037 = arith.index_cast %get3A_2035 : i32 to index
    %get3A_2038 = arith.index_cast %get3A_2036 : i32 to index
    %get3A_2039 = arith.constant 544 : index
    %get3A_2040 = tpu.vector_load %arg5[%get3A_2037, %get3A_2038, %get3A_2039] {strides = array<i32>} : memref<2x2x576xf32, #tpu.memory_space<vmem>>, vector<16xf32>,
    %mul3A_2041 = arith.mulf %add3A_2034, %get3A_2040 : vector<16xf32>
    %add3A_2042 = arith.addf %mul3A_2041, %mul3A_2041 : vector<16xf32>
    %exp3A_2043 = math.exp %add3A_2042 : vector<16xf32>
    %add3A_2044 = arith.constant 1.000000e+00 : f32
    %add3A_2045 = vector.broadcast %add3A_2044 : f32 to vector<16xf32>
    %add3A_2046 = arith.addf %exp3A_2043, %add3A_2045 : vector<16xf32>
    %div3A_2047 = arith.constant 2.000000e+00 : f32
    %div3A_2048 = vector.broadcast %div3A_2047 : f32 to vector<16xf32>
    %div3A_2049 = arith.divf %div3A_2048, %add3A_2046 : vector<16xf32>
    %sub3A_2050 = arith.constant 1.000000e+00 : f32
    %sub3A_2051 = vector.broadcast %sub3A_2050 : f32 to vector<16xf32>
    %sub3A_2052 = arith.subf %sub3A_2051, %div3A_2049 : vector<16xf32>
    %swap3A_2053 = arith.constant 1120 : index
    %swap3A_2054 = tpu.vector_load %arg7[%swap3A_2053] {strides = array<i32>} : memref<1152xf32, #tpu.memory_space<vmem>>, vector<16xf32>,
    tpu.vector_store %arg7[%swap3A_2053], %sub3A_2052 {strides = array<i32>} : memref<1152xf32, #tpu.memory_space<vmem>>, vector<16xf32>,
    %get3A_2055 = arith.constant 1136 : index
    %get3A_2056 = tpu.vector_load %arg6[%get3A_2055] {strides = array<i32>} : memref<1152xf32, #tpu.memory_space<vmem>>, vector<16xf32>,
    %get3A_2057 = arith.constant 0 : i32
    %get3A_2058 = arith.constant 1 : i32
    %get3A_2059 = arith.index_cast %get3A_2057 : i32 to index
    %get3A_2060 = arith.index_cast %get3A_2058 : i32 to index
    %get3A_2061 = arith.constant 560 : index
    %get3A_2062 = tpu.vector_load %arg5[%get3A_2059, %get3A_2060, %get3A_2061] {strides = array<i32>} : memref<2x2x576xf32, #tpu.memory_space<vmem>>, vector<16xf32>,
    %add3A_2063 = arith.addf %get3A_2056, %get3A_2062 : vector<16xf32>
    %get3A_2064 = arith.constant 1 : i32
    %get3A_2065 = arith.constant 1 : i32
    %get3A_2066 = arith.index_cast %get3A_2064 : i32 to index
    %get3A_2067 = arith.index_cast %get3A_2065 : i32 to index
    %get3A_2068 = arith.constant 560 : index
    %get3A_2069 = tpu.vector_load %arg5[%get3A_2066, %get3A_2067, %get3A_2068] {strides = array<i32>} : memref<2x2x576xf32, #tpu.memory_space<vmem>>, vector<16xf32>,
    %mul3A_2070 = arith.mulf %add3A_2063, %get3A_2069 : vector<16xf32>
    %add3A_2071 = arith.addf %mul3A_2070, %mul3A_2070 : vector<16xf32>
    %exp3A_2072 = math.exp %add3A_2071 : vector<16xf32>
    %add3A_2073 = arith.constant 1.000000e+00 : f32
    %add3A_2074 = vector.broadcast %add3A_2073 : f32 to vector<16xf32>
    %add3A_2075 = arith.addf %exp3A_2072, %add3A_2074 : vector<16xf32>
    %div3A_2076 = arith.constant 2.000000e+00 : f32
    %div3A_2077 = vector.broadcast %div3A_2076 : f32 to vector<16xf32>
    %div3A_2078 = arith.divf %div3A_2077, %add3A_2075 : vector<16xf32>
    %sub3A_2079 = arith.constant 1.000000e+00 : f32
    %sub3A_2080 = vector.broadcast %sub3A_2079 : f32 to vector<16xf32>
    %sub3A_2081 = arith.subf %sub3A_2080, %div3A_2078 : vector<16xf32>
    %swap3A_2082 = arith.constant 1136 : index
    %swap3A_2083 = tpu.vector_load %arg7[%swap3A_2082] {strides = array<i32>} : memref<1152xf32, #tpu.memory_space<vmem>>, vector<16xf32>,
    tpu.vector_store %arg7[%swap3A_2082], %sub3A_2081 {strides = array<i32>} : memref<1152xf32, #tpu.memory_space<vmem>>, vector<16xf32>,
    %iota3A = tpu.iota {dimensions = array<i32: 0>} : vector<16xi32>
    %scan3A = arith.constant 0 : i32
    %scan3A_2084 = arith.constant 0 : i32
    %scan3A_2085 = arith.constant 36 : i32
    %scan3A_2086 = arith.addi %scan3A_2084, %scan3A_2085 : i32
    %scan3A_2087 = arith.constant 1 : i32
    scf.for %scan3A_2089 = %scan3A_2084 to %scan3A_2086 step %scan3A_2087  : i32 {
      %mul3A_2090 = arith.constant 16 : i32
      %mul3A_2091 = arith.muli %scan3A_2089, %mul3A_2090 : i32
      %add3A_2092 = vector.broadcast %mul3A_2091 : i32 to vector<16xi32>
      %add3A_2093 = arith.addi %add3A_2092, %iota3A : vector<16xi32>
      %mul3A_2094 = arith.constant 2 : i32
      %mul3A_2095 = vector.broadcast %mul3A_2094 : i32 to vector<16xi32>
      %mul3A_2096 = arith.muli %add3A_2093, %mul3A_2095 : vector<16xi32>
      %gather3A = tpu.vector_load_idx %arg7[%mul3A_2096] : memref<1152xf32, #tpu.memory_space<vmem>>[vector<16xi32>], vector<16xf32>,
      %add3A_2097 = arith.constant 1 : i32
      %add3A_2098 = vector.broadcast %add3A_2097 : i32 to vector<16xi32>
      %add3A_2099 = arith.addi %mul3A_2096, %add3A_2098 : vector<16xi32>
      %gather3A_2100 = tpu.vector_load_idx %arg7[%add3A_2099] : memref<1152xf32, #tpu.memory_space<vmem>>[vector<16xi32>], vector<16xf32>,
      %add3A_2101 = arith.constant 1.000000e+00 : f32
      %add3A_2102 = vector.broadcast %add3A_2101 : f32 to vector<16xf32>
      %add3A_2103 = arith.addf %gather3A, %add3A_2102 : vector<16xf32>
      %mul3A_2104 = arith.constant 1.200000e+01 : f32
      %mul3A_2105 = vector.broadcast %mul3A_2104 : f32 to vector<16xf32>
      %mul3A_2106 = arith.mulf %add3A_2103, %mul3A_2105 : vector<16xf32>
      %sub3A_2107 = arith.constant 5.000000e-01 : f32
      %sub3A_2108 = vector.broadcast %sub3A_2107 : f32 to vector<16xf32>
      %sub3A_2109 = arith.subf %mul3A_2106, %sub3A_2108 : vector<16xf32>
      %add3A_2110 = arith.constant 1.000000e+00 : f32
      %add3A_2111 = vector.broadcast %add3A_2110 : f32 to vector<16xf32>
      %add3A_2112 = arith.addf %gather3A_2100, %add3A_2111 : vector<16xf32>
      %mul3A_2113 = arith.constant 1.200000e+01 : f32
      %mul3A_2114 = vector.broadcast %mul3A_2113 : f32 to vector<16xf32>
      %mul3A_2115 = arith.mulf %add3A_2112, %mul3A_2114 : vector<16xf32>
      %sub3A_2116 = arith.constant 5.000000e-01 : f32
      %sub3A_2117 = vector.broadcast %sub3A_2116 : f32 to vector<16xf32>
      %sub3A_2118 = arith.subf %mul3A_2115, %sub3A_2117 : vector<16xf32>
      %lt3A = arith.constant 0.000000e+00 : f32
      %lt3A_2119 = vector.broadcast %lt3A : f32 to vector<16xf32>
      %lt3A_2120 = arith.cmpf olt, %sub3A_2109, %lt3A_2119 : vector<16xf32>
      %convert_element_type3A = arith.fptosi %sub3A_2109 : vector<16xf32> to vector<16xi32>
      %convert_element_type3A_2121 = arith.sitofp %convert_element_type3A : vector<16xi32> to vector<16xf32>
      %jit3A = arith.constant -1.000000e+00 : f32
      %broadcast_in_dim3A = vector.broadcast %jit3A : f32 to vector<16xf32>
      %select_n3A = arith.select %lt3A_2120, %broadcast_in_dim3A, %convert_element_type3A_2121 : vector<16xi1>, vector<16xf32>
      %lt3A_2122 = arith.constant 0.000000e+00 : f32
      %lt3A_2123 = vector.broadcast %lt3A_2122 : f32 to vector<16xf32>
      %lt3A_2124 = arith.cmpf olt, %sub3A_2118, %lt3A_2123 : vector<16xf32>
      %convert_element_type3A_2125 = arith.fptosi %sub3A_2118 : vector<16xf32> to vector<16xi32>
      %convert_element_type3A_2126 = arith.sitofp %convert_element_type3A_2125 : vector<16xi32> to vector<16xf32>
      %jit3A_2127 = arith.constant -1.000000e+00 : f32
      %broadcast_in_dim3A_2128 = vector.broadcast %jit3A_2127 : f32 to vector<16xf32>
      %select_n3A_2129 = arith.select %lt3A_2124, %broadcast_in_dim3A_2128, %convert_element_type3A_2126 : vector<16xi1>, vector<16xf32>
      %sub3A_2130 = arith.subf %sub3A_2109, %select_n3A : vector<16xf32>
      %sub3A_2131 = arith.subf %sub3A_2118, %select_n3A_2129 : vector<16xf32>
      %mul3A_2132 = arith.constant 16 : i32
      %mul3A_2133 = arith.muli %scan3A_2089, %mul3A_2132 : i32
      %add3A_2134 = vector.broadcast %mul3A_2133 : i32 to vector<16xi32>
      %add3A_2135 = arith.addi %add3A_2134, %iota3A : vector<16xi32>
      %add3A_2136 = arith.constant 0.000000e+00 : f32
      %add3A_2137 = vector.broadcast %add3A_2136 : f32 to vector<16xf32>
      %add3A_2138 = arith.addf %select_n3A, %add3A_2137 : vector<16xf32>
      %add3A_2139 = arith.constant 0.000000e+00 : f32
      %add3A_2140 = vector.broadcast %add3A_2139 : f32 to vector<16xf32>
      %add3A_2141 = arith.addf %select_n3A_2129, %add3A_2140 : vector<16xf32>
      %ge3A = arith.constant 0.000000e+00 : f32
      %ge3A_2142 = vector.broadcast %ge3A : f32 to vector<16xf32>
      %ge3A_2143 = arith.cmpf oge, %add3A_2138, %ge3A_2142 : vector<16xf32>
      %le3A = arith.constant 2.300000e+01 : f32
      %le3A_2144 = vector.broadcast %le3A : f32 to vector<16xf32>
      %le3A_2145 = arith.cmpf ole, %add3A_2138, %le3A_2144 : vector<16xf32>
      %and3A = arith.andi %ge3A_2143, %le3A_2145 : vector<16xi1>
      %ge3A_2146 = arith.constant 0.000000e+00 : f32
      %ge3A_2147 = vector.broadcast %ge3A_2146 : f32 to vector<16xf32>
      %ge3A_2148 = arith.cmpf oge, %add3A_2141, %ge3A_2147 : vector<16xf32>
      %and3A_2149 = arith.andi %and3A, %ge3A_2148 : vector<16xi1>
      %le3A_2150 = arith.constant 2.300000e+01 : f32
      %le3A_2151 = vector.broadcast %le3A_2150 : f32 to vector<16xf32>
      %le3A_2152 = arith.cmpf ole, %add3A_2141, %le3A_2151 : vector<16xf32>
      %and3A_2153 = arith.andi %and3A_2149, %le3A_2152 : vector<16xi1>
      %jit3A_2154 = arith.constant 0.000000e+00 : f32
      %jit3A_2155 = arith.constant 2.300000e+01 : f32
      %max3A = vector.broadcast %jit3A_2154 : f32 to vector<16xf32>
      %max3A_2156 = arith.maximumf %max3A, %add3A_2141 : vector<16xf32>
      %min3A = vector.broadcast %jit3A_2155 : f32 to vector<16xf32>
      %min3A_2157 = arith.minimumf %min3A, %max3A_2156 : vector<16xf32>
      %mul3A_2158 = arith.constant 2.400000e+01 : f32
      %mul3A_2159 = vector.broadcast %mul3A_2158 : f32 to vector<16xf32>
      %mul3A_2160 = arith.mulf %min3A_2157, %mul3A_2159 : vector<16xf32>
      %jit3A_2161 = arith.constant 0.000000e+00 : f32
      %jit3A_2162 = arith.constant 2.300000e+01 : f32
      %max3A_2163 = vector.broadcast %jit3A_2161 : f32 to vector<16xf32>
      %max3A_2164 = arith.maximumf %max3A_2163, %add3A_2138 : vector<16xf32>
      %min3A_2165 = vector.broadcast %jit3A_2162 : f32 to vector<16xf32>
      %min3A_2166 = arith.minimumf %min3A_2165, %max3A_2164 : vector<16xf32>
      %add3A_2167 = arith.addf %mul3A_2160, %min3A_2166 : vector<16xf32>
      %sub3A_2168 = arith.constant 1.000000e+00 : f32
      %sub3A_2169 = vector.broadcast %sub3A_2168 : f32 to vector<16xf32>
      %sub3A_2170 = arith.subf %sub3A_2169, %sub3A_2130 : vector<16xf32>
      %sub3A_2171 = arith.constant 1.000000e+00 : f32
      %sub3A_2172 = vector.broadcast %sub3A_2171 : f32 to vector<16xf32>
      %sub3A_2173 = arith.subf %sub3A_2172, %sub3A_2131 : vector<16xf32>
      %mul3A_2174 = arith.mulf %sub3A_2170, %sub3A_2173 : vector<16xf32>
      %jit3A_2175 = arith.constant 0.000000e+00 : f32
      %broadcast_in_dim3A_2176 = vector.broadcast %jit3A_2175 : f32 to vector<16xf32>
      %select_n3A_2177 = arith.select %and3A_2153, %mul3A_2174, %broadcast_in_dim3A_2176 : vector<16xi1>, vector<16xf32>
      %broadcast_in_dim3A_2178 = arith.constant 0 : i32
      %broadcast_in_dim3A_2179 = vector.broadcast %broadcast_in_dim3A_2178 : i32 to vector<16xi32>
      %add3A_2180 = arith.constant 0 : i32
      %add3A_2181 = vector.broadcast %add3A_2180 : i32 to vector<16xi32>
      %add3A_2182 = arith.addi %broadcast_in_dim3A_2179, %add3A_2181 : vector<16xi32>
      tpu.vector_store_idx %arg8[%add3A_2135, %add3A_2182], %add3A_2167 : memref<576x8xf32, #tpu.memory_space<vmem>>[vector<16xi32>, vector<16xi32>], vector<16xf32>,
      %add3A_2183 = arith.constant 4 : i32
      %add3A_2184 = vector.broadcast %add3A_2183 : i32 to vector<16xi32>
      %add3A_2185 = arith.addi %add3A_2182, %add3A_2184 : vector<16xi32>
      tpu.vector_store_idx %arg8[%add3A_2135, %add3A_2185], %select_n3A_2177 : memref<576x8xf32, #tpu.memory_space<vmem>>[vector<16xi32>, vector<16xi32>], vector<16xf32>,
      %add3A_2186 = arith.constant 1.000000e+00 : f32
      %add3A_2187 = vector.broadcast %add3A_2186 : f32 to vector<16xf32>
      %add3A_2188 = arith.addf %select_n3A, %add3A_2187 : vector<16xf32>
      %add3A_2189 = arith.constant 0.000000e+00 : f32
      %add3A_2190 = vector.broadcast %add3A_2189 : f32 to vector<16xf32>
      %add3A_2191 = arith.addf %select_n3A_2129, %add3A_2190 : vector<16xf32>
      %ge3A_2192 = arith.constant 0.000000e+00 : f32
      %ge3A_2193 = vector.broadcast %ge3A_2192 : f32 to vector<16xf32>
      %ge3A_2194 = arith.cmpf oge, %add3A_2188, %ge3A_2193 : vector<16xf32>
      %le3A_2195 = arith.constant 2.300000e+01 : f32
      %le3A_2196 = vector.broadcast %le3A_2195 : f32 to vector<16xf32>
      %le3A_2197 = arith.cmpf ole, %add3A_2188, %le3A_2196 : vector<16xf32>
      %and3A_2198 = arith.andi %ge3A_2194, %le3A_2197 : vector<16xi1>
      %ge3A_2199 = arith.constant 0.000000e+00 : f32
      %ge3A_2200 = vector.broadcast %ge3A_2199 : f32 to vector<16xf32>
      %ge3A_2201 = arith.cmpf oge, %add3A_2191, %ge3A_2200 : vector<16xf32>
      %and3A_2202 = arith.andi %and3A_2198, %ge3A_2201 : vector<16xi1>
      %le3A_2203 = arith.constant 2.300000e+01 : f32
      %le3A_2204 = vector.broadcast %le3A_2203 : f32 to vector<16xf32>
      %le3A_2205 = arith.cmpf ole, %add3A_2191, %le3A_2204 : vector<16xf32>
      %and3A_2206 = arith.andi %and3A_2202, %le3A_2205 : vector<16xi1>
      %jit3A_2207 = arith.constant 0.000000e+00 : f32
      %jit3A_2208 = arith.constant 2.300000e+01 : f32
      %max3A_2209 = vector.broadcast %jit3A_2207 : f32 to vector<16xf32>
      %max3A_2210 = arith.maximumf %max3A_2209, %add3A_2191 : vector<16xf32>
      %min3A_2211 = vector.broadcast %jit3A_2208 : f32 to vector<16xf32>
      %min3A_2212 = arith.minimumf %min3A_2211, %max3A_2210 : vector<16xf32>
      %mul3A_2213 = arith.constant 2.400000e+01 : f32
      %mul3A_2214 = vector.broadcast %mul3A_2213 : f32 to vector<16xf32>
      %mul3A_2215 = arith.mulf %min3A_2212, %mul3A_2214 : vector<16xf32>
      %jit3A_2216 = arith.constant 0.000000e+00 : f32
      %jit3A_2217 = arith.constant 2.300000e+01 : f32
      %max3A_2218 = vector.broadcast %jit3A_2216 : f32 to vector<16xf32>
      %max3A_2219 = arith.maximumf %max3A_2218, %add3A_2188 : vector<16xf32>
      %min3A_2220 = vector.broadcast %jit3A_2217 : f32 to vector<16xf32>
      %min3A_2221 = arith.minimumf %min3A_2220, %max3A_2219 : vector<16xf32>
      %add3A_2222 = arith.addf %mul3A_2215, %min3A_2221 : vector<16xf32>
      %sub3A_2223 = arith.constant 1.000000e+00 : f32
      %sub3A_2224 = vector.broadcast %sub3A_2223 : f32 to vector<16xf32>
      %sub3A_2225 = arith.subf %sub3A_2224, %sub3A_2131 : vector<16xf32>
      %mul3A_2226 = arith.mulf %sub3A_2130, %sub3A_2225 : vector<16xf32>
      %jit3A_2227 = arith.constant 0.000000e+00 : f32
      %broadcast_in_dim3A_2228 = vector.broadcast %jit3A_2227 : f32 to vector<16xf32>
      %select_n3A_2229 = arith.select %and3A_2206, %mul3A_2226, %broadcast_in_dim3A_2228 : vector<16xi1>, vector<16xf32>
      %broadcast_in_dim3A_2230 = arith.constant 0 : i32
      %broadcast_in_dim3A_2231 = vector.broadcast %broadcast_in_dim3A_2230 : i32 to vector<16xi32>
      %add3A_2232 = arith.constant 1 : i32
      %add3A_2233 = vector.broadcast %add3A_2232 : i32 to vector<16xi32>
      %add3A_2234 = arith.addi %broadcast_in_dim3A_2231, %add3A_2233 : vector<16xi32>
      tpu.vector_store_idx %arg8[%add3A_2135, %add3A_2234], %add3A_2222 : memref<576x8xf32, #tpu.memory_space<vmem>>[vector<16xi32>, vector<16xi32>], vector<16xf32>,
      %add3A_2235 = arith.constant 4 : i32
      %add3A_2236 = vector.broadcast %add3A_2235 : i32 to vector<16xi32>
      %add3A_2237 = arith.addi %add3A_2234, %add3A_2236 : vector<16xi32>
      tpu.vector_store_idx %arg8[%add3A_2135, %add3A_2237], %select_n3A_2229 : memref<576x8xf32, #tpu.memory_space<vmem>>[vector<16xi32>, vector<16xi32>], vector<16xf32>,
      %add3A_2238 = arith.constant 0.000000e+00 : f32
      %add3A_2239 = vector.broadcast %add3A_2238 : f32 to vector<16xf32>
      %add3A_2240 = arith.addf %select_n3A, %add3A_2239 : vector<16xf32>
      %add3A_2241 = arith.constant 1.000000e+00 : f32
      %add3A_2242 = vector.broadcast %add3A_2241 : f32 to vector<16xf32>
      %add3A_2243 = arith.addf %select_n3A_2129, %add3A_2242 : vector<16xf32>
      %ge3A_2244 = arith.constant 0.000000e+00 : f32
      %ge3A_2245 = vector.broadcast %ge3A_2244 : f32 to vector<16xf32>
      %ge3A_2246 = arith.cmpf oge, %add3A_2240, %ge3A_2245 : vector<16xf32>
      %le3A_2247 = arith.constant 2.300000e+01 : f32
      %le3A_2248 = vector.broadcast %le3A_2247 : f32 to vector<16xf32>
      %le3A_2249 = arith.cmpf ole, %add3A_2240, %le3A_2248 : vector<16xf32>
      %and3A_2250 = arith.andi %ge3A_2246, %le3A_2249 : vector<16xi1>
      %ge3A_2251 = arith.constant 0.000000e+00 : f32
      %ge3A_2252 = vector.broadcast %ge3A_2251 : f32 to vector<16xf32>
      %ge3A_2253 = arith.cmpf oge, %add3A_2243, %ge3A_2252 : vector<16xf32>
      %and3A_2254 = arith.andi %and3A_2250, %ge3A_2253 : vector<16xi1>
      %le3A_2255 = arith.constant 2.300000e+01 : f32
      %le3A_2256 = vector.broadcast %le3A_2255 : f32 to vector<16xf32>
      %le3A_2257 = arith.cmpf ole, %add3A_2243, %le3A_2256 : vector<16xf32>
      %and3A_2258 = arith.andi %and3A_2254, %le3A_2257 : vector<16xi1>
      %jit3A_2259 = arith.constant 0.000000e+00 : f32
      %jit3A_2260 = arith.constant 2.300000e+01 : f32
      %max3A_2261 = vector.broadcast %jit3A_2259 : f32 to vector<16xf32>
      %max3A_2262 = arith.maximumf %max3A_2261, %add3A_2243 : vector<16xf32>
      %min3A_2263 = vector.broadcast %jit3A_2260 : f32 to vector<16xf32>
      %min3A_2264 = arith.minimumf %min3A_2263, %max3A_2262 : vector<16xf32>
      %mul3A_2265 = arith.constant 2.400000e+01 : f32
      %mul3A_2266 = vector.broadcast %mul3A_2265 : f32 to vector<16xf32>
      %mul3A_2267 = arith.mulf %min3A_2264, %mul3A_2266 : vector<16xf32>
      %jit3A_2268 = arith.constant 0.000000e+00 : f32
      %jit3A_2269 = arith.constant 2.300000e+01 : f32
      %max3A_2270 = vector.broadcast %jit3A_2268 : f32 to vector<16xf32>
      %max3A_2271 = arith.maximumf %max3A_2270, %add3A_2240 : vector<16xf32>
      %min3A_2272 = vector.broadcast %jit3A_2269 : f32 to vector<16xf32>
      %min3A_2273 = arith.minimumf %min3A_2272, %max3A_2271 : vector<16xf32>
      %add3A_2274 = arith.addf %mul3A_2267, %min3A_2273 : vector<16xf32>
      %sub3A_2275 = arith.constant 1.000000e+00 : f32
      %sub3A_2276 = vector.broadcast %sub3A_2275 : f32 to vector<16xf32>
      %sub3A_2277 = arith.subf %sub3A_2276, %sub3A_2130 : vector<16xf32>
      %mul3A_2278 = arith.mulf %sub3A_2277, %sub3A_2131 : vector<16xf32>
      %jit3A_2279 = arith.constant 0.000000e+00 : f32
      %broadcast_in_dim3A_2280 = vector.broadcast %jit3A_2279 : f32 to vector<16xf32>
      %select_n3A_2281 = arith.select %and3A_2258, %mul3A_2278, %broadcast_in_dim3A_2280 : vector<16xi1>, vector<16xf32>
      %broadcast_in_dim3A_2282 = arith.constant 0 : i32
      %broadcast_in_dim3A_2283 = vector.broadcast %broadcast_in_dim3A_2282 : i32 to vector<16xi32>
      %add3A_2284 = arith.constant 2 : i32
      %add3A_2285 = vector.broadcast %add3A_2284 : i32 to vector<16xi32>
      %add3A_2286 = arith.addi %broadcast_in_dim3A_2283, %add3A_2285 : vector<16xi32>
      tpu.vector_store_idx %arg8[%add3A_2135, %add3A_2286], %add3A_2274 : memref<576x8xf32, #tpu.memory_space<vmem>>[vector<16xi32>, vector<16xi32>], vector<16xf32>,
      %add3A_2287 = arith.constant 4 : i32
      %add3A_2288 = vector.broadcast %add3A_2287 : i32 to vector<16xi32>
      %add3A_2289 = arith.addi %add3A_2286, %add3A_2288 : vector<16xi32>
      tpu.vector_store_idx %arg8[%add3A_2135, %add3A_2289], %select_n3A_2281 : memref<576x8xf32, #tpu.memory_space<vmem>>[vector<16xi32>, vector<16xi32>], vector<16xf32>,
      %add3A_2290 = arith.constant 1.000000e+00 : f32
      %add3A_2291 = vector.broadcast %add3A_2290 : f32 to vector<16xf32>
      %add3A_2292 = arith.addf %select_n3A, %add3A_2291 : vector<16xf32>
      %add3A_2293 = arith.constant 1.000000e+00 : f32
      %add3A_2294 = vector.broadcast %add3A_2293 : f32 to vector<16xf32>
      %add3A_2295 = arith.addf %select_n3A_2129, %add3A_2294 : vector<16xf32>
      %ge3A_2296 = arith.constant 0.000000e+00 : f32
      %ge3A_2297 = vector.broadcast %ge3A_2296 : f32 to vector<16xf32>
      %ge3A_2298 = arith.cmpf oge, %add3A_2292, %ge3A_2297 : vector<16xf32>
      %le3A_2299 = arith.constant 2.300000e+01 : f32
      %le3A_2300 = vector.broadcast %le3A_2299 : f32 to vector<16xf32>
      %le3A_2301 = arith.cmpf ole, %add3A_2292, %le3A_2300 : vector<16xf32>
      %and3A_2302 = arith.andi %ge3A_2298, %le3A_2301 : vector<16xi1>
      %ge3A_2303 = arith.constant 0.000000e+00 : f32
      %ge3A_2304 = vector.broadcast %ge3A_2303 : f32 to vector<16xf32>
      %ge3A_2305 = arith.cmpf oge, %add3A_2295, %ge3A_2304 : vector<16xf32>
      %and3A_2306 = arith.andi %and3A_2302, %ge3A_2305 : vector<16xi1>
      %le3A_2307 = arith.constant 2.300000e+01 : f32
      %le3A_2308 = vector.broadcast %le3A_2307 : f32 to vector<16xf32>
      %le3A_2309 = arith.cmpf ole, %add3A_2295, %le3A_2308 : vector<16xf32>
      %and3A_2310 = arith.andi %and3A_2306, %le3A_2309 : vector<16xi1>
      %jit3A_2311 = arith.constant 0.000000e+00 : f32
      %jit3A_2312 = arith.constant 2.300000e+01 : f32
      %max3A_2313 = vector.broadcast %jit3A_2311 : f32 to vector<16xf32>
      %max3A_2314 = arith.maximumf %max3A_2313, %add3A_2295 : vector<16xf32>
      %min3A_2315 = vector.broadcast %jit3A_2312 : f32 to vector<16xf32>
      %min3A_2316 = arith.minimumf %min3A_2315, %max3A_2314 : vector<16xf32>
      %mul3A_2317 = arith.constant 2.400000e+01 : f32
      %mul3A_2318 = vector.broadcast %mul3A_2317 : f32 to vector<16xf32>
      %mul3A_2319 = arith.mulf %min3A_2316, %mul3A_2318 : vector<16xf32>
      %jit3A_2320 = arith.constant 0.000000e+00 : f32
      %jit3A_2321 = arith.constant 2.300000e+01 : f32
      %max3A_2322 = vector.broadcast %jit3A_2320 : f32 to vector<16xf32>
      %max3A_2323 = arith.maximumf %max3A_2322, %add3A_2292 : vector<16xf32>
      %min3A_2324 = vector.broadcast %jit3A_2321 : f32 to vector<16xf32>
      %min3A_2325 = arith.minimumf %min3A_2324, %max3A_2323 : vector<16xf32>
      %add3A_2326 = arith.addf %mul3A_2319, %min3A_2325 : vector<16xf32>
      %mul3A_2327 = arith.mulf %sub3A_2130, %sub3A_2131 : vector<16xf32>
      %jit3A_2328 = arith.constant 0.000000e+00 : f32
      %broadcast_in_dim3A_2329 = vector.broadcast %jit3A_2328 : f32 to vector<16xf32>
      %select_n3A_2330 = arith.select %and3A_2310, %mul3A_2327, %broadcast_in_dim3A_2329 : vector<16xi1>, vector<16xf32>
      %broadcast_in_dim3A_2331 = arith.constant 0 : i32
      %broadcast_in_dim3A_2332 = vector.broadcast %broadcast_in_dim3A_2331 : i32 to vector<16xi32>
      %add3A_2333 = arith.constant 3 : i32
      %add3A_2334 = vector.broadcast %add3A_2333 : i32 to vector<16xi32>
      %add3A_2335 = arith.addi %broadcast_in_dim3A_2332, %add3A_2334 : vector<16xi32>
      tpu.vector_store_idx %arg8[%add3A_2135, %add3A_2335], %add3A_2326 : memref<576x8xf32, #tpu.memory_space<vmem>>[vector<16xi32>, vector<16xi32>], vector<16xf32>,
      %add3A_2336 = arith.constant 4 : i32
      %add3A_2337 = vector.broadcast %add3A_2336 : i32 to vector<16xi32>
      %add3A_2338 = arith.addi %add3A_2335, %add3A_2337 : vector<16xi32>
      tpu.vector_store_idx %arg8[%add3A_2135, %add3A_2338], %select_n3A_2330 : memref<576x8xf32, #tpu.memory_space<vmem>>[vector<16xi32>, vector<16xi32>], vector<16xf32>,
    }
    %scan3A_2088 = arith.constant 36 : i32
    "tpu.region"() ({
      %run_scoped3A = tpu.sem_alloc : memref<!tpu.dma_semaphore, #tpu.memory_space<semaphore_mem>>
      %dma_start3A = arith.constant 0 : i32
      %dma_start3A_2089 = arith.constant 0 : i32
      %dma_start3A_2090 = tpu.memref_slice %arg4[%add3A, %dma_start3A, %dma_start3A_2089] : memref<32x576x8xf32, #tpu.memory_space<hbm>> -> memref<1x576x8xf32, #tpu.memory_space<hbm>>
      %dma_start3A_2091 = tpu.memref_squeeze %dma_start3A_2090 : memref<1x576x8xf32, #tpu.memory_space<hbm>> -> memref<576x8xf32, #tpu.memory_space<hbm>>
      %dma_start3A_2092 = arith.constant 0 : i32
      %dma_start3A_2093 = arith.constant 0 : i32
      %dma_start3A_2094 = tpu.memref_slice %arg4[%add3A, %dma_start3A_2092, %dma_start3A_2093] : memref<32x576x8xf32, #tpu.memory_space<hbm>> -> memref<1x576x8xf32, #tpu.memory_space<hbm>>
      %dma_start3A_2095 = tpu.memref_squeeze %dma_start3A_2094 : memref<1x576x8xf32, #tpu.memory_space<hbm>> -> memref<576x8xf32, #tpu.memory_space<hbm>>
      tpu.enqueue_dma source(%arg8 : memref<576x8xf32, #tpu.memory_space<vmem>>) target(%dma_start3A_2095 : memref<576x8xf32, #tpu.memory_space<hbm>>) target_semaphore(%run_scoped3A : memref<!tpu.dma_semaphore, #tpu.memory_space<semaphore_mem>>)
      %dma_wait3A = arith.constant 0 : i32
      %dma_wait3A_2096 = arith.constant 0 : i32
      %dma_wait3A_2097 = tpu.memref_slice %arg4[%add3A, %dma_wait3A, %dma_wait3A_2096] : memref<32x576x8xf32, #tpu.memory_space<hbm>> -> memref<1x576x8xf32, #tpu.memory_space<hbm>>
      %dma_wait3A_2098 = tpu.memref_squeeze %dma_wait3A_2097 : memref<1x576x8xf32, #tpu.memory_space<hbm>> -> memref<576x8xf32, #tpu.memory_space<hbm>>
      %dma_wait3A_2099 = arith.constant 0 : i32
      %dma_wait3A_2100 = arith.constant 0 : i32
      %dma_wait3A_2101 = tpu.memref_slice %arg4[%add3A, %dma_wait3A_2099, %dma_wait3A_2100] : memref<32x576x8xf32, #tpu.memory_space<hbm>> -> memref<1x576x8xf32, #tpu.memory_space<hbm>>
      %dma_wait3A_2102 = tpu.memref_squeeze %dma_wait3A_2101 : memref<1x576x8xf32, #tpu.memory_space<hbm>> -> memref<576x8xf32, #tpu.memory_space<hbm>>
      tpu.wait_dma2 semaphore(%run_scoped3A : memref<!tpu.dma_semaphore, #tpu.memory_space<semaphore_mem>>) src(%arg8 : memref<576x8xf32, #tpu.memory_space<vmem>>) dst(%dma_wait3A_2102 : memref<576x8xf32, #tpu.memory_space<hbm>>)
      tpu.yield
    }) : () -> ()
    return
  }
}

module attributes {stable_mosaic.version = 14 : i64} {
  func.func @body(%arg0: i32, %arg1: memref<32xi32, #tpu.memory_space<smem>>, %arg2: memref<2x576x128xf32, #tpu.memory_space<vmem>>, %arg3: memref<2x576x128xf32, #tpu.memory_space<vmem>>, %arg4: memref<1x2x2x576xf32, #tpu.memory_space<vmem>>) attributes {dimension_semantics = [#tpu.dimension_semantics<arbitrary>], iteration_bounds = array<i64: 32>, scalar_prefetch = 1 : i64, scratch_operands = 0 : i64, tpu.core_type = #tpu.core_type<tc>, window_params = [{transform_indices = @transform_0, window_bounds = array<i64: 2, 576, 128>}, {transform_indices = @transform_1, window_bounds = array<i64: 2, 576, 128>}, {transform_indices = @transform_2, window_bounds = array<i64: 1, 2, 2, 576>}]} {
    %get3A = arith.index_cast %arg0 : i32 to index
    %get3A_0 = memref.load %arg1[%get3A] : memref<32xi32, #tpu.memory_space<smem>>
    %jit3A = arith.constant 128 : i32
    %eq3A = arith.constant 0 : i32
    %eq3A_1 = arith.cmpi eq, %jit3A, %eq3A : i32
    %jit3A_2 = arith.constant 1 : i32
    %select_n3A = arith.select %eq3A_1, %jit3A_2, %jit3A : i32
    %rem3A = arith.remsi %get3A_0, %select_n3A : i32
    %ne3A = arith.constant 0 : i32
    %ne3A_3 = arith.cmpi ne, %rem3A, %ne3A : i32
    %lt3A = arith.constant 0 : i32
    %lt3A_4 = arith.cmpi slt, %rem3A, %lt3A : i32
    %lt3A_5 = arith.constant 0 : i32
    %lt3A_6 = arith.cmpi slt, %select_n3A, %lt3A_5 : i32
    %ne3A_7 = arith.xori %lt3A_4, %lt3A_6 : i1
    %and3A = arith.andi %ne3A_7, %ne3A_3 : i1
    %add3A = arith.addi %rem3A, %select_n3A : i32
    %select_n3A_8 = arith.select %and3A, %add3A, %rem3A : i32
    %iota3A = tpu.iota {dimensions = array<i32: 2>} : vector<2x576x128xi32>
    %eq3A_9 = vector.broadcast %select_n3A_8 : i32 to vector<2x576x128xi32>
    %eq3A_10 = arith.cmpi eq, %iota3A, %eq3A_9 : vector<2x576x128xi32>
    %get3A_11 = arith.constant 0 : index
    %get3A_12 = arith.constant 0 : index
    %get3A_13 = arith.constant 0 : index
    %get3A_14 = vector.load %arg2[%get3A_11, %get3A_12, %get3A_13] : memref<2x576x128xf32, #tpu.memory_space<vmem>>, vector<2x576x128xf32>
    %jit3A_15 = arith.constant 0.000000e+00 : f32
    %broadcast_in_dim3A = vector.broadcast %jit3A_15 : f32 to vector<2x576x128xf32>
    %select_n3A_16 = arith.select %eq3A_10, %get3A_14, %broadcast_in_dim3A : vector<2x576x128xi1>, vector<2x576x128xf32>
    %reduce_sum3A = arith.constant dense<0.000000e+00> : vector<2x576xf32>
    %reduce_sum3A_17 = vector.multi_reduction <add>, %select_n3A_16, %reduce_sum3A [2] : vector<2x576x128xf32> to vector<2x576xf32>
    %swap3A = arith.constant 0 : index
    %swap3A_18 = arith.constant 0 : index
    %swap3A_19 = arith.constant 0 : index
    %swap3A_20 = arith.constant 0 : index
    %swap3A_21 = vector.load %arg4[%swap3A, %swap3A_18, %swap3A_19, %swap3A_20] : memref<1x2x2x576xf32, #tpu.memory_space<vmem>>, vector<1x1x2x576xf32>
    %swap3A_22 = vector.shape_cast %swap3A_21 : vector<1x1x2x576xf32> to vector<2x576xf32>
    %swap3A_23 = vector.shape_cast %reduce_sum3A_17 : vector<2x576xf32> to vector<1x1x2x576xf32>
    tpu.vector_store %arg4[%swap3A, %swap3A_18, %swap3A_19, %swap3A_20], %swap3A_23 {strides = array<i32>} : memref<1x2x2x576xf32, #tpu.memory_space<vmem>>, vector<1x1x2x576xf32>,
    %get3A_24 = arith.constant 0 : index
    %get3A_25 = arith.constant 0 : index
    %get3A_26 = arith.constant 0 : index
    %get3A_27 = vector.load %arg3[%get3A_24, %get3A_25, %get3A_26] : memref<2x576x128xf32, #tpu.memory_space<vmem>>, vector<2x576x128xf32>
    %jit3A_28 = arith.constant 0.000000e+00 : f32
    %broadcast_in_dim3A_29 = vector.broadcast %jit3A_28 : f32 to vector<2x576x128xf32>
    %select_n3A_30 = arith.select %eq3A_10, %get3A_27, %broadcast_in_dim3A_29 : vector<2x576x128xi1>, vector<2x576x128xf32>
    %reduce_sum3A_31 = arith.constant dense<0.000000e+00> : vector<2x576xf32>
    %reduce_sum3A_32 = vector.multi_reduction <add>, %select_n3A_30, %reduce_sum3A_31 [2] : vector<2x576x128xf32> to vector<2x576xf32>
    %swap3A_33 = arith.constant 0 : index
    %swap3A_34 = arith.constant 1 : index
    %swap3A_35 = arith.constant 0 : index
    %swap3A_36 = arith.constant 0 : index
    %swap3A_37 = vector.load %arg4[%swap3A_33, %swap3A_34, %swap3A_35, %swap3A_36] : memref<1x2x2x576xf32, #tpu.memory_space<vmem>>, vector<1x1x2x576xf32>
    %swap3A_38 = vector.shape_cast %swap3A_37 : vector<1x1x2x576xf32> to vector<2x576xf32>
    %swap3A_39 = vector.shape_cast %reduce_sum3A_32 : vector<2x576xf32> to vector<1x1x2x576xf32>
    tpu.vector_store %arg4[%swap3A_33, %swap3A_34, %swap3A_35, %swap3A_36], %swap3A_39 {strides = array<i32>} : memref<1x2x2x576xf32, #tpu.memory_space<vmem>>, vector<1x1x2x576xf32>,
    return
  }
  func.func @transform_0(%arg0: i32, %arg1: memref<32xi32, #tpu.memory_space<smem>>) -> (i32, i32, i32) {
    %get3A = arith.index_cast %arg0 : i32 to index
    %get3A_0 = memref.load %arg1[%get3A] : memref<32xi32, #tpu.memory_space<smem>>
    %jit3A = arith.constant 128 : i32
    %div3A = arith.divsi %get3A_0, %jit3A : i32
    %sign3A = arith.constant 0 : i32
    %sign3A_1 = arith.cmpi sgt, %get3A_0, %sign3A : i32
    %sign3A_2 = arith.extui %sign3A_1 : i1 to i32
    %sign3A_3 = arith.constant 0 : i32
    %sign3A_4 = arith.cmpi slt, %get3A_0, %sign3A_3 : i32
    %sign3A_5 = arith.extui %sign3A_4 : i1 to i32
    %sign3A_6 = arith.subi %sign3A_2, %sign3A_5 : i32
    %sign3A_7 = arith.constant 0 : i32
    %sign3A_8 = arith.cmpi sgt, %jit3A, %sign3A_7 : i32
    %sign3A_9 = arith.extui %sign3A_8 : i1 to i32
    %sign3A_10 = arith.constant 0 : i32
    %sign3A_11 = arith.cmpi slt, %jit3A, %sign3A_10 : i32
    %sign3A_12 = arith.extui %sign3A_11 : i1 to i32
    %sign3A_13 = arith.subi %sign3A_9, %sign3A_12 : i32
    %ne3A = arith.cmpi ne, %sign3A_6, %sign3A_13 : i32
    %rem3A = arith.remsi %get3A_0, %jit3A : i32
    %ne3A_14 = arith.constant 0 : i32
    %ne3A_15 = arith.cmpi ne, %rem3A, %ne3A_14 : i32
    %and3A = arith.andi %ne3A, %ne3A_15 : i1
    %sub3A = arith.constant 1 : i32
    %sub3A_16 = arith.subi %div3A, %sub3A : i32
    %select_n3A = arith.select %and3A, %sub3A_16, %div3A : i32
    %c0_i32 = arith.constant 0 : i32
    %c0_i32_17 = arith.constant 0 : i32
    %c0_i32_18 = arith.constant 0 : i32
    return %c0_i32, %c0_i32_17, %select_n3A : i32, i32, i32
  }
  func.func @transform_1(%arg0: i32, %arg1: memref<32xi32, #tpu.memory_space<smem>>) -> (i32, i32, i32) {
    %get3A = arith.index_cast %arg0 : i32 to index
    %get3A_0 = memref.load %arg1[%get3A] : memref<32xi32, #tpu.memory_space<smem>>
    %jit3A = arith.constant 128 : i32
    %div3A = arith.divsi %get3A_0, %jit3A : i32
    %sign3A = arith.constant 0 : i32
    %sign3A_1 = arith.cmpi sgt, %get3A_0, %sign3A : i32
    %sign3A_2 = arith.extui %sign3A_1 : i1 to i32
    %sign3A_3 = arith.constant 0 : i32
    %sign3A_4 = arith.cmpi slt, %get3A_0, %sign3A_3 : i32
    %sign3A_5 = arith.extui %sign3A_4 : i1 to i32
    %sign3A_6 = arith.subi %sign3A_2, %sign3A_5 : i32
    %sign3A_7 = arith.constant 0 : i32
    %sign3A_8 = arith.cmpi sgt, %jit3A, %sign3A_7 : i32
    %sign3A_9 = arith.extui %sign3A_8 : i1 to i32
    %sign3A_10 = arith.constant 0 : i32
    %sign3A_11 = arith.cmpi slt, %jit3A, %sign3A_10 : i32
    %sign3A_12 = arith.extui %sign3A_11 : i1 to i32
    %sign3A_13 = arith.subi %sign3A_9, %sign3A_12 : i32
    %ne3A = arith.cmpi ne, %sign3A_6, %sign3A_13 : i32
    %rem3A = arith.remsi %get3A_0, %jit3A : i32
    %ne3A_14 = arith.constant 0 : i32
    %ne3A_15 = arith.cmpi ne, %rem3A, %ne3A_14 : i32
    %and3A = arith.andi %ne3A, %ne3A_15 : i1
    %sub3A = arith.constant 1 : i32
    %sub3A_16 = arith.subi %div3A, %sub3A : i32
    %select_n3A = arith.select %and3A, %sub3A_16, %div3A : i32
    %c0_i32 = arith.constant 0 : i32
    %c0_i32_17 = arith.constant 0 : i32
    %c0_i32_18 = arith.constant 0 : i32
    return %c0_i32, %c0_i32_17, %select_n3A : i32, i32, i32
  }
  func.func @transform_2(%arg0: i32, %arg1: memref<32xi32, #tpu.memory_space<smem>>) -> (i32, i32, i32, i32) {
    %c0_i32 = arith.constant 0 : i32
    %c0_i32_0 = arith.constant 0 : i32
    %c0_i32_1 = arith.constant 0 : i32
    %c0_i32_2 = arith.constant 0 : i32
    return %arg0, %c0_i32, %c0_i32_0, %c0_i32_1 : i32, i32, i32, i32
  }
}

module attributes {stable_mosaic.version = 14 : i64} {
  func.func @body(%arg0: i32, %arg1: memref<2x576x384xf32, #tpu.memory_space<vmem>>, %arg2: memref<384x1152xf32, #tpu.memory_space<vmem>>, %arg3: memref<1x1152xf32, #tpu.memory_space<vmem>>, %arg4: memref<2x576x8xf32, #tpu.memory_space<vmem>>, %arg5: memref<2x576x384xf32, #tpu.memory_space<vmem>>) attributes {dimension_semantics = [#tpu.dimension_semantics<arbitrary>], iteration_bounds = array<i64: 16>, scalar_prefetch = 0 : i64, scratch_operands = 0 : i64, tpu.core_type = #tpu.core_type<tc>, window_params = [{transform_indices = @transform_0, window_bounds = array<i64: 2, 576, 384>}, {pipeline_mode = #tpu.pipeline_mode<synchronous>, transform_indices = @transform_1, window_bounds = array<i64: 384, 1152>}, {pipeline_mode = #tpu.pipeline_mode<synchronous>, transform_indices = @transform_2, window_bounds = array<i64: 1, 1152>}, {transform_indices = @transform_3, window_bounds = array<i64: 2, 576, 8>}, {transform_indices = @transform_4, window_bounds = array<i64: 2, 576, 384>}]} {
    %iota3A = tpu.iota {dimensions = array<i32: 1>} : vector<576x576xi32>
    %get3A = arith.constant 0 : index
    %get3A_0 = arith.constant 0 : index
    %get3A_1 = arith.constant 0 : index
    %get3A_2 = vector.load %arg1[%get3A, %get3A_0, %get3A_1] : memref<2x576x384xf32, #tpu.memory_space<vmem>>, vector<1x576x384xf32>
    %get3A_3 = vector.shape_cast %get3A_2 : vector<1x576x384xf32> to vector<576x384xf32>
    %get3A_4 = arith.constant 0 : index
    %get3A_5 = arith.constant 0 : index
    %get3A_6 = vector.load %arg2[%get3A_4, %get3A_5] : memref<384x1152xf32, #tpu.memory_space<vmem>>, vector<384x1152xf32>
    %dot_general3A = arith.constant dense<0.000000e+00> : vector<576x1152xf32>
    %dot_general3A_7 = tpu.matmul %get3A_3, %get3A_6, %dot_general3A {dimension_numbers = #tpu.dot_dimension_numbers<[1], [0], [0], [1], [0, 0, 1, 1], [], []>, transpose_lhs_hint = false} : vector<576x384xf32>, vector<384x1152xf32>, vector<576x1152xf32> -> vector<576x1152xf32>
    %get3A_8 = arith.constant 0 : index
    %get3A_9 = arith.constant 0 : index
    %get3A_10 = vector.load %arg3[%get3A_8, %get3A_9] : memref<1x1152xf32, #tpu.memory_space<vmem>>, vector<1x1152xf32>
    %add3A = vector.broadcast %get3A_10 : vector<1x1152xf32> to vector<576x1152xf32>
    %add3A_11 = arith.addf %dot_general3A_7, %add3A : vector<576x1152xf32>
    %slice3A = vector.extract_strided_slice %add3A_11 {offsets = [0, 0], sizes = [576, 384], strides = [1, 1]} : vector<576x1152xf32> to vector<576x384xf32>
    %slice3A_12 = vector.extract_strided_slice %add3A_11 {offsets = [0, 384], sizes = [576, 384], strides = [1, 1]} : vector<576x1152xf32> to vector<576x384xf32>
    %slice3A_13 = vector.extract_strided_slice %add3A_11 {offsets = [0, 768], sizes = [576, 384], strides = [1, 1]} : vector<576x1152xf32> to vector<576x384xf32>
    %get3A_14 = arith.constant 0 : index
    %get3A_15 = arith.constant 0 : index
    %get3A_16 = arith.constant 0 : index
    %get3A_17 = vector.load %arg4[%get3A_14, %get3A_15, %get3A_16] : memref<2x576x8xf32, #tpu.memory_space<vmem>>, vector<1x576x8xf32>
    %get3A_18 = vector.shape_cast %get3A_17 : vector<1x576x8xf32> to vector<576x8xf32>
    %broadcast_in_dim3A = arith.constant 0.000000e+00 : f32
    %broadcast_in_dim3A_19 = vector.broadcast %broadcast_in_dim3A : f32 to vector<576x576xf32>
    %slice3A_20 = vector.extract_strided_slice %get3A_18 {offsets = [0, 0], sizes = [576, 1], strides = [1, 1]} : vector<576x8xf32> to vector<576x1xf32>
    %convert_element_type3A = arith.fptosi %slice3A_20 : vector<576x1xf32> to vector<576x1xi32>
    %slice3A_21 = vector.extract_strided_slice %get3A_18 {offsets = [0, 4], sizes = [576, 1], strides = [1, 1]} : vector<576x8xf32> to vector<576x1xf32>
    %eq3A = vector.broadcast %convert_element_type3A : vector<576x1xi32> to vector<576x576xi32>
    %eq3A_22 = arith.cmpi eq, %iota3A, %eq3A : vector<576x576xi32>
    %jit3A = arith.constant 0.000000e+00 : f32
    %broadcast_in_dim3A_23 = vector.shape_cast %slice3A_21 : vector<576x1xf32> to vector<576x1xf32>
    %broadcast_in_dim3A_24 = vector.broadcast %broadcast_in_dim3A_23 : vector<576x1xf32> to vector<576x576xf32>
    %broadcast_in_dim3A_25 = vector.broadcast %jit3A : f32 to vector<576x576xf32>
    %select_n3A = arith.select %eq3A_22, %broadcast_in_dim3A_24, %broadcast_in_dim3A_25 : vector<576x576xi1>, vector<576x576xf32>
    %add3A_26 = arith.addf %broadcast_in_dim3A_19, %select_n3A : vector<576x576xf32>
    %slice3A_27 = vector.extract_strided_slice %get3A_18 {offsets = [0, 1], sizes = [576, 1], strides = [1, 1]} : vector<576x8xf32> to vector<576x1xf32>
    %convert_element_type3A_28 = arith.fptosi %slice3A_27 : vector<576x1xf32> to vector<576x1xi32>
    %slice3A_29 = vector.extract_strided_slice %get3A_18 {offsets = [0, 5], sizes = [576, 1], strides = [1, 1]} : vector<576x8xf32> to vector<576x1xf32>
    %eq3A_30 = vector.broadcast %convert_element_type3A_28 : vector<576x1xi32> to vector<576x576xi32>
    %eq3A_31 = arith.cmpi eq, %iota3A, %eq3A_30 : vector<576x576xi32>
    %jit3A_32 = arith.constant 0.000000e+00 : f32
    %broadcast_in_dim3A_33 = vector.shape_cast %slice3A_29 : vector<576x1xf32> to vector<576x1xf32>
    %broadcast_in_dim3A_34 = vector.broadcast %broadcast_in_dim3A_33 : vector<576x1xf32> to vector<576x576xf32>
    %broadcast_in_dim3A_35 = vector.broadcast %jit3A_32 : f32 to vector<576x576xf32>
    %select_n3A_36 = arith.select %eq3A_31, %broadcast_in_dim3A_34, %broadcast_in_dim3A_35 : vector<576x576xi1>, vector<576x576xf32>
    %add3A_37 = arith.addf %add3A_26, %select_n3A_36 : vector<576x576xf32>
    %slice3A_38 = vector.extract_strided_slice %get3A_18 {offsets = [0, 2], sizes = [576, 1], strides = [1, 1]} : vector<576x8xf32> to vector<576x1xf32>
    %convert_element_type3A_39 = arith.fptosi %slice3A_38 : vector<576x1xf32> to vector<576x1xi32>
    %slice3A_40 = vector.extract_strided_slice %get3A_18 {offsets = [0, 6], sizes = [576, 1], strides = [1, 1]} : vector<576x8xf32> to vector<576x1xf32>
    %eq3A_41 = vector.broadcast %convert_element_type3A_39 : vector<576x1xi32> to vector<576x576xi32>
    %eq3A_42 = arith.cmpi eq, %iota3A, %eq3A_41 : vector<576x576xi32>
    %jit3A_43 = arith.constant 0.000000e+00 : f32
    %broadcast_in_dim3A_44 = vector.shape_cast %slice3A_40 : vector<576x1xf32> to vector<576x1xf32>
    %broadcast_in_dim3A_45 = vector.broadcast %broadcast_in_dim3A_44 : vector<576x1xf32> to vector<576x576xf32>
    %broadcast_in_dim3A_46 = vector.broadcast %jit3A_43 : f32 to vector<576x576xf32>
    %select_n3A_47 = arith.select %eq3A_42, %broadcast_in_dim3A_45, %broadcast_in_dim3A_46 : vector<576x576xi1>, vector<576x576xf32>
    %add3A_48 = arith.addf %add3A_37, %select_n3A_47 : vector<576x576xf32>
    %slice3A_49 = vector.extract_strided_slice %get3A_18 {offsets = [0, 3], sizes = [576, 1], strides = [1, 1]} : vector<576x8xf32> to vector<576x1xf32>
    %convert_element_type3A_50 = arith.fptosi %slice3A_49 : vector<576x1xf32> to vector<576x1xi32>
    %slice3A_51 = vector.extract_strided_slice %get3A_18 {offsets = [0, 7], sizes = [576, 1], strides = [1, 1]} : vector<576x8xf32> to vector<576x1xf32>
    %eq3A_52 = vector.broadcast %convert_element_type3A_50 : vector<576x1xi32> to vector<576x576xi32>
    %eq3A_53 = arith.cmpi eq, %iota3A, %eq3A_52 : vector<576x576xi32>
    %jit3A_54 = arith.constant 0.000000e+00 : f32
    %broadcast_in_dim3A_55 = vector.shape_cast %slice3A_51 : vector<576x1xf32> to vector<576x1xf32>
    %broadcast_in_dim3A_56 = vector.broadcast %broadcast_in_dim3A_55 : vector<576x1xf32> to vector<576x576xf32>
    %broadcast_in_dim3A_57 = vector.broadcast %jit3A_54 : f32 to vector<576x576xf32>
    %select_n3A_58 = arith.select %eq3A_53, %broadcast_in_dim3A_56, %broadcast_in_dim3A_57 : vector<576x576xi1>, vector<576x576xf32>
    %add3A_59 = arith.addf %add3A_48, %select_n3A_58 : vector<576x576xf32>
    %dot_general3A_60 = arith.constant dense<0.000000e+00> : vector<576x384xf32>
    %dot_general3A_61 = tpu.matmul %add3A_59, %slice3A_12, %dot_general3A_60 {dimension_numbers = #tpu.dot_dimension_numbers<[1], [0], [0], [1], [0, 0, 1, 1], [], []>, transpose_lhs_hint = false} : vector<576x576xf32>, vector<576x384xf32>, vector<576x384xf32> -> vector<576x384xf32>
    %dot_general3A_62 = arith.constant dense<0.000000e+00> : vector<576x384xf32>
    %dot_general3A_63 = tpu.matmul %add3A_59, %slice3A_13, %dot_general3A_62 {dimension_numbers = #tpu.dot_dimension_numbers<[1], [0], [0], [1], [0, 0, 1, 1], [], []>, transpose_lhs_hint = false} : vector<576x576xf32>, vector<576x384xf32>, vector<576x384xf32> -> vector<576x384xf32>
    %mul3A = arith.mulf %dot_general3A_61, %slice3A : vector<576x384xf32>
    %reduce_sum3A = arith.constant dense<0.000000e+00> : vector<576xf32>
    %reduce_sum3A_64 = vector.multi_reduction <add>, %mul3A, %reduce_sum3A [1] : vector<576x384xf32> to vector<576xf32>
    %broadcast_in_dim3A_65 = vector.shape_cast %reduce_sum3A_64 : vector<576xf32> to vector<576x1xf32>
    %mul3A_66 = arith.constant -0.00999999977 : f32
    %mul3A_67 = vector.broadcast %mul3A_66 : f32 to vector<576x1xf32>
    %mul3A_68 = arith.mulf %mul3A_67, %broadcast_in_dim3A_65 : vector<576x1xf32>
    %exp3A = math.exp %mul3A_68 : vector<576x1xf32>
    %add3A_69 = arith.constant 1.000000e+00 : f32
    %add3A_70 = vector.broadcast %add3A_69 : f32 to vector<576x1xf32>
    %add3A_71 = arith.addf %add3A_70, %exp3A : vector<576x1xf32>
    %div3A = vector.broadcast %add3A_71 : vector<576x1xf32> to vector<576x384xf32>
    %div3A_72 = arith.divf %dot_general3A_63, %div3A : vector<576x384xf32>
    %swap3A = arith.constant 0 : index
    %swap3A_73 = arith.constant 0 : index
    %swap3A_74 = arith.constant 0 : index
    %swap3A_75 = vector.load %arg5[%swap3A, %swap3A_73, %swap3A_74] : memref<2x576x384xf32, #tpu.memory_space<vmem>>, vector<1x576x384xf32>
    %swap3A_76 = vector.shape_cast %swap3A_75 : vector<1x576x384xf32> to vector<576x384xf32>
    %swap3A_77 = vector.shape_cast %div3A_72 : vector<576x384xf32> to vector<1x576x384xf32>
    tpu.vector_store %arg5[%swap3A, %swap3A_73, %swap3A_74], %swap3A_77 {strides = array<i32>} : memref<2x576x384xf32, #tpu.memory_space<vmem>>, vector<1x576x384xf32>,
    %get3A_78 = arith.constant 1 : index
    %get3A_79 = arith.constant 0 : index
    %get3A_80 = arith.constant 0 : index
    %get3A_81 = vector.load %arg1[%get3A_78, %get3A_79, %get3A_80] : memref<2x576x384xf32, #tpu.memory_space<vmem>>, vector<1x576x384xf32>
    %get3A_82 = vector.shape_cast %get3A_81 : vector<1x576x384xf32> to vector<576x384xf32>
    %get3A_83 = arith.constant 0 : index
    %get3A_84 = arith.constant 0 : index
    %get3A_85 = vector.load %arg2[%get3A_83, %get3A_84] : memref<384x1152xf32, #tpu.memory_space<vmem>>, vector<384x1152xf32>
    %dot_general3A_86 = arith.constant dense<0.000000e+00> : vector<576x1152xf32>
    %dot_general3A_87 = tpu.matmul %get3A_82, %get3A_85, %dot_general3A_86 {dimension_numbers = #tpu.dot_dimension_numbers<[1], [0], [0], [1], [0, 0, 1, 1], [], []>, transpose_lhs_hint = false} : vector<576x384xf32>, vector<384x1152xf32>, vector<576x1152xf32> -> vector<576x1152xf32>
    %get3A_88 = arith.constant 0 : index
    %get3A_89 = arith.constant 0 : index
    %get3A_90 = vector.load %arg3[%get3A_88, %get3A_89] : memref<1x1152xf32, #tpu.memory_space<vmem>>, vector<1x1152xf32>
    %add3A_91 = vector.broadcast %get3A_90 : vector<1x1152xf32> to vector<576x1152xf32>
    %add3A_92 = arith.addf %dot_general3A_87, %add3A_91 : vector<576x1152xf32>
    %slice3A_93 = vector.extract_strided_slice %add3A_92 {offsets = [0, 0], sizes = [576, 384], strides = [1, 1]} : vector<576x1152xf32> to vector<576x384xf32>
    %slice3A_94 = vector.extract_strided_slice %add3A_92 {offsets = [0, 384], sizes = [576, 384], strides = [1, 1]} : vector<576x1152xf32> to vector<576x384xf32>
    %slice3A_95 = vector.extract_strided_slice %add3A_92 {offsets = [0, 768], sizes = [576, 384], strides = [1, 1]} : vector<576x1152xf32> to vector<576x384xf32>
    %get3A_96 = arith.constant 1 : index
    %get3A_97 = arith.constant 0 : index
    %get3A_98 = arith.constant 0 : index
    %get3A_99 = vector.load %arg4[%get3A_96, %get3A_97, %get3A_98] : memref<2x576x8xf32, #tpu.memory_space<vmem>>, vector<1x576x8xf32>
    %get3A_100 = vector.shape_cast %get3A_99 : vector<1x576x8xf32> to vector<576x8xf32>
    %broadcast_in_dim3A_101 = arith.constant 0.000000e+00 : f32
    %broadcast_in_dim3A_102 = vector.broadcast %broadcast_in_dim3A_101 : f32 to vector<576x576xf32>
    %slice3A_103 = vector.extract_strided_slice %get3A_100 {offsets = [0, 0], sizes = [576, 1], strides = [1, 1]} : vector<576x8xf32> to vector<576x1xf32>
    %convert_element_type3A_104 = arith.fptosi %slice3A_103 : vector<576x1xf32> to vector<576x1xi32>
    %slice3A_105 = vector.extract_strided_slice %get3A_100 {offsets = [0, 4], sizes = [576, 1], strides = [1, 1]} : vector<576x8xf32> to vector<576x1xf32>
    %eq3A_106 = vector.broadcast %convert_element_type3A_104 : vector<576x1xi32> to vector<576x576xi32>
    %eq3A_107 = arith.cmpi eq, %iota3A, %eq3A_106 : vector<576x576xi32>
    %jit3A_108 = arith.constant 0.000000e+00 : f32
    %broadcast_in_dim3A_109 = vector.shape_cast %slice3A_105 : vector<576x1xf32> to vector<576x1xf32>
    %broadcast_in_dim3A_110 = vector.broadcast %broadcast_in_dim3A_109 : vector<576x1xf32> to vector<576x576xf32>
    %broadcast_in_dim3A_111 = vector.broadcast %jit3A_108 : f32 to vector<576x576xf32>
    %select_n3A_112 = arith.select %eq3A_107, %broadcast_in_dim3A_110, %broadcast_in_dim3A_111 : vector<576x576xi1>, vector<576x576xf32>
    %add3A_113 = arith.addf %broadcast_in_dim3A_102, %select_n3A_112 : vector<576x576xf32>
    %slice3A_114 = vector.extract_strided_slice %get3A_100 {offsets = [0, 1], sizes = [576, 1], strides = [1, 1]} : vector<576x8xf32> to vector<576x1xf32>
    %convert_element_type3A_115 = arith.fptosi %slice3A_114 : vector<576x1xf32> to vector<576x1xi32>
    %slice3A_116 = vector.extract_strided_slice %get3A_100 {offsets = [0, 5], sizes = [576, 1], strides = [1, 1]} : vector<576x8xf32> to vector<576x1xf32>
    %eq3A_117 = vector.broadcast %convert_element_type3A_115 : vector<576x1xi32> to vector<576x576xi32>
    %eq3A_118 = arith.cmpi eq, %iota3A, %eq3A_117 : vector<576x576xi32>
    %jit3A_119 = arith.constant 0.000000e+00 : f32
    %broadcast_in_dim3A_120 = vector.shape_cast %slice3A_116 : vector<576x1xf32> to vector<576x1xf32>
    %broadcast_in_dim3A_121 = vector.broadcast %broadcast_in_dim3A_120 : vector<576x1xf32> to vector<576x576xf32>
    %broadcast_in_dim3A_122 = vector.broadcast %jit3A_119 : f32 to vector<576x576xf32>
    %select_n3A_123 = arith.select %eq3A_118, %broadcast_in_dim3A_121, %broadcast_in_dim3A_122 : vector<576x576xi1>, vector<576x576xf32>
    %add3A_124 = arith.addf %add3A_113, %select_n3A_123 : vector<576x576xf32>
    %slice3A_125 = vector.extract_strided_slice %get3A_100 {offsets = [0, 2], sizes = [576, 1], strides = [1, 1]} : vector<576x8xf32> to vector<576x1xf32>
    %convert_element_type3A_126 = arith.fptosi %slice3A_125 : vector<576x1xf32> to vector<576x1xi32>
    %slice3A_127 = vector.extract_strided_slice %get3A_100 {offsets = [0, 6], sizes = [576, 1], strides = [1, 1]} : vector<576x8xf32> to vector<576x1xf32>
    %eq3A_128 = vector.broadcast %convert_element_type3A_126 : vector<576x1xi32> to vector<576x576xi32>
    %eq3A_129 = arith.cmpi eq, %iota3A, %eq3A_128 : vector<576x576xi32>
    %jit3A_130 = arith.constant 0.000000e+00 : f32
    %broadcast_in_dim3A_131 = vector.shape_cast %slice3A_127 : vector<576x1xf32> to vector<576x1xf32>
    %broadcast_in_dim3A_132 = vector.broadcast %broadcast_in_dim3A_131 : vector<576x1xf32> to vector<576x576xf32>
    %broadcast_in_dim3A_133 = vector.broadcast %jit3A_130 : f32 to vector<576x576xf32>
    %select_n3A_134 = arith.select %eq3A_129, %broadcast_in_dim3A_132, %broadcast_in_dim3A_133 : vector<576x576xi1>, vector<576x576xf32>
    %add3A_135 = arith.addf %add3A_124, %select_n3A_134 : vector<576x576xf32>
    %slice3A_136 = vector.extract_strided_slice %get3A_100 {offsets = [0, 3], sizes = [576, 1], strides = [1, 1]} : vector<576x8xf32> to vector<576x1xf32>
    %convert_element_type3A_137 = arith.fptosi %slice3A_136 : vector<576x1xf32> to vector<576x1xi32>
    %slice3A_138 = vector.extract_strided_slice %get3A_100 {offsets = [0, 7], sizes = [576, 1], strides = [1, 1]} : vector<576x8xf32> to vector<576x1xf32>
    %eq3A_139 = vector.broadcast %convert_element_type3A_137 : vector<576x1xi32> to vector<576x576xi32>
    %eq3A_140 = arith.cmpi eq, %iota3A, %eq3A_139 : vector<576x576xi32>
    %jit3A_141 = arith.constant 0.000000e+00 : f32
    %broadcast_in_dim3A_142 = vector.shape_cast %slice3A_138 : vector<576x1xf32> to vector<576x1xf32>
    %broadcast_in_dim3A_143 = vector.broadcast %broadcast_in_dim3A_142 : vector<576x1xf32> to vector<576x576xf32>
    %broadcast_in_dim3A_144 = vector.broadcast %jit3A_141 : f32 to vector<576x576xf32>
    %select_n3A_145 = arith.select %eq3A_140, %broadcast_in_dim3A_143, %broadcast_in_dim3A_144 : vector<576x576xi1>, vector<576x576xf32>
    %add3A_146 = arith.addf %add3A_135, %select_n3A_145 : vector<576x576xf32>
    %dot_general3A_147 = arith.constant dense<0.000000e+00> : vector<576x384xf32>
    %dot_general3A_148 = tpu.matmul %add3A_146, %slice3A_94, %dot_general3A_147 {dimension_numbers = #tpu.dot_dimension_numbers<[1], [0], [0], [1], [0, 0, 1, 1], [], []>, transpose_lhs_hint = false} : vector<576x576xf32>, vector<576x384xf32>, vector<576x384xf32> -> vector<576x384xf32>
    %dot_general3A_149 = arith.constant dense<0.000000e+00> : vector<576x384xf32>
    %dot_general3A_150 = tpu.matmul %add3A_146, %slice3A_95, %dot_general3A_149 {dimension_numbers = #tpu.dot_dimension_numbers<[1], [0], [0], [1], [0, 0, 1, 1], [], []>, transpose_lhs_hint = false} : vector<576x576xf32>, vector<576x384xf32>, vector<576x384xf32> -> vector<576x384xf32>
    %mul3A_151 = arith.mulf %dot_general3A_148, %slice3A_93 : vector<576x384xf32>
    %reduce_sum3A_152 = arith.constant dense<0.000000e+00> : vector<576xf32>
    %reduce_sum3A_153 = vector.multi_reduction <add>, %mul3A_151, %reduce_sum3A_152 [1] : vector<576x384xf32> to vector<576xf32>
    %broadcast_in_dim3A_154 = vector.shape_cast %reduce_sum3A_153 : vector<576xf32> to vector<576x1xf32>
    %mul3A_155 = arith.constant -0.00999999977 : f32
    %mul3A_156 = vector.broadcast %mul3A_155 : f32 to vector<576x1xf32>
    %mul3A_157 = arith.mulf %mul3A_156, %broadcast_in_dim3A_154 : vector<576x1xf32>
    %exp3A_158 = math.exp %mul3A_157 : vector<576x1xf32>
    %add3A_159 = arith.constant 1.000000e+00 : f32
    %add3A_160 = vector.broadcast %add3A_159 : f32 to vector<576x1xf32>
    %add3A_161 = arith.addf %add3A_160, %exp3A_158 : vector<576x1xf32>
    %div3A_162 = vector.broadcast %add3A_161 : vector<576x1xf32> to vector<576x384xf32>
    %div3A_163 = arith.divf %dot_general3A_150, %div3A_162 : vector<576x384xf32>
    %swap3A_164 = arith.constant 1 : index
    %swap3A_165 = arith.constant 0 : index
    %swap3A_166 = arith.constant 0 : index
    %swap3A_167 = vector.load %arg5[%swap3A_164, %swap3A_165, %swap3A_166] : memref<2x576x384xf32, #tpu.memory_space<vmem>>, vector<1x576x384xf32>
    %swap3A_168 = vector.shape_cast %swap3A_167 : vector<1x576x384xf32> to vector<576x384xf32>
    %swap3A_169 = vector.shape_cast %div3A_163 : vector<576x384xf32> to vector<1x576x384xf32>
    tpu.vector_store %arg5[%swap3A_164, %swap3A_165, %swap3A_166], %swap3A_169 {strides = array<i32>} : memref<2x576x384xf32, #tpu.memory_space<vmem>>, vector<1x576x384xf32>,
    return
  }
  func.func @transform_0(%arg0: i32) -> (i32, i32, i32) {
    %c0_i32 = arith.constant 0 : i32
    %c0_i32_0 = arith.constant 0 : i32
    %c0_i32_1 = arith.constant 0 : i32
    return %arg0, %c0_i32, %c0_i32_0 : i32, i32, i32
  }
  func.func @transform_1(%arg0: i32) -> (i32, i32) {
    %c0_i32 = arith.constant 0 : i32
    %c0_i32_0 = arith.constant 0 : i32
    %c0_i32_1 = arith.constant 0 : i32
    return %c0_i32, %c0_i32_0 : i32, i32
  }
  func.func @transform_2(%arg0: i32) -> (i32, i32) {
    %c0_i32 = arith.constant 0 : i32
    %c0_i32_0 = arith.constant 0 : i32
    %c0_i32_1 = arith.constant 0 : i32
    return %c0_i32, %c0_i32_0 : i32, i32
  }
  func.func @transform_3(%arg0: i32) -> (i32, i32, i32) {
    %c0_i32 = arith.constant 0 : i32
    %c0_i32_0 = arith.constant 0 : i32
    %c0_i32_1 = arith.constant 0 : i32
    return %arg0, %c0_i32, %c0_i32_0 : i32, i32, i32
  }
  func.func @transform_4(%arg0: i32) -> (i32, i32, i32) {
    %c0_i32 = arith.constant 0 : i32
    %c0_i32_0 = arith.constant 0 : i32
    %c0_i32_1 = arith.constant 0 : i32
    return %arg0, %c0_i32, %c0_i32_0 : i32, i32, i32
  }
}

</mosaic_0001>

<sc_bundles>
// kernel: kernel.5.cloned.1.call-start
scs
__scs_entry_jumppad:
0x0: {  	(pc) =	sbr.rel $0x88, $3  }
0x1: {  	(tag) =	ssettag $0x0;
	lr =	simm.s32 $0x1  }
0x2: {  	[smem:$0x3F97] =	sst lr;
	_ =	strace $0xD0000000  }
0x3: {  	_ = 	snop  }
0x4: {  	_ = 	snop  }
0x5: {  	_ = 	snop  }
0x6: {  	_ = 	snop  }
0x7: {  	_ = 	snop  }
__scs_overlays_trampoline_lowered:
0x8: {  	[smem:$0x3FA6] =	sst s0  }
0x9: {  	[smem:$0x3FA7] =	sst s1  }
0xa: {  	[smem:$0x3FA8] =	sst s2  }
0xb: {  	[smem:$0x3FA9] =	sst s3  }
0xc: {  	[smem:$0x3FAA] =	sst s4  }
0xd: {  	[smem:$0x3FAB] =	sst s5  }
0xe: {  	[smem:$0x3FAC] =	sst s6  }
0xf: {  	[smem:$0x3FAD] =	sst s7  }
0x10: {  	[smem:$0x3FAE] =	sst s8  }
0x11: {  	[smem:$0x3FAF] =	sst s9;
	s0 =	simm.s32 @!p0 $0x0  }
0x12: {  	s1 =	sld [smem:$0x3F95];
	s0 =	simm.s32 @p0 $0x1  }
0x13: {  	[smem:$0x3FB0] =	sst s0;
	s0 =	simm.s32 @!p1 $0x0  }
0x14: {  	s2 =	sld [smem:$0x3F94];
	s0 =	simm.s32 @p1 $0x1  }
0x15: {  	[smem:$0x3FB1] =	sst s0;
	s0 =	simm.s32 @!p2 $0x0  }
0x16: {  	s3 =	sld [smem:$0x3FDB];
	s0 =	simm.s32 @p2 $0x1  }
0x17: {  	s4 =	simm.s32 $0x1BF5;
	[smem:$0x3FB3] =	sst s0  }
0x18: {  	s0 =	sld [smem:$0x3F96];
	_ =	swait.ge [sflag:s4], $0x0  }
0x19: {  	s7 =	sld [smem:$0x3F97]  }
0x1a: {  	s8 =	sadd.s32 $0xFFFFE003, lr  }
0x1b: {  	s9 =	sadd.s32 $0xFFFFFEF7, lr;
	s5 =	simm.s32 $0xFFFFFFFF;
	p2 =	slt.u32 s8, $0xFFFFF086  }
0x1c: {  	p1 =	slt.u32 s9, $0xF7A;
	s5 =	simm.s32 @!p2 $0x0  }
0x1d: {  	s5 =	simm.s32 @p1 $0x1;
	p0 =	seq.s32 s7, s2  }
0x1e: {  	s7 =	smul.u32 @!p0 $0xF7A, s2;
	p2 =	seq.s32 @!p0 s5, $0x0  }
0x1f: {  	s9 =	smul.u32 $0xF7A, s1;
	s8 =	simm.s32 @!p0 $0x1BF5;
	p2 =	por !p2, p0  }
0x20: {  	[sflag:s8] =	ssyncset.s32 @!p0 $0xFFFFF086;
	s6 =	sadd.s32 @!p0 s3, s7;
	s7 =	simm.s32 @!p0 $0x108  }
0x21: {  	s3 =	sadd.s32 s3, s9;
	s6 =	sadd.s32 @!p0 $0x88, s6;
	s7 =	simm.s32 @p2 $0x1082  }
0x22: {  	[simem:s7], [sflag:s8] =	dma.local @!p0 [hbm:s6], $0xF7A  }
0x23: {  	s9 =	sor.u32 $0xD0000000, s2;
	s6 =	simm.s32 $0x108;
	_ =	swait.ge @!p0 [sflag:s8], $0x0  }
0x24: {  	s3 =	sadd.s32 $0x88, s3;
	s6 =	simm.s32 @!p1 $0x1082;
	[sflag:s4] =	ssyncset.s32 $0xFFFFF086  }
0x25: {  	[simem:s6], [sflag:s4] =	dma.local [hbm:s3], $0xF7A  }
0x26: {  	[smem:$0x3F97] =	sst s1;
	(tag) =	ssettag s2;
	_ =	strace s9  }
0x27: {  	s1 =	sld [smem:$0x3FA7]  }
0x28: {  	s2 =	sld [smem:$0x3FA8]  }
0x29: {  	s4 =	sld [smem:$0x3FAA]  }
0x2a: {  	p0 =	seq.s32 s5, $0x0;
	s5 =	sld [smem:$0x3FAB]  }
0x2b: {  	s6 =	sld [smem:$0x3FAC]  }
0x2c: {  	s7 =	sld [smem:$0x3FAD]  }
0x2d: {  	s3 =	simm.s32 $0x108;
	s8 =	sld [smem:$0x3FAE]  }
0x2e: {  	s3 =	simm.s32 @!p0 $0x1082;
	s9 =	sld [smem:$0x3FAF]  }
0x2f: {  	lr =	sadd.s32 s0, s3;
	s0 =	sld [smem:$0x3FA6]  }
0x30: {  	s3 =	sld [smem:$0x3FA9]  }
0x31: {  	[smem:$0x3FB2] =	sst s10  }
0x32: {  	s10 =	sld [smem:$0x3FB0];
	_ =	sdelay $0x3  }
0x33: {  	p0 =	seq.s32 s10, $0x1;
	s10 =	sld [smem:$0x3FB2];
	_ =	sdelay $0x3  }
0x34: {  	[smem:$0x3FB2] =	sst s10  }
0x35: {  	s10 =	sld [smem:$0x3FB1];
	_ =	sdelay $0x3  }
0x36: {  	p1 =	seq.s32 s10, $0x1;
	s10 =	sld [smem:$0x3FB2];
	_ =	sdelay $0x3  }
0x37: {  	[smem:$0x3FB2] =	sst s10  }
0x38: {  	s10 =	sld [smem:$0x3FB3]  }
0x39: {  	_ = 	snop;
	(pc) =	sbr.ind lr, $3  }
0x3a: {  	_ = 	snop  }
0x3b: {  	_ = 	snop  }
0x3c: {  	p2 =	seq.s32 s10, $0x1;
	s10 =	sld [smem:$0x3FB2]  }
0x3d: {  	_ =	shalt  }
0x3e: {  	_ =	shalt  }
0x3f: {  	_ =	shalt  }
0x40: {  	_ =	shalt  }
0x41: {  	_ =	shalt  }
0x42: {  	_ =	shalt  }
0x43: {  	_ =	shalt  }
0x44: {  	_ =	shalt  }
0x45: {  	_ =	shalt  }
0x46: {  	_ =	shalt  }
0x47: {  	_ =	shalt  }
0x48: {  	_ =	shalt  }
0x49: {  	_ =	shalt  }
0x4a: {  	_ =	shalt  }
0x4b: {  	_ =	shalt  }
0x4c: {  	_ =	shalt  }
0x4d: {  	_ =	shalt  }
0x4e: {  	_ =	shalt  }
0x4f: {  	_ =	shalt  }
0x50: {  	_ =	shalt  }
0x51: {  	_ =	shalt  }
0x52: {  	_ =	shalt  }
0x53: {  	_ =	shalt  }
0x54: {  	_ =	shalt  }
0x55: {  	_ =	shalt  }
0x56: {  	_ =	shalt  }
0x57: {  	_ =	shalt  }
0x58: {  	_ =	shalt  }
0x59: {  	_ =	shalt  }
0x5a: {  	_ =	shalt  }
0x5b: {  	_ =	shalt  }
0x5c: {  	_ =	shalt  }
0x5d: {  	_ =	shalt  }
0x5e: {  	_ =	shalt  }
0x5f: {  	_ =	shalt  }
0x60: {  	_ =	shalt  }
0x61: {  	_ =	shalt  }
0x62: {  	_ =	shalt  }
0x63: {  	_ =	shalt  }
0x64: {  	_ =	shalt  }
0x65: {  	_ =	shalt  }
0x66: {  	_ =	shalt  }
0x67: {  	_ =	shalt  }
0x68: {  	_ =	shalt  }
0x69: {  	_ =	shalt  }
0x6a: {  	_ =	shalt  }
0x6b: {  	_ =	shalt  }
0x6c: {  	_ =	shalt  }
0x6d: {  	_ =	shalt  }
0x6e: {  	_ =	shalt  }
0x6f: {  	_ =	shalt  }
0x70: {  	_ =	shalt  }
0x71: {  	_ =	shalt  }
0x72: {  	_ =	shalt  }
0x73: {  	_ =	shalt  }
0x74: {  	_ =	shalt  }
0x75: {  	_ =	shalt  }
0x76: {  	_ =	shalt  }
0x77: {  	_ =	shalt  }
0x78: {  	_ =	shalt  }
0x79: {  	_ =	shalt  }
0x7a: {  	_ =	shalt  }
0x7b: {  	_ =	shalt  }
0x7c: {  	_ =	shalt  }
0x7d: {  	_ =	shalt  }
0x7e: {  	_ =	shalt  }
0x7f: {  	_ =	shalt  }
0x80: {  	_ =	shalt  }
0x81: {  	_ =	shalt  }
0x82: {  	_ =	shalt  }
0x83: {  	_ =	shalt  }
0x84: {  	_ =	shalt  }
0x85: {  	_ =	shalt  }
0x86: {  	_ =	shalt  }
0x87: {  	_ =	shalt  }
.Lfunc_end0:
.L_simem_size_0:
called_computation_lowered:
.L_overlay_start_0:
0x88: {  	s2 =	sld [smem:$0x3FD9]  }
0x89: {  	s3 =	sld [smem:$0x3FFE];
	_ =	sdelay $0x1  }
0x8a: {  	s1 =	srdreg.scid  }
0x8b: {  	s0 =	sand.u32 $0x1, s1  }
0x8c: {  	s17 =	sshll.u32 s0, $0xA;
	s2 =	sadd.s32 s3, s2  }
0x8d: {  	s2 =	sadd.s32 s2, s17  }
0x8e: {  	[smem:$0x3FBE] =	sst s2  }
0x8f: {  	_ = 	snop  }
0x90: {  	s2 =	sld [smem:$0x3FD0];
	(tm) =	ssettm $0x1  }
0x91: {  	s18 =	sld [smem:$0x3FFB];
	_ =	sdelay $0x3  }
0x92: {  	_ =	strace s18  }
0x93: {  	s3 =	sld [smem:$0x3FFC];
	_ =	sdelay $0x3  }
0x94: {  	_ =	strace s3  }
0x95: {  	s3 =	sld [smem:$0x3FFD];
	_ =	sdelay $0x3  }
0x96: {  	_ =	strace s3  }
0x97: {  	_ =	strace $0x8FFFFFFF  }
0x98: {  	s19 =	sld [smem:$0x3FDB];
	_ =	sdelay $0x1  }
0x99: {  	s4 =	simm.s32 $_scs_section_size  }
0x9a: {  	s5 =	simm.s32 $_size__tile_overlayer_lowered;
	s6 =	simm.s32 $_tile_overlayer_lowered  }
0x9b: {  	s22 =	simm.s32 $0x1BFF;
	s21 =	sshll.u32 s6, $0x1;
	s3 =	sadd.s32 s4, s19  }
0x9c: {  	s7 =	simm.s32 $0x0;
	s20 =	sshll.u32 s5, $0x1;
	s5 =	sadd.s32 s21, s3  }
0x9d: {  	[timem:s7], [sflag:s22] =	dma.local [hbm:s5], s20  }
0x9e: {  	_ =	swait.ge [sflag:s22], s20  }
0x9f: {  	s4 =	ssub.s32 $0x0, s20;
	[sflag:s22] =	ssyncset.done $0x0  }
0xa0: {  	[sflag:s22] =	ssyncadd.s32 s4;
	_ =	sdelay $0x1  }
0xa1: {  	s23 =	simm.s32 $0x1B8B  }
0xa2: {  	_ =	swait.ge [sflag:s23], $0x1  }
0xa3: {  	[sflag:s23] =	ssyncset.done $0x0  }
0xa4: {  	s25 =	simm.s32 $0x1B8E;
	s24 =	sld [smem:$0x3FFE];
	[sflag:s23] =	ssyncadd.s32 $0xFFFFFFFF  }
0xa5: {  	s26 =	simm.s32 $execute0_lowered;
	[smem:$0x3FD2] =	sst s25  }
0xa6: {  	s5 =	sshll.u32 s26, $0x1;
	_ =	strace $0x80000046;
	[dreg:$0x1] =	wrdreg $0xFFFFFFFF  }
0xa7: {  	s28 =	simm.s32 $_size_execute0_lowered;
	s3 =	sadd.s32 s3, s5;
	[dreg:$0x0] =	wrdreg $0x0  }
0xa8: {  	s5 =	sshll.u32 s28, $0x1;
	[dreg:$0x2] =	wrdreg s3  }
0xa9: {  	[dreg:$0x3] =	wrdreg s5  }
0xaa: {  	[dreg:$0x4] =	wrdreg $0xC0  }
0xab: {  	_ =	task [dreg:s7], $0x5FFFF  }
0xac: {  	[dreg:$0x1] =	wrdreg $0xFFFFFFFF  }
0xad: {  	[dreg:$0x0] =	wrdreg $0x60  }
0xae: {  	[dreg:$0x2] =	wrdreg s24  }
0xaf: {  	[dreg:$0x3] =	wrdreg s2  }
0xb0: {  	[dreg:$0x4] =	wrdreg $0x9  }
0xb1: {  	_ =	task.clear_ibuf [dreg:s7], $0x5FFFF;
	_ =	strace $0x90000046  }
0xb2: {  	s29 =	simm.s32 $0x9;
	_ =	strace $0x80000048  }
0xb3: {  	_ =	swait.ge [sflag:s29], $0x1  }
0xb4: {  	[sflag:s29] =	ssyncadd.s32 $0xFFFFFFFF  }
0xb5: {  	_ =	strace $0x90000048  }
0xb6: {  	_ =	sfence  }
0xb7: {  	s30 =	sld [smem:$0x0];
	_ =	sdelay $0x2  }
0xb8: {  	s31 =	sshll.u32 s1, $0xD;
	s1 =	sshrl.u32 s1, $0x2  }
0xb9: {  	s3 =	sand.u32 $0x4000, s31;
	s1 =	sadd.s32 s1, s30  }
0xba: {  	s0 =	sor.u32 s3, s0;
	s1 =	sshll.u32 s1, $0x11  }
0xbb: {  	s0 =	sor.u32 s1, s0  }
0xbc: {  	s0 =	sadd.s32 $0x8F2B, s0  }
0xbd: {  	[sflag:s0] =	ssyncadd.remote.s32 $0x1  }
0xbe: {  	_ =	sfence.sel $0xFFFF  }
0xbf: {  	[dreg:$0x0] =	wrdreg $0xFFFFFFFF;
	(pc) =	sbr.abs _section_cstart, $3  }
0xc0: {  	[dreg:$0x1] =	wrdreg $0xFFFFFFFF  }
0xc1: {  	_ =	task.clear_ibuf [dreg:s7], $0x2FFFF;
	_ =	strace $0x9FFFFFFF  }
0xc2: {  	(tm) =	ssettm $0x7FFFFFFF  }
0xc3: {  	_ =	shalt  }
tec
execute0_lowered:
.L_overlay_start_1:
0x0: {  	(tag) =	ssettag $0x1  }
0x1: {  	s3 =	rddreg [dreg:$0x0];
	s1 =	srdreg.scid  }
0x2: {  	s0 =	stileid.u32;
	s5 =	rddreg [dreg:$0x1];
	s10 =	simm.s32 $0xA00  }
0x3: {  	s11 =	simm.s32 $0xE80;
	s12 =	simm.s32 $0x1300;
	s13 =	simm.s32 $0x0  }
0x4: {  	s4 =	sand.u32 $0x1, s1;
	s2 =	sshll.u32 s0, $0x1;
	s1 =	rddreg [dreg:$0x2]  }
0x5: {  	s7 =	sshrl.u32 s0, $0x2;
	s6 =	sor.u32 s4, s2;
	s2 =	simm.s32 $0x0  }
0x6: {  	s7 =	smul.u32 $0x2400, s7;
	s4 =	ssub.s32 $0x2, s4;
	s8 =	sshll.u32 s6, $0x7  }
0x7: {  	[smem:$0x7FF] =	sst s2;
	s9 =	smul.u32 $0x140, s6;
	s30 =	sshrl.u32 s4, $0x1  }
0x8: {  	s6 =	smul.u32 $0x2400, s6;
	s8 =	sand.u32 $0x380, s8;
	_ =	strace $0x80000047  }
0x9: {  	s31 =	ssub.s32 s4, s30;
	s7 =	sor.u32 s7, s8;
	s29 =	sadd.s32 s9, s3  }
0xa: {  	s5 =	sadd.s32 s5, s6;
	s6 =	smax.u32 s31, $0x1;
	s7 =	sshrl.u32 s7, $0x3  }
0xb: {  	s8 =	simm.s32 $0x80;
	s9 =	simm.s32 $0x400;
	s7 =	sadd.s32 s7, s3  }
0xc: {  	v0 =	vlaneseq.u32;
	s3 =	sadd.s32 $0x3400, s29;
	s4 =	sadd.s32 $0x2200, s7;
	s7 =	simm.s32 $0x1  }
.LBB2_1:
0xd: {  	[tilespmem:s2], [sflag:$0x1] =	stream.linear.gather [hbm4b:s3+s2], $0xA00, $0x38;
	[tilespmem:$0x13300] =	vst v63  }
0xe: {  	_ =	swait.ge [sflag:s7], $0xA00  }
0xf: {  	[sflag:s7] =	ssyncset.done $0x0  }
0x10: {  	[sflag:s7] =	ssyncadd.s32 $0xFFFFF600  }
0x11: {  	[tilespmem:s10], [sflag:$0x1] =	stream.strided.gather [hbm4b:s4+s8], $0x480, s9, s8, $0x38;
	[tilespmem:$0x13300] =	vst v63  }
0x12: {  	_ =	swait.ge [sflag:s7], $0x480  }
0x13: {  	[sflag:s7] =	ssyncset.done $0x0  }
0x14: {  	[sflag:s7] =	ssyncadd.s32 $0xFFFFFB80  }
0x15: {  	v1 =	vld [tilespmem:$0xA00]  }
0x16: {  	v2 =	vld [tilespmem:$0x0];
	_ =	sdelay $0x1  }
0x17: {  	v3 =	vld [tilespmem:$0x500];
	_ =	sdelay $0x2  }
0x18: {  	v1 =	vadd.f32 v2, v1;
	_ =	sdelay $0x1  }
0x19: {  	v1 =	vmul.f32 v3, v1;
	_ =	sdelay $0x1  }
0x1a: {  	v1 =	vadd.f32 v1, v1;
	_ =	sdelay $0x1  }
0x1b: {  	v1 =	vmul.f32 $1.442695020e+00, v1  }
0x1c: {  	v2 =	vld [tilespmem:$0xA10]  }
0x1d: {  	(erf) = vpow2.f32 v1;
	v1 =	vld [tilespmem:$0x10];
	_ =	sdelay $0x1  }
0x1e: {  	v3 =	vld [tilespmem:$0x510];
	_ =	sdelay $0x2  }
0x1f: {  	v1 =	vadd.f32 v1, v2;
	_ =	sdelay $0x1  }
0x20: {  	v1 =	vmul.f32 v3, v1;
	_ =	sdelay $0x1  }
0x21: {  	v2 =	vpop (erf);
	v1 =	vadd.f32 v1, v1  }
0x22: {  	v2 =	vadd.f32 $1.000000000e+00, v2  }
0x23: {  	v1 =	vmul.f32 $1.442695020e+00, v1  }
0x24: {  	(erf) = vrcp.f32 v2;
	v2 =	vld [tilespmem:$0xA20]  }
0x25: {  	(erf) = vpow2.f32 v1;
	v1 =	vld [tilespmem:$0x20];
	_ =	sdelay $0x1  }
0x26: {  	v3 =	vld [tilespmem:$0x520];
	_ =	sdelay $0x2  }
0x27: {  	v1 =	vadd.f32 v1, v2;
	_ =	sdelay $0x1  }
0x28: {  	v1 =	vmul.f32 v3, v1  }
0x29: {  	v2 =	vpop (erf)  }
0x2a: {  	v3 =	vpop (erf);
	v1 =	vadd.f32 v1, v1  }
0x2b: {  	v3 =	vadd.f32 $1.000000000e+00, v3  }
0x2c: {  	v1 =	vmul.f32 $1.442695020e+00, v1  }
0x2d: {  	(erf) = vrcp.f32 v3;
	v3 =	vld [tilespmem:$0xA30]  }
0x2e: {  	(erf) = vpow2.f32 v1;
	v1 =	vld [tilespmem:$0x30];
	_ =	sdelay $0x1  }
0x2f: {  	v4 =	vld [tilespmem:$0x530];
	_ =	sdelay $0x2  }
0x30: {  	v1 =	vadd.f32 v1, v3;
	_ =	sdelay $0x1  }
0x31: {  	v1 =	vmul.f32 v4, v1  }
0x32: {  	v3 =	vpop (erf)  }
0x33: {  	v4 =	vpop (erf);
	v1 =	vadd.f32 v1, v1  }
0x34: {  	v4 =	vadd.f32 $1.000000000e+00, v4  }
0x35: {  	v1 =	vmul.f32 $1.442695020e+00, v1  }
0x36: {  	(erf) = vrcp.f32 v4;
	v4 =	vld [tilespmem:$0xA40]  }
0x37: {  	(erf) = vpow2.f32 v1;
	v1 =	vld [tilespmem:$0x40];
	_ =	sdelay $0x1  }
0x38: {  	v5 =	vld [tilespmem:$0x540];
	_ =	sdelay $0x2  }
0x39: {  	v1 =	vadd.f32 v1, v4;
	_ =	sdelay $0x1  }
0x3a: {  	v1 =	vmul.f32 v5, v1  }
0x3b: {  	v4 =	vpop (erf)  }
0x3c: {  	v5 =	vpop (erf);
	v1 =	vadd.f32 v1, v1  }
0x3d: {  	v5 =	vadd.f32 $1.000000000e+00, v5  }
0x3e: {  	v1 =	vmul.f32 $1.442695020e+00, v1  }
0x3f: {  	(erf) = vrcp.f32 v5;
	v5 =	vld [tilespmem:$0xA50]  }
0x40: {  	(erf) = vpow2.f32 v1;
	v1 =	vld [tilespmem:$0x50];
	_ =	sdelay $0x1  }
0x41: {  	v6 =	vld [tilespmem:$0x550];
	_ =	sdelay $0x2  }
0x42: {  	v1 =	vadd.f32 v1, v5;
	_ =	sdelay $0x1  }
0x43: {  	v1 =	vmul.f32 v6, v1  }
0x44: {  	v5 =	vpop (erf)  }
0x45: {  	v6 =	vpop (erf);
	v1 =	vadd.f32 v1, v1  }
0x46: {  	v6 =	vadd.f32 $1.000000000e+00, v6  }
0x47: {  	v1 =	vmul.f32 $1.442695020e+00, v1  }
0x48: {  	(erf) = vrcp.f32 v6;
	v6 =	vld [tilespmem:$0xA60]  }
0x49: {  	(erf) = vpow2.f32 v1;
	v1 =	vld [tilespmem:$0x60];
	_ =	sdelay $0x1  }
0x4a: {  	v7 =	vld [tilespmem:$0x560];
	_ =	sdelay $0x2  }
0x4b: {  	v1 =	vadd.f32 v1, v6;
	_ =	sdelay $0x1  }
0x4c: {  	v1 =	vmul.f32 v7, v1  }
0x4d: {  	v6 =	vpop (erf)  }
0x4e: {  	v7 =	vpop (erf);
	v1 =	vadd.f32 v1, v1  }
0x4f: {  	v7 =	vadd.f32 $1.000000000e+00, v7  }
0x50: {  	v1 =	vmul.f32 $1.442695020e+00, v1  }
0x51: {  	(erf) = vrcp.f32 v7;
	v7 =	vld [tilespmem:$0xA70]  }
0x52: {  	(erf) = vpow2.f32 v1;
	v1 =	vld [tilespmem:$0x70];
	_ =	sdelay $0x1  }
0x53: {  	v8 =	vld [tilespmem:$0x570];
	_ =	sdelay $0x2  }
0x54: {  	v1 =	vadd.f32 v1, v7;
	_ =	sdelay $0x1  }
0x55: {  	v1 =	vmul.f32 v8, v1  }
0x56: {  	v7 =	vpop (erf)  }
0x57: {  	v8 =	vpop (erf);
	v1 =	vadd.f32 v1, v1  }
0x58: {  	v8 =	vadd.f32 $1.000000000e+00, v8  }
0x59: {  	v1 =	vmul.f32 $1.442695020e+00, v1  }
0x5a: {  	(erf) = vrcp.f32 v8;
	v8 =	vld [tilespmem:$0xA80]  }
0x5b: {  	(erf) = vpow2.f32 v1;
	v1 =	vld [tilespmem:$0x100];
	_ =	sdelay $0x1  }
0x5c: {  	v9 =	vld [tilespmem:$0x600];
	_ =	sdelay $0x2  }
0x5d: {  	v1 =	vadd.f32 v1, v8;
	_ =	sdelay $0x1  }
0x5e: {  	v1 =	vmul.f32 v9, v1  }
0x5f: {  	v8 =	vpop (erf)  }
0x60: {  	v9 =	vpop (erf);
	v1 =	vadd.f32 v1, v1  }
0x61: {  	v9 =	vadd.f32 $1.000000000e+00, v9  }
0x62: {  	v1 =	vmul.f32 $1.442695020e+00, v1  }
0x63: {  	(erf) = vrcp.f32 v9;
	v9 =	vld [tilespmem:$0xA90]  }
0x64: {  	(erf) = vpow2.f32 v1;
	v1 =	vld [tilespmem:$0x110];
	_ =	sdelay $0x1  }
0x65: {  	v10 =	vld [tilespmem:$0x610];
	_ =	sdelay $0x2  }
0x66: {  	v1 =	vadd.f32 v1, v9;
	_ =	sdelay $0x1  }
0x67: {  	v1 =	vmul.f32 v10, v1  }
0x68: {  	v9 =	vpop (erf)  }
0x69: {  	v10 =	vpop (erf);
	v1 =	vadd.f32 v1, v1  }
0x6a: {  	v10 =	vadd.f32 $1.000000000e+00, v10  }
0x6b: {  	v1 =	vmul.f32 $1.442695020e+00, v1  }
0x6c: {  	(erf) = vrcp.f32 v10  }
0x6d: {  	(erf) = vpow2.f32 v1;
	_ =	sdelay $0x5  }
0x6e: {  	v3 =	vadd.f32 v3, v3  }
0x6f: {  	v1 =	vadd.f32 v2, v2  }
0x70: {  	v3 =	vsub.f32 $1.000000000e+00, v3;
	v2 =	vpop (erf)  }
0x71: {  	v4 =	vadd.f32 v4, v4;
	v1 =	vsub.f32 $1.000000000e+00, v1;
	v10 =	vpop (erf)  }
0x72: {  	v5 =	vadd.f32 v5, v5;
	v10 =	vadd.f32 $1.000000000e+00, v10  }
0x73: {  	[tilespmem:$0xE80] =	vst v1;
	v1 =	vsub.f32 $1.000000000e+00, v4;
	v4 =	vadd.f32 v6, v6  }
0x74: {  	[tilespmem:$0xE90] =	vst v3;
	v3 =	vsub.f32 $1.000000000e+00, v5;
	v5 =	vadd.f32 v7, v7;
	(erf) = vrcp.f32 v10  }
0x75: {  	[tilespmem:$0xEA0] =	vst v1;
	v1 =	vsub.f32 $1.000000000e+00, v4;
	v4 =	vadd.f32 v8, v8  }
0x76: {  	[tilespmem:$0xEB0] =	vst v3;
	v3 =	vsub.f32 $1.000000000e+00, v5;
	v5 =	vadd.f32 v9, v9  }
0x77: {  	[tilespmem:$0xEC0] =	vst v1;
	v1 =	vsub.f32 $1.000000000e+00, v4;
	v2 =	vadd.f32 v2, v2  }
0x78: {  	[tilespmem:$0xED0] =	vst v3  }
0x79: {  	v3 =	vsub.f32 $1.000000000e+00, v5;
	[tilespmem:$0xEE0] =	vst v1;
	v1 =	vsub.f32 $1.000000000e+00, v2;
	_ =	sdelay $0x1  }
0x7a: {  	[tilespmem:$0xEF0] =	vst v3  }
0x7b: {  	[tilespmem:$0xF00] =	vst v1  }
0x7c: {  	v1 =	vpop (erf)  }
0x7d: {  	v2 =	vld [tilespmem:$0xAA0]  }
0x7e: {  	v3 =	vld [tilespmem:$0x120];
	_ =	sdelay $0x1  }
0x7f: {  	v4 =	vld [tilespmem:$0x620];
	_ =	sdelay $0x2  }
0x80: {  	v2 =	vadd.f32 v3, v2;
	_ =	sdelay $0x1  }
0x81: {  	v2 =	vmul.f32 v4, v2;
	_ =	sdelay $0x1  }
0x82: {  	v2 =	vadd.f32 v2, v2;
	_ =	sdelay $0x1  }
0x83: {  	v2 =	vmul.f32 $1.442695020e+00, v2  }
0x84: {  	v3 =	vld [tilespmem:$0xAB0]  }
0x85: {  	(erf) = vpow2.f32 v2;
	v2 =	vld [tilespmem:$0x130];
	_ =	sdelay $0x1  }
0x86: {  	v4 =	vld [tilespmem:$0x630];
	_ =	sdelay $0x2  }
0x87: {  	v2 =	vadd.f32 v2, v3;
	_ =	sdelay $0x1  }
0x88: {  	v2 =	vmul.f32 v4, v2;
	_ =	sdelay $0x1  }
0x89: {  	v3 =	vpop (erf);
	v2 =	vadd.f32 v2, v2  }
0x8a: {  	v3 =	vadd.f32 $1.000000000e+00, v3  }
0x8b: {  	v2 =	vmul.f32 $1.442695020e+00, v2  }
0x8c: {  	(erf) = vrcp.f32 v3;
	v3 =	vld [tilespmem:$0xAC0]  }
0x8d: {  	(erf) = vpow2.f32 v2;
	v2 =	vld [tilespmem:$0x140];
	_ =	sdelay $0x2  }
0x8e: {  	v4 =	vld [tilespmem:$0x640];
	_ =	sdelay $0x1  }
0x8f: {  	v2 =	vadd.f32 v2, v3;
	_ =	sdelay $0x2  }
0x90: {  	v3 =	vmul.f32 v4, v2  }
0x91: {  	v2 =	vpop (erf)  }
0x92: {  	v3 =	vadd.f32 v3, v3;
	v4 =	vpop (erf)  }
0x93: {  	v4 =	vadd.f32 $1.000000000e+00, v4  }
0x94: {  	v3 =	vmul.f32 $1.442695020e+00, v3  }
0x95: {  	(erf) = vrcp.f32 v4;
	v4 =	vld [tilespmem:$0xAD0]  }
0x96: {  	(erf) = vpow2.f32 v3;
	v3 =	vld [tilespmem:$0x150];
	_ =	sdelay $0x2  }
0x97: {  	v5 =	vld [tilespmem:$0x650];
	_ =	sdelay $0x1  }
0x98: {  	v3 =	vadd.f32 v3, v4;
	_ =	sdelay $0x2  }
0x99: {  	v4 =	vmul.f32 v5, v3  }
0x9a: {  	v3 =	vpop (erf)  }
0x9b: {  	v4 =	vadd.f32 v4, v4;
	v5 =	vpop (erf)  }
0x9c: {  	v5 =	vadd.f32 $1.000000000e+00, v5  }
0x9d: {  	v4 =	vmul.f32 $1.442695020e+00, v4  }
0x9e: {  	(erf) = vrcp.f32 v5;
	v5 =	vld [tilespmem:$0xAE0]  }
0x9f: {  	(erf) = vpow2.f32 v4;
	v4 =	vld [tilespmem:$0x160];
	_ =	sdelay $0x2  }
0xa0: {  	v6 =	vld [tilespmem:$0x660];
	_ =	sdelay $0x1  }
0xa1: {  	v4 =	vadd.f32 v4, v5;
	_ =	sdelay $0x2  }
0xa2: {  	v5 =	vmul.f32 v6, v4  }
0xa3: {  	v4 =	vpop (erf)  }
0xa4: {  	v5 =	vadd.f32 v5, v5;
	v6 =	vpop (erf)  }
0xa5: {  	v6 =	vadd.f32 $1.000000000e+00, v6  }
0xa6: {  	v5 =	vmul.f32 $1.442695020e+00, v5  }
0xa7: {  	(erf) = vrcp.f32 v6;
	v6 =	vld [tilespmem:$0xAF0]  }
0xa8: {  	(erf) = vpow2.f32 v5;
	v5 =	vld [tilespmem:$0x170];
	_ =	sdelay $0x2  }
0xa9: {  	v7 =	vld [tilespmem:$0x670];
	_ =	sdelay $0x1  }
0xaa: {  	v5 =	vadd.f32 v5, v6;
	_ =	sdelay $0x2  }
0xab: {  	v6 =	vmul.f32 v7, v5  }
0xac: {  	v5 =	vpop (erf)  }
0xad: {  	v6 =	vadd.f32 v6, v6;
	v7 =	vpop (erf)  }
0xae: {  	v7 =	vadd.f32 $1.000000000e+00, v7  }
0xaf: {  	v6 =	vmul.f32 $1.442695020e+00, v6  }
0xb0: {  	(erf) = vrcp.f32 v7;
	v7 =	vld [tilespmem:$0xB00]  }
0xb1: {  	(erf) = vpow2.f32 v6;
	v6 =	vld [tilespmem:$0x200];
	_ =	sdelay $0x2  }
0xb2: {  	v8 =	vld [tilespmem:$0x700];
	_ =	sdelay $0x1  }
0xb3: {  	v6 =	vadd.f32 v6, v7;
	_ =	sdelay $0x2  }
0xb4: {  	v7 =	vmul.f32 v8, v6  }
0xb5: {  	v6 =	vpop (erf)  }
0xb6: {  	v7 =	vadd.f32 v7, v7;
	v8 =	vpop (erf)  }
0xb7: {  	v8 =	vadd.f32 $1.000000000e+00, v8  }
0xb8: {  	v7 =	vmul.f32 $1.442695020e+00, v7  }
0xb9: {  	(erf) = vrcp.f32 v8;
	v8 =	vld [tilespmem:$0xB10]  }
0xba: {  	(erf) = vpow2.f32 v7;
	v7 =	vld [tilespmem:$0x210];
	_ =	sdelay $0x2  }
0xbb: {  	v9 =	vld [tilespmem:$0x710];
	_ =	sdelay $0x1  }
0xbc: {  	v7 =	vadd.f32 v7, v8;
	_ =	sdelay $0x2  }
0xbd: {  	v8 =	vmul.f32 v9, v7  }
0xbe: {  	v7 =	vpop (erf)  }
0xbf: {  	v8 =	vadd.f32 v8, v8;
	v9 =	vpop (erf)  }
0xc0: {  	v9 =	vadd.f32 $1.000000000e+00, v9  }
0xc1: {  	v8 =	vmul.f32 $1.442695020e+00, v8  }
0xc2: {  	(erf) = vrcp.f32 v9;
	v9 =	vld [tilespmem:$0xB20]  }
0xc3: {  	(erf) = vpow2.f32 v8;
	v8 =	vld [tilespmem:$0x220];
	_ =	sdelay $0x2  }
0xc4: {  	v10 =	vld [tilespmem:$0x720];
	_ =	sdelay $0x1  }
0xc5: {  	v8 =	vadd.f32 v8, v9;
	_ =	sdelay $0x2  }
0xc6: {  	v9 =	vmul.f32 v10, v8  }
0xc7: {  	v8 =	vpop (erf)  }
0xc8: {  	v9 =	vadd.f32 v9, v9;
	v10 =	vpop (erf)  }
0xc9: {  	v10 =	vadd.f32 $1.000000000e+00, v10  }
0xca: {  	v9 =	vmul.f32 $1.442695020e+00, v9  }
0xcb: {  	(erf) = vrcp.f32 v10;
	v10 =	vld [tilespmem:$0xB30]  }
0xcc: {  	(erf) = vpow2.f32 v9;
	v9 =	vld [tilespmem:$0x230];
	_ =	sdelay $0x2  }
0xcd: {  	v11 =	vld [tilespmem:$0x730];
	_ =	sdelay $0x1  }
0xce: {  	v9 =	vadd.f32 v9, v10;
	_ =	sdelay $0x2  }
0xcf: {  	v10 =	vmul.f32 v11, v9  }
0xd0: {  	v9 =	vpop (erf)  }
0xd1: {  	v10 =	vadd.f32 v10, v10;
	v11 =	vpop (erf)  }
0xd2: {  	v11 =	vadd.f32 $1.000000000e+00, v11  }
0xd3: {  	v10 =	vmul.f32 $1.442695020e+00, v10  }
0xd4: {  	(erf) = vrcp.f32 v11;
	v11 =	vld [tilespmem:$0xB40]  }
0xd5: {  	(erf) = vpow2.f32 v10;
	v10 =	vld [tilespmem:$0x240];
	_ =	sdelay $0x2  }
0xd6: {  	v12 =	vld [tilespmem:$0x740];
	_ =	sdelay $0x1  }
0xd7: {  	v10 =	vadd.f32 v10, v11;
	_ =	sdelay $0x2  }
0xd8: {  	v11 =	vmul.f32 v12, v10  }
0xd9: {  	v10 =	vpop (erf)  }
0xda: {  	v11 =	vadd.f32 v11, v11;
	v12 =	vpop (erf)  }
0xdb: {  	v12 =	vadd.f32 $1.000000000e+00, v12  }
0xdc: {  	v11 =	vmul.f32 $1.442695020e+00, v11  }
0xdd: {  	(erf) = vrcp.f32 v12;
	v12 =	vld [tilespmem:$0xB50]  }
0xde: {  	(erf) = vpow2.f32 v11;
	v11 =	vld [tilespmem:$0x250];
	_ =	sdelay $0x2  }
0xdf: {  	v13 =	vld [tilespmem:$0x750];
	_ =	sdelay $0x1  }
0xe0: {  	v11 =	vadd.f32 v11, v12;
	_ =	sdelay $0x2  }
0xe1: {  	v12 =	vmul.f32 v13, v11  }
0xe2: {  	v11 =	vpop (erf)  }
0xe3: {  	v12 =	vadd.f32 v12, v12;
	v13 =	vpop (erf)  }
0xe4: {  	v13 =	vadd.f32 $1.000000000e+00, v13  }
0xe5: {  	v12 =	vmul.f32 $1.442695020e+00, v12  }
0xe6: {  	(erf) = vrcp.f32 v13;
	v13 =	vld [tilespmem:$0xB60]  }
0xe7: {  	(erf) = vpow2.f32 v12;
	v12 =	vld [tilespmem:$0x260];
	_ =	sdelay $0x2  }
0xe8: {  	v14 =	vld [tilespmem:$0x760];
	_ =	sdelay $0x1  }
0xe9: {  	v12 =	vadd.f32 v12, v13;
	_ =	sdelay $0x2  }
0xea: {  	v13 =	vmul.f32 v14, v12  }
0xeb: {  	v12 =	vpop (erf)  }
0xec: {  	v13 =	vadd.f32 v13, v13;
	v14 =	vpop (erf)  }
0xed: {  	v14 =	vadd.f32 $1.000000000e+00, v14  }
0xee: {  	v13 =	vmul.f32 $1.442695020e+00, v13  }
0xef: {  	(erf) = vrcp.f32 v14;
	v14 =	vld [tilespmem:$0xB70]  }
0xf0: {  	(erf) = vpow2.f32 v13;
	v13 =	vld [tilespmem:$0x270];
	_ =	sdelay $0x2  }
0xf1: {  	v15 =	vld [tilespmem:$0x770];
	_ =	sdelay $0x1  }
0xf2: {  	v13 =	vadd.f32 v13, v14;
	_ =	sdelay $0x2  }
0xf3: {  	v14 =	vmul.f32 v15, v13  }
0xf4: {  	v13 =	vpop (erf)  }
0xf5: {  	v14 =	vadd.f32 v14, v14;
	v15 =	vpop (erf)  }
0xf6: {  	v15 =	vadd.f32 $1.000000000e+00, v15  }
0xf7: {  	v14 =	vmul.f32 $1.442695020e+00, v14  }
0xf8: {  	(erf) = vrcp.f32 v15;
	v15 =	vld [tilespmem:$0xB80]  }
0xf9: {  	(erf) = vpow2.f32 v14;
	v14 =	vld [tilespmem:$0x300];
	_ =	sdelay $0x2  }
0xfa: {  	v16 =	vld [tilespmem:$0x800];
	_ =	sdelay $0x1  }
0xfb: {  	v14 =	vadd.f32 v14, v15;
	_ =	sdelay $0x2  }
0xfc: {  	v15 =	vmul.f32 v16, v14  }
0xfd: {  	v14 =	vpop (erf)  }
0xfe: {  	v15 =	vadd.f32 v15, v15;
	v16 =	vpop (erf)  }
0xff: {  	v16 =	vadd.f32 $1.000000000e+00, v16  }
0x100: {  	v15 =	vmul.f32 $1.442695020e+00, v15  }
0x101: {  	(erf) = vrcp.f32 v16;
	v16 =	vld [tilespmem:$0xB90]  }
0x102: {  	(erf) = vpow2.f32 v15;
	v15 =	vld [tilespmem:$0x310];
	_ =	sdelay $0x2  }
0x103: {  	v17 =	vld [tilespmem:$0x810];
	_ =	sdelay $0x1  }
0x104: {  	v15 =	vadd.f32 v15, v16;
	_ =	sdelay $0x2  }
0x105: {  	v16 =	vmul.f32 v17, v15  }
0x106: {  	v15 =	vpop (erf)  }
0x107: {  	v16 =	vadd.f32 v16, v16;
	v17 =	vpop (erf)  }
0x108: {  	v17 =	vadd.f32 $1.000000000e+00, v17  }
0x109: {  	v16 =	vmul.f32 $1.442695020e+00, v16  }
0x10a: {  	(erf) = vrcp.f32 v17;
	v17 =	vld [tilespmem:$0xBA0]  }
0x10b: {  	(erf) = vpow2.f32 v16;
	v16 =	vld [tilespmem:$0x320];
	_ =	sdelay $0x2  }
0x10c: {  	v18 =	vld [tilespmem:$0x820];
	_ =	sdelay $0x1  }
0x10d: {  	v16 =	vadd.f32 v16, v17;
	_ =	sdelay $0x2  }
0x10e: {  	v17 =	vmul.f32 v18, v16  }
0x10f: {  	v16 =	vpop (erf)  }
0x110: {  	v17 =	vadd.f32 v17, v17;
	v18 =	vpop (erf)  }
0x111: {  	v18 =	vadd.f32 $1.000000000e+00, v18  }
0x112: {  	v17 =	vmul.f32 $1.442695020e+00, v17  }
0x113: {  	(erf) = vrcp.f32 v18;
	v18 =	vld [tilespmem:$0xBB0]  }
0x114: {  	(erf) = vpow2.f32 v17;
	v17 =	vld [tilespmem:$0x330];
	_ =	sdelay $0x2  }
0x115: {  	v19 =	vld [tilespmem:$0x830];
	_ =	sdelay $0x1  }
0x116: {  	v17 =	vadd.f32 v17, v18;
	_ =	sdelay $0x2  }
0x117: {  	v18 =	vmul.f32 v19, v17  }
0x118: {  	v17 =	vpop (erf)  }
0x119: {  	v18 =	vadd.f32 v18, v18;
	v19 =	vpop (erf)  }
0x11a: {  	v19 =	vadd.f32 $1.000000000e+00, v19  }
0x11b: {  	v18 =	vmul.f32 $1.442695020e+00, v18  }
0x11c: {  	(erf) = vrcp.f32 v19;
	v19 =	vld [tilespmem:$0xBC0]  }
0x11d: {  	(erf) = vpow2.f32 v18;
	v18 =	vld [tilespmem:$0x340];
	_ =	sdelay $0x2  }
0x11e: {  	v20 =	vld [tilespmem:$0x840];
	_ =	sdelay $0x1  }
0x11f: {  	v18 =	vadd.f32 v18, v19;
	_ =	sdelay $0x2  }
0x120: {  	v19 =	vmul.f32 v20, v18  }
0x121: {  	v18 =	vpop (erf)  }
0x122: {  	v19 =	vadd.f32 v19, v19;
	v30 =	vpop (erf)  }
0x123: {  	v20 =	vadd.f32 $1.000000000e+00, v30  }
0x124: {  	v19 =	vmul.f32 $1.442695020e+00, v19  }
0x125: {  	v31 =	vld [tilespmem:$0xBD0];
	(erf) = vrcp.f32 v20  }
0x126: {  	(erf) = vpow2.f32 v19;
	v19 =	vld [tilespmem:$0x350];
	_ =	sdelay $0x2  }
0x127: {  	v21 =	vld [tilespmem:$0x850];
	_ =	sdelay $0x1  }
0x128: {  	v19 =	vadd.f32 v19, v31;
	_ =	sdelay $0x2  }
0x129: {  	v20 =	vmul.f32 v21, v19  }
0x12a: {  	v19 =	vpop (erf)  }
0x12b: {  	v20 =	vadd.f32 v20, v20;
	v32 =	vpop (erf)  }
0x12c: {  	v21 =	vadd.f32 $1.000000000e+00, v32  }
0x12d: {  	v33 =	vld [tilespmem:$0xBE0];
	v20 =	vmul.f32 $1.442695020e+00, v20  }
0x12e: {  	v34 =	vld [tilespmem:$0x360];
	(erf) = vrcp.f32 v21  }
0x12f: {  	(erf) = vpow2.f32 v20;
	_ =	sdelay $0x1  }
0x130: {  	v22 =	vld [tilespmem:$0x860];
	_ =	sdelay $0x1  }
0x131: {  	v20 =	vadd.f32 v34, v33;
	_ =	sdelay $0x2  }
0x132: {  	v21 =	vmul.f32 v22, v20  }
0x133: {  	v20 =	vpop (erf)  }
0x134: {  	v21 =	vadd.f32 v21, v21;
	v35 =	vpop (erf)  }
0x135: {  	v22 =	vadd.f32 $1.000000000e+00, v35  }
0x136: {  	v36 =	vld [tilespmem:$0xBF0];
	v21 =	vmul.f32 $1.442695020e+00, v21  }
0x137: {  	v37 =	vld [tilespmem:$0x370];
	(erf) = vrcp.f32 v22  }
0x138: {  	(erf) = vpow2.f32 v21;
	_ =	sdelay $0x1  }
0x139: {  	v23 =	vld [tilespmem:$0x870];
	_ =	sdelay $0x1  }
0x13a: {  	v21 =	vadd.f32 v37, v36;
	_ =	sdelay $0x2  }
0x13b: {  	v22 =	vmul.f32 v23, v21  }
0x13c: {  	v21 =	vpop (erf)  }
0x13d: {  	v22 =	vadd.f32 v22, v22;
	v38 =	vpop (erf)  }
0x13e: {  	v23 =	vadd.f32 $1.000000000e+00, v38  }
0x13f: {  	v39 =	vld [tilespmem:$0xC00];
	v22 =	vmul.f32 $1.442695020e+00, v22  }
0x140: {  	v40 =	vld [tilespmem:$0x400];
	(erf) = vrcp.f32 v23  }
0x141: {  	(erf) = vpow2.f32 v22;
	_ =	sdelay $0x1  }
0x142: {  	v24 =	vld [tilespmem:$0x900];
	_ =	sdelay $0x1  }
0x143: {  	v22 =	vadd.f32 v40, v39;
	_ =	sdelay $0x2  }
0x144: {  	v23 =	vmul.f32 v24, v22  }
0x145: {  	v22 =	vpop (erf)  }
0x146: {  	v23 =	vadd.f32 v23, v23;
	v41 =	vpop (erf)  }
0x147: {  	v24 =	vadd.f32 $1.000000000e+00, v41  }
0x148: {  	v42 =	vld [tilespmem:$0xC10];
	v23 =	vmul.f32 $1.442695020e+00, v23  }
0x149: {  	v43 =	vld [tilespmem:$0x410];
	(erf) = vrcp.f32 v24  }
0x14a: {  	(erf) = vpow2.f32 v23;
	_ =	sdelay $0x1  }
0x14b: {  	v25 =	vld [tilespmem:$0x910];
	_ =	sdelay $0x1  }
0x14c: {  	v23 =	vadd.f32 v43, v42;
	_ =	sdelay $0x2  }
0x14d: {  	v24 =	vmul.f32 v25, v23  }
0x14e: {  	v23 =	vpop (erf)  }
0x14f: {  	v24 =	vadd.f32 v24, v24;
	v44 =	vpop (erf)  }
0x150: {  	v25 =	vadd.f32 $1.000000000e+00, v44  }
0x151: {  	v45 =	vld [tilespmem:$0xC20];
	v24 =	vmul.f32 $1.442695020e+00, v24  }
0x152: {  	v46 =	vld [tilespmem:$0x420];
	(erf) = vrcp.f32 v25  }
0x153: {  	(erf) = vpow2.f32 v24;
	_ =	sdelay $0x1  }
0x154: {  	v26 =	vld [tilespmem:$0x920];
	_ =	sdelay $0x1  }
0x155: {  	v24 =	vadd.f32 v46, v45;
	_ =	sdelay $0x2  }
0x156: {  	v25 =	vmul.f32 v26, v24  }
0x157: {  	v24 =	vpop (erf)  }
0x158: {  	v25 =	vadd.f32 v25, v25;
	v47 =	vpop (erf)  }
0x159: {  	v26 =	vadd.f32 $1.000000000e+00, v47  }
0x15a: {  	v48 =	vld [tilespmem:$0xC30];
	v25 =	vmul.f32 $1.442695020e+00, v25  }
0x15b: {  	v49 =	vld [tilespmem:$0x430];
	(erf) = vrcp.f32 v26  }
0x15c: {  	(erf) = vpow2.f32 v25;
	_ =	sdelay $0x1  }
0x15d: {  	v27 =	vld [tilespmem:$0x930];
	_ =	sdelay $0x1  }
0x15e: {  	v25 =	vadd.f32 v49, v48;
	_ =	sdelay $0x2  }
0x15f: {  	v26 =	vmul.f32 v27, v25  }
0x160: {  	v25 =	vpop (erf)  }
0x161: {  	v26 =	vadd.f32 v26, v26;
	v50 =	vpop (erf)  }
0x162: {  	v27 =	vadd.f32 $1.000000000e+00, v50  }
0x163: {  	v51 =	vld [tilespmem:$0xC40];
	v26 =	vmul.f32 $1.442695020e+00, v26  }
0x164: {  	v52 =	vld [tilespmem:$0x80];
	(erf) = vrcp.f32 v27  }
0x165: {  	(erf) = vpow2.f32 v26;
	_ =	sdelay $0x1  }
0x166: {  	v28 =	vld [tilespmem:$0x580];
	_ =	sdelay $0x1  }
0x167: {  	v26 =	vadd.f32 v52, v51;
	_ =	sdelay $0x2  }
0x168: {  	v27 =	vmul.f32 v28, v26  }
0x169: {  	v26 =	vpop (erf)  }
0x16a: {  	v27 =	vadd.f32 v27, v27;
	v53 =	vpop (erf)  }
0x16b: {  	v28 =	vadd.f32 $1.000000000e+00, v53  }
0x16c: {  	v54 =	vld [tilespmem:$0xC50];
	v27 =	vmul.f32 $1.442695020e+00, v27  }
0x16d: {  	v55 =	vld [tilespmem:$0x90];
	(erf) = vrcp.f32 v28  }
0x16e: {  	(erf) = vpow2.f32 v27;
	_ =	sdelay $0x1  }
0x16f: {  	v29 =	vld [tilespmem:$0x590];
	_ =	sdelay $0x1  }
0x170: {  	v27 =	vadd.f32 v55, v54;
	_ =	sdelay $0x2  }
0x171: {  	v28 =	vmul.f32 v29, v27  }
0x172: {  	v27 =	vpop (erf)  }
0x173: {  	v28 =	vadd.f32 v28, v28;
	v56 =	vpop (erf)  }
0x174: {  	v29 =	vadd.f32 $1.000000000e+00, v56  }
0x175: {  	v57 =	vld [tilespmem:$0xC60];
	v28 =	vmul.f32 $1.442695020e+00, v28  }
0x176: {  	v58 =	vld [tilespmem:$0xA0];
	(erf) = vrcp.f32 v29  }
0x177: {  	(erf) = vpow2.f32 v28;
	_ =	sdelay $0x1  }
0x178: {  	v30 =	vld [tilespmem:$0x5A0];
	_ =	sdelay $0x1  }
0x179: {  	v28 =	vadd.f32 v58, v57;
	_ =	sdelay $0x2  }
0x17a: {  	v29 =	vmul.f32 v30, v28  }
0x17b: {  	v28 =	vpop (erf)  }
0x17c: {  	v29 =	vadd.f32 v29, v29;
	v59 =	vpop (erf)  }
0x17d: {  	v30 =	vadd.f32 $1.000000000e+00, v59  }
0x17e: {  	v60 =	vld [tilespmem:$0xC70];
	v29 =	vmul.f32 $1.442695020e+00, v29  }
0x17f: {  	v61 =	vld [tilespmem:$0xB0];
	(erf) = vrcp.f32 v30  }
0x180: {  	(erf) = vpow2.f32 v29;
	_ =	sdelay $0x1  }
0x181: {  	v31 =	vld [tilespmem:$0x5B0];
	_ =	sdelay $0x1  }
0x182: {  	v29 =	vadd.f32 v61, v60;
	_ =	sdelay $0x2  }
0x183: {  	v30 =	vmul.f32 v31, v29  }
0x184: {  	v29 =	vpop (erf)  }
0x185: {  	v30 =	vadd.f32 v30, v30;
	v62 =	vpop (erf)  }
0x186: {  	v31 =	vadd.f32 $1.000000000e+00, v62  }
0x187: {  	v63 =	vld [tilespmem:$0xC80];
	v30 =	vmul.f32 $1.442695020e+00, v30  }
0x188: {  	v36 =	vld [tilespmem:$0xC0];
	(erf) = vrcp.f32 v31  }
0x189: {  	(erf) = vpow2.f32 v30;
	_ =	sdelay $0x1  }
0x18a: {  	v32 =	vld [tilespmem:$0x5C0];
	_ =	sdelay $0x1  }
0x18b: {  	v30 =	vadd.f32 v36, v63;
	_ =	sdelay $0x2  }
0x18c: {  	v31 =	vmul.f32 v32, v30  }
0x18d: {  	v30 =	vpop (erf)  }
0x18e: {  	v31 =	vadd.f32 v31, v31;
	v37 =	vpop (erf)  }
0x18f: {  	v32 =	vadd.f32 $1.000000000e+00, v37  }
0x190: {  	v38 =	vld [tilespmem:$0xC90];
	v31 =	vmul.f32 $1.442695020e+00, v31  }
0x191: {  	v39 =	vld [tilespmem:$0xD0];
	(erf) = vrcp.f32 v32  }
0x192: {  	(erf) = vpow2.f32 v31;
	_ =	sdelay $0x1  }
0x193: {  	v33 =	vld [tilespmem:$0x5D0];
	_ =	sdelay $0x1  }
0x194: {  	v31 =	vadd.f32 v39, v38;
	_ =	sdelay $0x2  }
0x195: {  	v32 =	vmul.f32 v33, v31  }
0x196: {  	v31 =	vpop (erf)  }
0x197: {  	v32 =	vadd.f32 v32, v32;
	v40 =	vpop (erf)  }
0x198: {  	v33 =	vadd.f32 $1.000000000e+00, v40  }
0x199: {  	v41 =	vld [tilespmem:$0xCA0];
	v32 =	vmul.f32 $1.442695020e+00, v32  }
0x19a: {  	v42 =	vld [tilespmem:$0xE0];
	(erf) = vrcp.f32 v33  }
0x19b: {  	(erf) = vpow2.f32 v32;
	_ =	sdelay $0x1  }
0x19c: {  	v34 =	vld [tilespmem:$0x5E0];
	_ =	sdelay $0x1  }
0x19d: {  	v32 =	vadd.f32 v42, v41;
	_ =	sdelay $0x2  }
0x19e: {  	v33 =	vmul.f32 v34, v32  }
0x19f: {  	v32 =	vpop (erf)  }
0x1a0: {  	v33 =	vadd.f32 v33, v33;
	v43 =	vpop (erf)  }
0x1a1: {  	v34 =	vadd.f32 $1.000000000e+00, v43  }
0x1a2: {  	v44 =	vld [tilespmem:$0xCB0];
	v33 =	vmul.f32 $1.442695020e+00, v33  }
0x1a3: {  	v45 =	vld [tilespmem:$0xF0];
	(erf) = vrcp.f32 v34  }
0x1a4: {  	(erf) = vpow2.f32 v33;
	_ =	sdelay $0x1  }
0x1a5: {  	v35 =	vld [tilespmem:$0x5F0];
	_ =	sdelay $0x1  }
0x1a6: {  	v33 =	vadd.f32 v45, v44;
	_ =	sdelay $0x2  }
0x1a7: {  	v34 =	vmul.f32 v35, v33  }
0x1a8: {  	v33 =	vpop (erf)  }
0x1a9: {  	v34 =	vadd.f32 v34, v34;
	v46 =	vpop (erf)  }
0x1aa: {  	v35 =	vadd.f32 $1.000000000e+00, v46  }
0x1ab: {  	v47 =	vld [tilespmem:$0xCC0];
	v34 =	vmul.f32 $1.442695020e+00, v34  }
0x1ac: {  	v48 =	vld [tilespmem:$0x180];
	(erf) = vrcp.f32 v35  }
0x1ad: {  	(erf) = vpow2.f32 v34;
	_ =	sdelay $0x1  }
0x1ae: {  	v36 =	vld [tilespmem:$0x680];
	_ =	sdelay $0x1  }
0x1af: {  	v34 =	vadd.f32 v48, v47;
	_ =	sdelay $0x2  }
0x1b0: {  	v35 =	vmul.f32 v36, v34  }
0x1b1: {  	v34 =	vpop (erf)  }
0x1b2: {  	v35 =	vadd.f32 v35, v35;
	v49 =	vpop (erf)  }
0x1b3: {  	v36 =	vadd.f32 $1.000000000e+00, v49  }
0x1b4: {  	v50 =	vld [tilespmem:$0xCD0];
	v35 =	vmul.f32 $1.442695020e+00, v35  }
0x1b5: {  	v51 =	vld [tilespmem:$0x190];
	(erf) = vrcp.f32 v36  }
0x1b6: {  	(erf) = vpow2.f32 v35;
	_ =	sdelay $0x1  }
0x1b7: {  	v37 =	vld [tilespmem:$0x690];
	_ =	sdelay $0x1  }
0x1b8: {  	v35 =	vadd.f32 v51, v50;
	_ =	sdelay $0x2  }
0x1b9: {  	v36 =	vmul.f32 v37, v35  }
0x1ba: {  	v35 =	vpop (erf)  }
0x1bb: {  	v36 =	vadd.f32 v36, v36;
	v52 =	vpop (erf)  }
0x1bc: {  	v37 =	vadd.f32 $1.000000000e+00, v52  }
0x1bd: {  	v53 =	vld [tilespmem:$0xCE0];
	v36 =	vmul.f32 $1.442695020e+00, v36  }
0x1be: {  	v54 =	vld [tilespmem:$0x1A0];
	(erf) = vrcp.f32 v37  }
0x1bf: {  	(erf) = vpow2.f32 v36;
	_ =	sdelay $0x1  }
0x1c0: {  	v38 =	vld [tilespmem:$0x6A0];
	_ =	sdelay $0x1  }
0x1c1: {  	v36 =	vadd.f32 v54, v53;
	_ =	sdelay $0x2  }
0x1c2: {  	v37 =	vmul.f32 v38, v36  }
0x1c3: {  	v36 =	vpop (erf)  }
0x1c4: {  	v37 =	vadd.f32 v37, v37;
	v55 =	vpop (erf)  }
0x1c5: {  	v38 =	vadd.f32 $1.000000000e+00, v55  }
0x1c6: {  	v56 =	vld [tilespmem:$0xCF0];
	v37 =	vmul.f32 $1.442695020e+00, v37  }
0x1c7: {  	v57 =	vld [tilespmem:$0x1B0];
	(erf) = vrcp.f32 v38  }
0x1c8: {  	(erf) = vpow2.f32 v37;
	_ =	sdelay $0x1  }
0x1c9: {  	v39 =	vld [tilespmem:$0x6B0];
	_ =	sdelay $0x1  }
0x1ca: {  	v37 =	vadd.f32 v57, v56;
	_ =	sdelay $0x2  }
0x1cb: {  	v38 =	vmul.f32 v39, v37  }
0x1cc: {  	v37 =	vpop (erf)  }
0x1cd: {  	v38 =	vadd.f32 v38, v38;
	v58 =	vpop (erf)  }
0x1ce: {  	v39 =	vadd.f32 $1.000000000e+00, v58  }
0x1cf: {  	v59 =	vld [tilespmem:$0xD00];
	v38 =	vmul.f32 $1.442695020e+00, v38  }
0x1d0: {  	v60 =	vld [tilespmem:$0x1C0];
	(erf) = vrcp.f32 v39  }
0x1d1: {  	(erf) = vpow2.f32 v38;
	_ =	sdelay $0x1  }
0x1d2: {  	v40 =	vld [tilespmem:$0x6C0];
	_ =	sdelay $0x1  }
0x1d3: {  	v38 =	vadd.f32 v60, v59;
	_ =	sdelay $0x2  }
0x1d4: {  	v39 =	vmul.f32 v40, v38  }
0x1d5: {  	v38 =	vpop (erf)  }
0x1d6: {  	v39 =	vadd.f32 v39, v39;
	v61 =	vpop (erf)  }
0x1d7: {  	v40 =	vadd.f32 $1.000000000e+00, v61  }
0x1d8: {  	v62 =	vld [tilespmem:$0xD10];
	v39 =	vmul.f32 $1.442695020e+00, v39  }
0x1d9: {  	v63 =	vld [tilespmem:$0x1D0];
	(erf) = vrcp.f32 v40  }
0x1da: {  	(erf) = vpow2.f32 v39;
	_ =	sdelay $0x1  }
0x1db: {  	v41 =	vld [tilespmem:$0x6D0];
	_ =	sdelay $0x1  }
0x1dc: {  	v39 =	vadd.f32 v63, v62;
	_ =	sdelay $0x2  }
0x1dd: {  	v40 =	vmul.f32 v41, v39  }
0x1de: {  	v39 =	vpop (erf)  }
0x1df: {  	v40 =	vadd.f32 v40, v40;
	v44 =	vpop (erf)  }
0x1e0: {  	v41 =	vadd.f32 $1.000000000e+00, v44  }
0x1e1: {  	v45 =	vld [tilespmem:$0xD20];
	v40 =	vmul.f32 $1.442695020e+00, v40  }
0x1e2: {  	v46 =	vld [tilespmem:$0x1E0];
	(erf) = vrcp.f32 v41  }
0x1e3: {  	(erf) = vpow2.f32 v40;
	_ =	sdelay $0x1  }
0x1e4: {  	v42 =	vld [tilespmem:$0x6E0];
	_ =	sdelay $0x1  }
0x1e5: {  	v40 =	vadd.f32 v46, v45;
	_ =	sdelay $0x2  }
0x1e6: {  	v41 =	vmul.f32 v42, v40  }
0x1e7: {  	v40 =	vpop (erf)  }
0x1e8: {  	v41 =	vadd.f32 v41, v41;
	v47 =	vpop (erf)  }
0x1e9: {  	v42 =	vadd.f32 $1.000000000e+00, v47  }
0x1ea: {  	v48 =	vld [tilespmem:$0xD30];
	v41 =	vmul.f32 $1.442695020e+00, v41  }
0x1eb: {  	v49 =	vld [tilespmem:$0x1F0];
	(erf) = vrcp.f32 v42  }
0x1ec: {  	(erf) = vpow2.f32 v41;
	_ =	sdelay $0x1  }
0x1ed: {  	v43 =	vld [tilespmem:$0x6F0];
	_ =	sdelay $0x1  }
0x1ee: {  	v41 =	vadd.f32 v49, v48;
	_ =	sdelay $0x2  }
0x1ef: {  	v42 =	vmul.f32 v43, v41  }
0x1f0: {  	v41 =	vpop (erf)  }
0x1f1: {  	v42 =	vadd.f32 v42, v42;
	v50 =	vpop (erf)  }
0x1f2: {  	v43 =	vadd.f32 $1.000000000e+00, v50  }
0x1f3: {  	v51 =	vld [tilespmem:$0xD40];
	v42 =	vmul.f32 $1.442695020e+00, v42  }
0x1f4: {  	v52 =	vld [tilespmem:$0x280];
	(erf) = vrcp.f32 v43  }
0x1f5: {  	(erf) = vpow2.f32 v42;
	_ =	sdelay $0x1  }
0x1f6: {  	v44 =	vld [tilespmem:$0x780];
	_ =	sdelay $0x1  }
0x1f7: {  	v42 =	vadd.f32 v52, v51;
	_ =	sdelay $0x2  }
0x1f8: {  	v43 =	vmul.f32 v44, v42  }
0x1f9: {  	v42 =	vpop (erf)  }
0x1fa: {  	v43 =	vadd.f32 v43, v43;
	v53 =	vpop (erf)  }
0x1fb: {  	v44 =	vadd.f32 $1.000000000e+00, v53  }
0x1fc: {  	v54 =	vld [tilespmem:$0xD50];
	v43 =	vmul.f32 $1.442695020e+00, v43  }
0x1fd: {  	v55 =	vld [tilespmem:$0x290];
	(erf) = vrcp.f32 v44  }
0x1fe: {  	(erf) = vpow2.f32 v43;
	_ =	sdelay $0x1  }
0x1ff: {  	v45 =	vld [tilespmem:$0x790];
	_ =	sdelay $0x1  }
0x200: {  	v43 =	vadd.f32 v55, v54;
	_ =	sdelay $0x2  }
0x201: {  	v44 =	vmul.f32 v45, v43  }
0x202: {  	v43 =	vpop (erf)  }
0x203: {  	v44 =	vadd.f32 v44, v44;
	v56 =	vpop (erf)  }
0x204: {  	v45 =	vadd.f32 $1.000000000e+00, v56  }
0x205: {  	v57 =	vld [tilespmem:$0xD60];
	v44 =	vmul.f32 $1.442695020e+00, v44  }
0x206: {  	v58 =	vld [tilespmem:$0x2A0];
	(erf) = vrcp.f32 v45  }
0x207: {  	(erf) = vpow2.f32 v44;
	_ =	sdelay $0x1  }
0x208: {  	v46 =	vld [tilespmem:$0x7A0];
	_ =	sdelay $0x1  }
0x209: {  	v44 =	vadd.f32 v58, v57;
	_ =	sdelay $0x2  }
0x20a: {  	v45 =	vmul.f32 v46, v44  }
0x20b: {  	v44 =	vpop (erf)  }
0x20c: {  	v45 =	vadd.f32 v45, v45;
	v59 =	vpop (erf)  }
0x20d: {  	v46 =	vadd.f32 $1.000000000e+00, v59  }
0x20e: {  	v60 =	vld [tilespmem:$0xD70];
	v45 =	vmul.f32 $1.442695020e+00, v45  }
0x20f: {  	v61 =	vld [tilespmem:$0x2B0];
	(erf) = vrcp.f32 v46  }
0x210: {  	(erf) = vpow2.f32 v45;
	_ =	sdelay $0x1  }
0x211: {  	v47 =	vld [tilespmem:$0x7B0];
	_ =	sdelay $0x1  }
0x212: {  	v45 =	vadd.f32 v61, v60;
	_ =	sdelay $0x2  }
0x213: {  	v46 =	vmul.f32 v47, v45  }
0x214: {  	v45 =	vpop (erf)  }
0x215: {  	v46 =	vadd.f32 v46, v46;
	v62 =	vpop (erf)  }
0x216: {  	v47 =	vadd.f32 $1.000000000e+00, v62  }
0x217: {  	v63 =	vld [tilespmem:$0xD80];
	v46 =	vmul.f32 $1.442695020e+00, v46  }
0x218: {  	v52 =	vld [tilespmem:$0x2C0];
	(erf) = vrcp.f32 v47  }
0x219: {  	(erf) = vpow2.f32 v46;
	_ =	sdelay $0x1  }
0x21a: {  	v48 =	vld [tilespmem:$0x7C0];
	_ =	sdelay $0x1  }
0x21b: {  	v46 =	vadd.f32 v52, v63;
	_ =	sdelay $0x2  }
0x21c: {  	v47 =	vmul.f32 v48, v46  }
0x21d: {  	v46 =	vpop (erf)  }
0x21e: {  	v47 =	vadd.f32 v47, v47;
	v53 =	vpop (erf)  }
0x21f: {  	v48 =	vadd.f32 $1.000000000e+00, v53  }
0x220: {  	v54 =	vld [tilespmem:$0xD90];
	v47 =	vmul.f32 $1.442695020e+00, v47  }
0x221: {  	v55 =	vld [tilespmem:$0x2D0];
	(erf) = vrcp.f32 v48  }
0x222: {  	(erf) = vpow2.f32 v47;
	_ =	sdelay $0x1  }
0x223: {  	v49 =	vld [tilespmem:$0x7D0];
	_ =	sdelay $0x1  }
0x224: {  	v47 =	vadd.f32 v55, v54;
	_ =	sdelay $0x2  }
0x225: {  	v48 =	vmul.f32 v49, v47  }
0x226: {  	v47 =	vpop (erf)  }
0x227: {  	v48 =	vadd.f32 v48, v48;
	v56 =	vpop (erf)  }
0x228: {  	v49 =	vadd.f32 $1.000000000e+00, v56  }
0x229: {  	v57 =	vld [tilespmem:$0xDA0];
	v48 =	vmul.f32 $1.442695020e+00, v48  }
0x22a: {  	v58 =	vld [tilespmem:$0x2E0];
	(erf) = vrcp.f32 v49  }
0x22b: {  	(erf) = vpow2.f32 v48;
	_ =	sdelay $0x1  }
0x22c: {  	v50 =	vld [tilespmem:$0x7E0];
	_ =	sdelay $0x1  }
0x22d: {  	v48 =	vadd.f32 v58, v57;
	_ =	sdelay $0x2  }
0x22e: {  	v49 =	vmul.f32 v50, v48  }
0x22f: {  	v48 =	vpop (erf)  }
0x230: {  	v49 =	vadd.f32 v49, v49;
	v59 =	vpop (erf)  }
0x231: {  	v50 =	vadd.f32 $1.000000000e+00, v59  }
0x232: {  	v60 =	vld [tilespmem:$0xDB0];
	v49 =	vmul.f32 $1.442695020e+00, v49  }
0x233: {  	v61 =	vld [tilespmem:$0x2F0];
	(erf) = vrcp.f32 v50  }
0x234: {  	(erf) = vpow2.f32 v49;
	_ =	sdelay $0x1  }
0x235: {  	v51 =	vld [tilespmem:$0x7F0];
	_ =	sdelay $0x1  }
0x236: {  	v49 =	vadd.f32 v61, v60;
	_ =	sdelay $0x2  }
0x237: {  	v50 =	vmul.f32 v51, v49  }
0x238: {  	v49 =	vpop (erf)  }
0x239: {  	v50 =	vadd.f32 v50, v50;
	v62 =	vpop (erf)  }
0x23a: {  	v51 =	vadd.f32 $1.000000000e+00, v62  }
0x23b: {  	v63 =	vld [tilespmem:$0xDC0];
	v50 =	vmul.f32 $1.442695020e+00, v50  }
0x23c: {  	v56 =	vld [tilespmem:$0x380];
	(erf) = vrcp.f32 v51  }
0x23d: {  	(erf) = vpow2.f32 v50;
	_ =	sdelay $0x1  }
0x23e: {  	v52 =	vld [tilespmem:$0x880];
	_ =	sdelay $0x1  }
0x23f: {  	v50 =	vadd.f32 v56, v63;
	_ =	sdelay $0x2  }
0x240: {  	v51 =	vmul.f32 v52, v50  }
0x241: {  	v50 =	vpop (erf)  }
0x242: {  	v51 =	vadd.f32 v51, v51;
	v57 =	vpop (erf)  }
0x243: {  	v52 =	vadd.f32 $1.000000000e+00, v57  }
0x244: {  	v58 =	vld [tilespmem:$0xDD0];
	v51 =	vmul.f32 $1.442695020e+00, v51  }
0x245: {  	v59 =	vld [tilespmem:$0x390];
	(erf) = vrcp.f32 v52  }
0x246: {  	(erf) = vpow2.f32 v51;
	_ =	sdelay $0x1  }
0x247: {  	v53 =	vld [tilespmem:$0x890];
	_ =	sdelay $0x1  }
0x248: {  	v51 =	vadd.f32 v59, v58;
	_ =	sdelay $0x2  }
0x249: {  	v52 =	vmul.f32 v53, v51  }
0x24a: {  	v51 =	vpop (erf)  }
0x24b: {  	v52 =	vadd.f32 v52, v52;
	v60 =	vpop (erf)  }
0x24c: {  	v53 =	vadd.f32 $1.000000000e+00, v60  }
0x24d: {  	v61 =	vld [tilespmem:$0xDE0];
	v52 =	vmul.f32 $1.442695020e+00, v52  }
0x24e: {  	v62 =	vld [tilespmem:$0x3A0];
	(erf) = vrcp.f32 v53  }
0x24f: {  	(erf) = vpow2.f32 v52;
	_ =	sdelay $0x1  }
0x250: {  	v54 =	vld [tilespmem:$0x8A0];
	_ =	sdelay $0x1  }
0x251: {  	v52 =	vadd.f32 v62, v61;
	_ =	sdelay $0x2  }
0x252: {  	v53 =	vmul.f32 v54, v52  }
0x253: {  	v52 =	vpop (erf)  }
0x254: {  	v53 =	vadd.f32 v53, v53;
	v63 =	vpop (erf)  }
0x255: {  	v54 =	vadd.f32 $1.000000000e+00, v63  }
0x256: {  	v57 =	vld [tilespmem:$0xDF0];
	v53 =	vmul.f32 $1.442695020e+00, v53  }
0x257: {  	v58 =	vld [tilespmem:$0x3B0];
	(erf) = vrcp.f32 v54  }
0x258: {  	(erf) = vpow2.f32 v53;
	_ =	sdelay $0x1  }
0x259: {  	v55 =	vld [tilespmem:$0x8B0];
	_ =	sdelay $0x1  }
0x25a: {  	v53 =	vadd.f32 v58, v57;
	_ =	sdelay $0x2  }
0x25b: {  	v54 =	vmul.f32 v55, v53  }
0x25c: {  	v53 =	vpop (erf)  }
0x25d: {  	v54 =	vadd.f32 v54, v54;
	v59 =	vpop (erf)  }
0x25e: {  	v55 =	vadd.f32 $1.000000000e+00, v59  }
0x25f: {  	v60 =	vld [tilespmem:$0xE00];
	v54 =	vmul.f32 $1.442695020e+00, v54  }
0x260: {  	v61 =	vld [tilespmem:$0x3C0];
	(erf) = vrcp.f32 v55  }
0x261: {  	(erf) = vpow2.f32 v54;
	_ =	sdelay $0x1  }
0x262: {  	v56 =	vld [tilespmem:$0x8C0];
	_ =	sdelay $0x1  }
0x263: {  	v54 =	vadd.f32 v61, v60;
	_ =	sdelay $0x2  }
0x264: {  	v55 =	vmul.f32 v56, v54  }
0x265: {  	v54 =	vpop (erf)  }
0x266: {  	v55 =	vadd.f32 v55, v55;
	v62 =	vpop (erf)  }
0x267: {  	v56 =	vadd.f32 $1.000000000e+00, v62  }
0x268: {  	v63 =	vld [tilespmem:$0xE10];
	v55 =	vmul.f32 $1.442695020e+00, v55  }
0x269: {  	v60 =	vld [tilespmem:$0x3D0];
	(erf) = vrcp.f32 v56  }
0x26a: {  	(erf) = vpow2.f32 v55;
	_ =	sdelay $0x1  }
0x26b: {  	v57 =	vld [tilespmem:$0x8D0];
	_ =	sdelay $0x1  }
0x26c: {  	v55 =	vadd.f32 v60, v63;
	_ =	sdelay $0x2  }
0x26d: {  	v56 =	vmul.f32 v57, v55  }
0x26e: {  	v55 =	vpop (erf)  }
0x26f: {  	v56 =	vadd.f32 v56, v56;
	v61 =	vpop (erf)  }
0x270: {  	v57 =	vadd.f32 $1.000000000e+00, v61  }
0x271: {  	v62 =	vld [tilespmem:$0xE20];
	v56 =	vmul.f32 $1.442695020e+00, v56  }
0x272: {  	v63 =	vld [tilespmem:$0x3E0];
	(erf) = vrcp.f32 v57  }
0x273: {  	(erf) = vpow2.f32 v56;
	_ =	sdelay $0x1  }
0x274: {  	v58 =	vld [tilespmem:$0x8E0];
	_ =	sdelay $0x1  }
0x275: {  	v56 =	vadd.f32 v63, v62;
	_ =	sdelay $0x2  }
0x276: {  	v57 =	vmul.f32 v58, v56  }
0x277: {  	v56 =	vpop (erf)  }
0x278: {  	v57 =	vadd.f32 v57, v57;
	v60 =	vpop (erf)  }
0x279: {  	v58 =	vadd.f32 $1.000000000e+00, v60  }
0x27a: {  	v61 =	vld [tilespmem:$0xE30];
	v57 =	vmul.f32 $1.442695020e+00, v57  }
0x27b: {  	v62 =	vld [tilespmem:$0x3F0];
	(erf) = vrcp.f32 v58  }
0x27c: {  	(erf) = vpow2.f32 v57;
	_ =	sdelay $0x1  }
0x27d: {  	v59 =	vld [tilespmem:$0x8F0];
	_ =	sdelay $0x1  }
0x27e: {  	v57 =	vadd.f32 v62, v61;
	_ =	sdelay $0x2  }
0x27f: {  	v58 =	vmul.f32 v59, v57  }
0x280: {  	v57 =	vpop (erf)  }
0x281: {  	v58 =	vadd.f32 v58, v58;
	v63 =	vpop (erf)  }
0x282: {  	v59 =	vadd.f32 $1.000000000e+00, v63  }
0x283: {  	v58 =	vmul.f32 $1.442695020e+00, v58  }
0x284: {  	(erf) = vrcp.f32 v59;
	v59 =	vld [tilespmem:$0xE40]  }
0x285: {  	(erf) = vpow2.f32 v58;
	v58 =	vld [tilespmem:$0x480];
	_ =	sdelay $0x1  }
0x286: {  	v60 =	vld [tilespmem:$0x980];
	_ =	sdelay $0x1  }
0x287: {  	v1 =	vadd.f32 v1, v1;
	v2 =	vadd.f32 v2, v2  }
0x288: {  	v3 =	vadd.f32 v3, v3;
	v58 =	vadd.f32 v58, v59  }
0x289: {  	v2 =	vsub.f32 $1.000000000e+00, v2  }
0x28a: {  	v3 =	vsub.f32 $1.000000000e+00, v3;
	v4 =	vadd.f32 v4, v4;
	v58 =	vmul.f32 v60, v58  }
0x28b: {  	v5 =	vadd.f32 v5, v5;
	v59 =	vsub.f32 $1.000000000e+00, v1;
	v1 =	vpop (erf)  }
0x28c: {  	v6 =	vadd.f32 v6, v6;
	v60 =	vpop (erf);
	v58 =	vadd.f32 v58, v58  }
0x28d: {  	v7 =	vadd.f32 v7, v7;
	v60 =	vadd.f32 $1.000000000e+00, v60  }
0x28e: {  	v4 =	vsub.f32 $1.000000000e+00, v4;
	v5 =	vsub.f32 $1.000000000e+00, v5;
	v58 =	vmul.f32 $1.442695020e+00, v58  }
0x28f: {  	v6 =	vsub.f32 $1.000000000e+00, v6;
	v7 =	vsub.f32 $1.000000000e+00, v7;
	v61 =	vld [tilespmem:$0xE50];
	(erf) = vrcp.f32 v60  }
0x290: {  	[tilespmem:$0xF20] =	vst v2;
	v8 =	vadd.f32 v8, v8;
	v9 =	vadd.f32 v9, v9;
	v62 =	vld [tilespmem:$0x490];
	(erf) = vpow2.f32 v58  }
0x291: {  	[tilespmem:$0xF30] =	vst v3;
	v2 =	vadd.f32 v10, v10;
	v3 =	vadd.f32 v11, v11  }
0x292: {  	[tilespmem:$0xF40] =	vst v4;
	v8 =	vsub.f32 $1.000000000e+00, v8;
	v9 =	vsub.f32 $1.000000000e+00, v9;
	v60 =	vld [tilespmem:$0x990]  }
0x293: {  	[tilespmem:$0xF50] =	vst v5;
	v4 =	vsub.f32 $1.000000000e+00, v2;
	v3 =	vsub.f32 $1.000000000e+00, v3  }
0x294: {  	[tilespmem:$0xF60] =	vst v6;
	v10 =	vadd.f32 v12, v12;
	v2 =	vadd.f32 v13, v13  }
0x295: {  	[tilespmem:$0xF70] =	vst v7;
	v11 =	vadd.f32 v14, v14;
	v58 =	vadd.f32 v62, v61  }
0x296: {  	[tilespmem:$0xF80] =	vst v8;
	v5 =	vsub.f32 $1.000000000e+00, v10;
	v13 =	vld [tilespmem:$0xE60];
	v7 =	vadd.f32 v15, v15  }
0x297: {  	[tilespmem:$0xF90] =	vst v9;
	v6 =	vsub.f32 $1.000000000e+00, v2;
	v14 =	vld [tilespmem:$0x4A0];
	v9 =	vsub.f32 $1.000000000e+00, v11;
	v10 =	vmul.f32 v60, v58  }
0x298: {  	[tilespmem:$0xFA0] =	vst v4;
	v4 =	vsub.f32 $1.000000000e+00, v7;
	v8 =	vadd.f32 v16, v16;
	v2 =	vpop (erf)  }
0x299: {  	v11 =	vadd.f32 v17, v17;
	v10 =	vadd.f32 v10, v10;
	v12 =	vpop (erf)  }
0x29a: {  	[tilespmem:$0xFB0] =	vst v3;
	v7 =	vsub.f32 $1.000000000e+00, v8;
	v12 =	vadd.f32 $1.000000000e+00, v12  }
0x29b: {  	[tilespmem:$0xFC0] =	vst v5;
	v3 =	vsub.f32 $1.000000000e+00, v11;
	v8 =	vadd.f32 v18, v18;
	v10 =	vmul.f32 $1.442695020e+00, v10  }
0x29c: {  	[tilespmem:$0xFD0] =	vst v6;
	v11 =	vadd.f32 v14, v13;
	v5 =	vadd.f32 v19, v19;
	(erf) = vrcp.f32 v12  }
0x29d: {  	[tilespmem:$0x1000] =	vst v7;
	v8 =	vsub.f32 $1.000000000e+00, v8;
	v7 =	vadd.f32 v22, v22;
	(erf) = vpow2.f32 v10  }
0x29e: {  	[tilespmem:$0xFE0] =	vst v9;
	v5 =	vsub.f32 $1.000000000e+00, v5;
	v6 =	vadd.f32 v21, v21  }
0x29f: {  	[tilespmem:$0xFF0] =	vst v4;
	v7 =	vsub.f32 $1.000000000e+00, v7;
	v12 =	vld [tilespmem:$0x9A0];
	v10 =	vadd.f32 v20, v20  }
0x2a0: {  	[tilespmem:$0x1010] =	vst v3;
	v9 =	vadd.f32 v23, v23;
	v3 =	vadd.f32 v24, v24  }
0x2a1: {  	[tilespmem:$0x1020] =	vst v8;
	v4 =	vsub.f32 $1.000000000e+00, v10;
	v10 =	vadd.f32 v25, v25  }
0x2a2: {  	[tilespmem:$0x1030] =	vst v5;
	v6 =	vsub.f32 $1.000000000e+00, v6;
	v8 =	vsub.f32 $1.000000000e+00, v9  }
0x2a3: {  	[tilespmem:$0x1060] =	vst v7;
	v3 =	vsub.f32 $1.000000000e+00, v3;
	v7 =	vadd.f32 v28, v28  }
0x2a4: {  	[tilespmem:$0x1050] =	vst v6;
	v6 =	vadd.f32 v27, v27;
	v14 =	vadd.f32 v29, v29;
	v9 =	vmul.f32 v12, v11  }
0x2a5: {  	[tilespmem:$0x1080] =	vst v3;
	v3 =	vsub.f32 $1.000000000e+00, v7;
	v5 =	vsub.f32 $1.000000000e+00, v10;
	v10 =	vpop (erf)  }
0x2a6: {  	[tilespmem:$0x1070] =	vst v8;
	v7 =	vsub.f32 $1.000000000e+00, v14;
	v9 =	vadd.f32 v9, v9;
	v11 =	vpop (erf)  }
0x2a7: {  	v13 =	vld [tilespmem:$0x4B0];
	[tilespmem:$0x10C0] =	vst v3;
	v8 =	vadd.f32 v31, v31;
	v11 =	vadd.f32 $1.000000000e+00, v11  }
0x2a8: {  	v6 =	vsub.f32 $1.000000000e+00, v6;
	[tilespmem:$0x1040] =	vst v4;
	v4 =	vadd.f32 v26, v26;
	v12 =	vld [tilespmem:$0xE70];
	v9 =	vmul.f32 $1.442695020e+00, v9  }
0x2a9: {  	[tilespmem:$0x10D0] =	vst v7;
	v3 =	vsub.f32 $1.000000000e+00, v8;
	v7 =	vadd.f32 v34, v34;
	(erf) = vrcp.f32 v11  }
0x2aa: {  	v4 =	vsub.f32 $1.000000000e+00, v4;
	[tilespmem:$0x1090] =	vst v5;
	v5 =	vadd.f32 v30, v30;
	v11 =	vld [tilespmem:$0x9B0];
	(erf) = vpow2.f32 v9  }
0x2ab: {  	[tilespmem:$0x10B0] =	vst v6;
	v6 =	vadd.f32 v33, v33;
	v7 =	vsub.f32 $1.000000000e+00, v7  }
0x2ac: {  	[tilespmem:$0x10A0] =	vst v4;
	v4 =	vadd.f32 v32, v32;
	v5 =	vsub.f32 $1.000000000e+00, v5  }
0x2ad: {  	[tilespmem:$0x10F0] =	vst v3;
	v8 =	vadd.f32 v36, v36;
	v9 =	vadd.f32 v13, v12  }
0x2ae: {  	v4 =	vsub.f32 $1.000000000e+00, v4;
	[tilespmem:$0x10E0] =	vst v5;
	v5 =	vadd.f32 v35, v35  }
0x2af: {  	[tilespmem:$0x1120] =	vst v7;
	v7 =	vadd.f32 v38, v38;
	v3 =	vmul.f32 v11, v9;
	v9 =	vadd.f32 v37, v37  }
0x2b0: {  	[tilespmem:$0x1100] =	vst v4;
	v4 =	vsub.f32 $1.000000000e+00, v5;
	v5 =	vsub.f32 $1.000000000e+00, v8  }
0x2b1: {  	v6 =	vsub.f32 $1.000000000e+00, v6  }
0x2b2: {  	[tilespmem:$0x1140] =	vst v5;
	v5 =	vsub.f32 $1.000000000e+00, v7;
	v7 =	vadd.f32 v41, v41;
	v8 =	vpop (erf)  }
0x2b3: {  	[tilespmem:$0x1110] =	vst v6;
	v6 =	vsub.f32 $1.000000000e+00, v9;
	v3 =	vadd.f32 v3, v3;
	v9 =	vpop (erf)  }
0x2b4: {  	[tilespmem:$0x1130] =	vst v4;
	v9 =	vadd.f32 $1.000000000e+00, v9  }
0x2b5: {  	v4 =	vadd.f32 v39, v39;
	[tilespmem:$0x1160] =	vst v5;
	v5 =	vsub.f32 $1.000000000e+00, v7;
	v3 =	vmul.f32 $1.442695020e+00, v3  }
0x2b6: {  	v11 =	vadd.f32 v40, v40;
	(erf) = vrcp.f32 v9  }
0x2b7: {  	v7 =	vadd.f32 v44, v44;
	[tilespmem:$0x1190] =	vst v5;
	(erf) = vpow2.f32 v3;
	v3 =	vsub.f32 $1.000000000e+00, v4  }
0x2b8: {  	[tilespmem:$0x1150] =	vst v6;
	v6 =	vadd.f32 v42, v42;
	v4 =	vsub.f32 $1.000000000e+00, v11  }
0x2b9: {  	v5 =	vsub.f32 $1.000000000e+00, v7;
	[tilespmem:$0x1170] =	vst v3;
	v3 =	vadd.f32 v43, v43  }
0x2ba: {  	[tilespmem:$0x1180] =	vst v4;
	v4 =	vsub.f32 $1.000000000e+00, v6;
	v6 =	vadd.f32 v45, v45  }
0x2bb: {  	[tilespmem:$0xF10] =	vst v59;
	v7 =	vadd.f32 v48, v48;
	v3 =	vsub.f32 $1.000000000e+00, v3  }
0x2bc: {  	[tilespmem:$0x11A0] =	vst v4;
	v4 =	vsub.f32 $1.000000000e+00, v6;
	v6 =	vadd.f32 v46, v46  }
0x2bd: {  	[tilespmem:$0x11B0] =	vst v3;
	v3 =	vadd.f32 v47, v47  }
0x2be: {  	[tilespmem:$0x11C0] =	vst v5;
	v5 =	vsub.f32 $1.000000000e+00, v6;
	v6 =	vadd.f32 v49, v49  }
0x2bf: {  	[tilespmem:$0x11D0] =	vst v4;
	v4 =	vsub.f32 $1.000000000e+00, v7;
	v9 =	vpop (erf);
	v3 =	vsub.f32 $1.000000000e+00, v3  }
0x2c0: {  	[tilespmem:$0x11E0] =	vst v5;
	v5 =	vsub.f32 $1.000000000e+00, v6;
	v6 =	vadd.f32 v50, v50;
	v7 =	vpop (erf)  }
0x2c1: {  	[tilespmem:$0x11F0] =	vst v3;
	v3 =	vadd.f32 v51, v51;
	v7 =	vadd.f32 $1.000000000e+00, v7  }
0x2c2: {  	[tilespmem:$0x1200] =	vst v4;
	v4 =	vsub.f32 $1.000000000e+00, v6;
	v6 =	vadd.f32 v52, v52  }
0x2c3: {  	[tilespmem:$0x1210] =	vst v5;
	v5 =	vadd.f32 v53, v53;
	v3 =	vsub.f32 $1.000000000e+00, v3;
	(erf) = vrcp.f32 v7  }
0x2c4: {  	[tilespmem:$0x1220] =	vst v4;
	v4 =	vsub.f32 $1.000000000e+00, v6;
	v6 =	vadd.f32 v54, v54  }
0x2c5: {  	[tilespmem:$0x1230] =	vst v3;
	v3 =	vsub.f32 $1.000000000e+00, v5;
	v5 =	vadd.f32 v55, v55  }
0x2c6: {  	[tilespmem:$0x1240] =	vst v4;
	v4 =	vsub.f32 $1.000000000e+00, v6;
	v6 =	vadd.f32 v56, v56  }
0x2c7: {  	[tilespmem:$0x1250] =	vst v3;
	v3 =	vsub.f32 $1.000000000e+00, v5;
	v5 =	vadd.f32 v57, v57  }
0x2c8: {  	v1 =	vadd.f32 v1, v1;
	[tilespmem:$0x1260] =	vst v4;
	v4 =	vsub.f32 $1.000000000e+00, v6  }
0x2c9: {  	v2 =	vadd.f32 v2, v2;
	[tilespmem:$0x1270] =	vst v3;
	v3 =	vsub.f32 $1.000000000e+00, v5  }
0x2ca: {  	v1 =	vsub.f32 $1.000000000e+00, v1;
	[tilespmem:$0x1280] =	vst v4;
	v4 =	vadd.f32 v10, v10  }
0x2cb: {  	v2 =	vsub.f32 $1.000000000e+00, v2;
	v5 =	vor.u32 s2, v0;
	[tilespmem:$0x1290] =	vst v3;
	v3 =	vadd.f32 v8, v8  }
0x2cc: {  	[tilespmem:$0x12A0] =	vst v1;
	v7 =	vshll.u32 v5, $0x1;
	v1 =	vsub.f32 $1.000000000e+00, v4;
	v4 =	vadd.f32 v9, v9;
	v6 =	vpop (erf)  }
0x2cd: {  	[tilespmem:$0x12B0] =	vst v2;
	v2 =	vsub.f32 $1.000000000e+00, v3;
	v3 =	vadd.f32 v6, v6;
	v6 =	vor.u32 $0x1, v7  }
0x2ce: {  	[tilespmem:$0x12C0] =	vst v1;
	v1 =	vsub.f32 $1.000000000e+00, v4  }
0x2cf: {  	[tilespmem:$0x12D0] =	vst v2;
	v2 =	vsub.f32 $1.000000000e+00, v3  }
0x2d0: {  	[tilespmem:$0x12E0] =	vst v1  }
0x2d1: {  	[tilespmem:$0x12F0] =	vst v2  }
0x2d2: {  	v1 =	vld.idx.msk [tilespmem:v6+s11+$0x0], $0xffff  }
0x2d3: {  	v2 =	vld.idx.msk [tilespmem:v7+s11+$0x0], $0xffff;
	_ =	sdelay $0x3  }
0x2d4: {  	v1 =	vadd.f32 $1.000000000e+00, v1  }
0x2d5: {  	v2 =	vadd.f32 $1.000000000e+00, v2  }
0x2d6: {  	v1 =	vmul.f32 $1.200000000e+01, v1  }
0x2d7: {  	v2 =	vmul.f32 $1.200000000e+01, v2  }
0x2d8: {  	v10 =	vadd.f32 $-5.000000000e-01, v1  }
0x2d9: {  	v9 =	vadd.f32 $-5.000000000e-01, v2  }
0x2da: {  	v8 =	vshll.u32 v5, $0x7;
	v1 =	vtrunc.f32 v10  }
0x2db: {  	v5 =	vor.u32 $0x4, v8;
	v2 =	vtrunc.f32 v9;
	v4 =	vcvt.f32.s32 v1  }
0x2dc: {  	v3 =	vor.u32 $0x5, v8;
	v6 =	vor.u32 $0x1, v8;
	v7 =	vcvt.f32.s32 v2  }
0x2dd: {  	vm0 =	vlt.f32 v10, $0.0e+00;
	vm1 =	vlt.f32 v9, $0.0e+00;
	v11 =	vcvt.s32.f32 v4  }
0x2de: {  	v1 =	vor.u32 $0x2, v8;
	v2 =	vor.u32 $0x7, v8;
	v12 =	vcvt.s32.f32 v7  }
0x2df: {  	v4 =	vor.u32 $0x3, v8;
	v7 =	vor.u32 $0x6, v8;
	v11 =	vsel vm0, $0xBF800000, v11  }
0x2e0: {  	v16 =	vsel vm1, $0xBF800000, v12;
	v12 =	vmax.f32 v11, $0.0e+00;
	v14 =	vadd.f32 $1.000000000e+00, v11  }
0x2e1: {  	v9 =	vsub.f32 v9, v16;
	vm0 =	vge.f32 v11, $0.0e+00;
	v10 =	vsub.f32 v10, v11  }
0x2e2: {  	vm1 =	vle.f32 v11, $2.300000000e+01;
	v13 =	vmax.f32 v16, $0.0e+00;
	vm2 =	vge.f32 v16, $0.0e+00  }
0x2e3: {  	vm3 =	vle.f32 v16, $2.300000000e+01;
	v16 =	vadd.f32 $1.000000000e+00, v16;
	v12 =	vmin.f32 v12, $2.300000000e+01  }
0x2e4: {  	v13 =	vmin.f32 v13, $2.300000000e+01;
	v12 =	vmul.f32 $2.400000000e+01, v12;
	v15 =	vmax.f32 v14, $0.0e+00  }
0x2e5: {  	s15 =	simm.s32 $0x10;
	s14 =	simm.s32 $0x20;
	v11 =	vsub.f32 $1.000000000e+00, v9;
	v17 =	vsub.f32 $1.000000000e+00, v10;
	v15 =	vmin.f32 v15, $2.300000000e+01  }
.LBB2_2:
0x2e6: {  	p0 =	sne.s32 s14, $0x230;
	v18 =	vor.u32 s15, v0;
	vm3 =	vmand vm2, vm3;
	vm2 =	vle.f32 v14, $2.300000000e+01;
	s15 =	smov.u32 s14;
	s14 =	sadd.s32 $0x10, s14  }
0x2e7: {  	v19 =	vshll.u32 v18, $0x1;
	v20 =	vmul.f32 v17, v11;
	v17 =	vmul.f32 v17, v9  }
0x2e8: {  	vm4 =	vmand vm3, vm0;
	v22 =	vmax.f32 v16, $0.0e+00;
	v21 =	vor.u32 $0x1, v19  }
0x2e9: {  	v23 =	vadd.f32 v12, v13;
	vm5 =	vge.f32 v14, $0.0e+00;
	vm4 =	vmand vm1, vm4  }
0x2ea: {  	vm6 =	vle.f32 v16, $2.300000000e+01;
	v14 =	vnsel vm4, $0x0, v20;
	vm4 =	vge.f32 v16, $0.0e+00  }
0x2eb: {  	v15 =	vmul.f32 $2.400000000e+01, v15;
	v16 =	vmin.f32 v22, $2.300000000e+01;
	vm4 =	vmand vm4, vm6  }
0x2ec: {  	vm3 =	vmand vm3, vm5;
	vm0 =	vmand vm0, vm4;
	[tilespmem:v8+s12+$0x0] =	vst.idx.msk $0xffff, v23;
	v8 =	vadd.f32 v12, v16  }
0x2ed: {  	vm0 =	vmand vm1, vm0;
	vm1 =	vmand vm2, vm3;
	[tilespmem:v5+s12+$0x0] =	vst.idx.msk $0xffff, v14;
	v5 =	vadd.f32 v15, v13  }
0x2ee: {  	v12 =	vnsel vm0, $0x0, v17;
	vm0 =	vmand vm4, vm5;
	[tilespmem:v6+s12+$0x0] =	vst.idx.msk $0xffff, v8;
	v6 =	vmul.f32 v10, v11  }
0x2ef: {  	vm0 =	vmand vm2, vm0;
	v8 =	vmul.f32 v10, v9;
	[tilespmem:v3+s12+$0x0] =	vst.idx.msk $0xffff, v12;
	v3 =	vadd.f32 v15, v16  }
0x2f0: {  	v6 =	vnsel vm1, $0x0, v6;
	[tilespmem:v1+s12+$0x0] =	vst.idx.msk $0xffff, v5  }
0x2f1: {  	[tilespmem:v7+s12+$0x0] =	vst.idx.msk $0xffff, v6  }
0x2f2: {  	v1 =	vnsel vm0, $0x0, v8;
	[tilespmem:v4+s12+$0x0] =	vst.idx.msk $0xffff, v3  }
0x2f3: {  	[tilespmem:v2+s12+$0x0] =	vst.idx.msk $0xffff, v1  }
0x2f4: {  	v1 =	vld.idx.msk [tilespmem:v21+s11+$0x0], $0xffff  }
0x2f5: {  	v2 =	vld.idx.msk [tilespmem:v19+s11+$0x0], $0xffff;
	_ =	sdelay $0x4  }
0x2f6: {  	v1 =	vadd.f32 $1.000000000e+00, v1  }
0x2f7: {  	v2 =	vadd.f32 $1.000000000e+00, v2  }
0x2f8: {  	v1 =	vmul.f32 $1.200000000e+01, v1  }
0x2f9: {  	v8 =	vshll.u32 v18, $0x7;
	v2 =	vmul.f32 $1.200000000e+01, v2  }
0x2fa: {  	v5 =	vor.u32 $0x4, v8;
	v10 =	vadd.f32 $-5.000000000e-01, v1;
	v1 =	vor.u32 $0x2, v8  }
0x2fb: {  	v3 =	vor.u32 $0x5, v8;
	v9 =	vadd.f32 $-5.000000000e-01, v2  }
0x2fc: {  	v6 =	vor.u32 $0x1, v8;
	v2 =	vtrunc.f32 v10  }
0x2fd: {  	v4 =	vtrunc.f32 v9;
	v2 =	vcvt.f32.s32 v2  }
0x2fe: {  	v4 =	vcvt.f32.s32 v4  }
0x2ff: {  	v7 =	vcvt.s32.f32 v2;
	v2 =	vor.u32 $0x7, v8  }
0x300: {  	vm0 =	vlt.f32 v10, $0.0e+00;
	v11 =	vcvt.s32.f32 v4;
	v4 =	vor.u32 $0x3, v8  }
0x301: {  	vm1 =	vlt.f32 v9, $0.0e+00;
	v13 =	vsel vm0, $0xBF800000, v7;
	v7 =	vor.u32 $0x6, v8  }
0x302: {  	v16 =	vsel vm1, $0xBF800000, v11;
	v11 =	vmax.f32 v13, $0.0e+00;
	v14 =	vadd.f32 $1.000000000e+00, v13  }
.Ltmp0:
0x303: {  	vm0 =	vge.f32 v13, $0.0e+00;
	v9 =	vsub.f32 v9, v16;
	v11 =	vmin.f32 v11, $2.300000000e+01;
	(pc) =	sbr.rel @p0 .LBB2_2-.Ltmp0, $4  }
0x304: {  	v10 =	vsub.f32 v10, v13;
	v12 =	vmul.f32 $2.400000000e+01, v11;
	v15 =	vmax.f32 v14, $0.0e+00  }
0x305: {  	vm1 =	vle.f32 v13, $2.300000000e+01;
	v13 =	vmax.f32 v16, $0.0e+00;
	v11 =	vsub.f32 $1.000000000e+00, v9  }
0x306: {  	vm2 =	vge.f32 v16, $0.0e+00;
	v13 =	vmin.f32 v13, $2.300000000e+01;
	v15 =	vmin.f32 v15, $2.300000000e+01  }
0x307: {  	vm3 =	vle.f32 v16, $2.300000000e+01;
	v16 =	vadd.f32 $1.000000000e+00, v16;
	v17 =	vsub.f32 $1.000000000e+00, v10  }
0x308: {  	v18 =	vor.u32 s15, v0;
	vm3 =	vmand vm2, vm3;
	vm14 =	vle.f32 v14, $2.300000000e+01  }
0x309: {  	v21 =	vadd.f32 v12, v13;
	vm6 =	vge.f32 v14, $0.0e+00;
	v15 =	vmul.f32 $2.400000000e+01, v15  }
0x30a: {  	v19 =	vmul.f32 v17, v11;
	vm4 =	vmand vm3, vm0;
	v20 =	vmax.f32 v16, $0.0e+00  }
0x30b: {  	vm15 =	vge.f32 v16, $0.0e+00;
	vm5 =	vle.f32 v16, $2.300000000e+01;
	vm4 =	vmand vm1, vm4  }
0x30c: {  	v34 =	vmin.f32 v20, $2.300000000e+01;
	v19 =	vnsel vm4, $0x0, v19;
	vm4 =	vmand vm15, vm5  }
0x30d: {  	v33 =	vmul.f32 v17, v9;
	[tilespmem:v8+s12+$0x0] =	vst.idx.msk $0xffff, v21;
	v35 =	vadd.f32 v12, v34;
	vm7 =	vmand vm0, vm4  }
0x30e: {  	v39 =	vmul.f32 v10, v11;
	v36 =	vshll.u32 v18, $0x1;
	[tilespmem:v5+s12+$0x0] =	vst.idx.msk $0xffff, v19;
	vm0 =	vmand vm1, vm7  }
0x30f: {  	vm3 =	vmand vm3, vm6;
	v37 =	vadd.f32 v15, v13;
	[tilespmem:v6+s12+$0x0] =	vst.idx.msk $0xffff, v35;
	v38 =	vnsel vm0, $0x0, v33  }
0x310: {  	v41 =	vmul.f32 v10, v9;
	v40 =	vor.u32 $0x1, v36;
	vm8 =	vmand vm14, vm3;
	[tilespmem:v3+s12+$0x0] =	vst.idx.msk $0xffff, v38  }
0x311: {  	vm9 =	vmand vm4, vm6;
	v6 =	vnsel vm8, $0x0, v39;
	v3 =	vadd.f32 v15, v34;
	[tilespmem:v1+s12+$0x0] =	vst.idx.msk $0xffff, v37  }
0x312: {  	vm10 =	vmand vm14, vm9;
	[tilespmem:v7+s12+$0x0] =	vst.idx.msk $0xffff, v6  }
0x313: {  	v1 =	vnsel vm10, $0x0, v41;
	[tilespmem:v4+s12+$0x0] =	vst.idx.msk $0xffff, v3  }
0x314: {  	[tilespmem:v2+s12+$0x0] =	vst.idx.msk $0xffff, v1  }
0x315: {  	v1 =	vld.idx.msk [tilespmem:v40+s11+$0x0], $0xffff  }
0x316: {  	v2 =	vld.idx.msk [tilespmem:v36+s11+$0x0], $0xffff;
	_ =	sdelay $0x4  }
0x317: {  	v1 =	vadd.f32 $1.000000000e+00, v1;
	v2 =	vadd.f32 $1.000000000e+00, v2;
	_ =	sdelay $0x1  }
0x318: {  	v1 =	vmul.f32 $1.200000000e+01, v1;
	v2 =	vmul.f32 $1.200000000e+01, v2;
	_ =	sdelay $0x1  }
0x319: {  	v1 =	vadd.f32 $-5.000000000e-01, v1;
	v2 =	vadd.f32 $-5.000000000e-01, v2;
	_ =	sdelay $0x1  }
0x31a: {  	v3 =	vshll.u32 v18, $0x7;
	v42 =	vtrunc.f32 v1;
	v43 =	vtrunc.f32 v2  }
0x31b: {  	v44 =	vor.u32 $0x4, v3;
	v4 =	vcvt.f32.s32 v42;
	v5 =	vcvt.f32.s32 v43  }
0x31c: {  	v45 =	vor.u32 $0x2, v3;
	v46 =	vor.u32 $0x5, v3;
	v47 =	vor.u32 $0x1, v3  }
0x31d: {  	v48 =	vor.u32 $0x7, v3;
	v4 =	vcvt.s32.f32 v4;
	v5 =	vcvt.s32.f32 v5  }
0x31e: {  	v49 =	vor.u32 $0x3, v3;
	vm11 =	vlt.f32 v1, $0.0e+00;
	vm12 =	vlt.f32 v2, $0.0e+00  }
0x31f: {  	v50 =	vor.u32 $0x6, v3;
	v4 =	vsel vm11, $0xBF800000, v4;
	v5 =	vsel vm12, $0xBF800000, v5  }
0x320: {  	v51 =	vmax.f32 v4, $0.0e+00;
	v52 =	vadd.f32 $1.000000000e+00, v4;
	v2 =	vsub.f32 v2, v5  }
0x321: {  	vm0 =	vge.f32 v4, $0.0e+00;
	v1 =	vsub.f32 v1, v4;
	vm1 =	vle.f32 v4, $2.300000000e+01  }
0x322: {  	v54 =	vmax.f32 v5, $0.0e+00;
	vm13 =	vge.f32 v5, $0.0e+00;
	vm14 =	vle.f32 v5, $2.300000000e+01  }
0x323: {  	v5 =	vadd.f32 $1.000000000e+00, v5;
	v13 =	vmin.f32 v51, $2.300000000e+01;
	v4 =	vmin.f32 v54, $2.300000000e+01  }
0x324: {  	vm2 =	vmand vm13, vm14;
	v13 =	vmul.f32 $2.400000000e+01, v13;
	v53 =	vmax.f32 v52, $0.0e+00  }
0x325: {  	v55 =	vsub.f32 $1.000000000e+00, v2;
	v56 =	vsub.f32 $1.000000000e+00, v1;
	vm3 =	vmand vm2, vm0  }
0x326: {  	v58 =	vmax.f32 v5, $0.0e+00;
	vm15 =	vge.f32 v52, $0.0e+00;
	vm9 =	vge.f32 v5, $0.0e+00  }
0x327: {  	vm10 =	vle.f32 v5, $2.300000000e+01;
	v15 =	vmin.f32 v53, $2.300000000e+01;
	vm3 =	vmand vm1, vm3  }
0x328: {  	vm11 =	vmand vm9, vm10;
	v57 =	vmul.f32 v56, v55;
	v59 =	vadd.f32 v13, v4  }
0x329: {  	v61 =	vmin.f32 v58, $2.300000000e+01;
	v17 =	vmul.f32 v56, v2;
	v15 =	vmul.f32 $2.400000000e+01, v15  }
0x32a: {  	vm0 =	vmand vm0, vm11;
	v60 =	vnsel vm3, $0x0, v57;
	[tilespmem:v3+s12+$0x0] =	vst.idx.msk $0xffff, v59;
	v3 =	vadd.f32 v13, v61  }
0x32b: {  	vm12 =	vle.f32 v52, $2.300000000e+01;
	vm2 =	vmand vm2, vm15;
	vm0 =	vmand vm1, vm0;
	[tilespmem:v44+s12+$0x0] =	vst.idx.msk $0xffff, v60  }
0x32c: {  	v4 =	vadd.f32 v15, v4;
	v62 =	vnsel vm0, $0x0, v17;
	[tilespmem:v47+s12+$0x0] =	vst.idx.msk $0xffff, v3;
	v3 =	vmul.f32 v1, v55  }
0x32d: {  	vm13 =	vmand vm12, vm2;
	vm14 =	vmand vm11, vm15;
	[tilespmem:v46+s12+$0x0] =	vst.idx.msk $0xffff, v62  }
0x32e: {  	v63 =	vadd.f32 v15, v61;
	v1 =	vmul.f32 v1, v2;
	v2 =	vnsel vm13, $0x0, v3;
	[tilespmem:v45+s12+$0x0] =	vst.idx.msk $0xffff, v4  }
0x32f: {  	s13 =	sadd.s32 $0x1, s13;
	vm15 =	vmand vm12, vm14;
	[tilespmem:v50+s12+$0x0] =	vst.idx.msk $0xffff, v2  }
0x330: {  	p0 =	sne.s32 s13, s6;
	v1 =	vnsel vm15, $0x0, v1;
	[tilespmem:v49+s12+$0x0] =	vst.idx.msk $0xffff, v63  }
.Ltmp1:
0x331: {  	[tilespmem:v48+s12+$0x0] =	vst.idx.msk $0xffff, v1;
	(pc) =	sbr.rel @p0 .LBB2_1-.Ltmp1, $4  }
0x332: {  	[hbm4b:s5+s2] =	stream.linear.scatter [tilespmem:s12], [sflag:$0x1], $0x12000, $0x38;
	[tilespmem:$0x13300] =	vst v63  }
0x333: {  	_ =	swait.ge [sflag:s7], $0x12000  }
0x334: {  	[sflag:s7] =	ssyncset.done $0x0  }
0x335: {  	[sflag:s7] =	ssyncadd.s32 $0xFFFEE000  }
0x336: {  	_ =	sfence.sel $0x180000  }
0x337: {  	[bflag:$0x0] =	sbarrier.arrive $0xFFFF  }
0x338: {  	p0 =	sne.s32 s0, $0x0;
	_ =	strace $0x90000047  }
0x339: {  	s0 =	sadd.s32 @!p0 $0x100000, s1;
	[bflag:$0x2] =	sbarrier.arrive $0xFFFF  }
0x33a: {  	[sflag:s0] =	ssyncadd.tile.s32 @!p0 $0x1;
	_ =	shalt  }
.Lfunc_end2:
_tile_overlayer_lowered:
.L_overlay_start_2:
0x33b: {  	(tag) =	ssettag $0x2  }
0x33c: {  	s0 =	rddreg [dreg:$0x0];
	s2 =	stileid.u32  }
0x33d: {  	s1 =	rddreg [dreg:$0x1];
	p0 =	sne.s32 s2, $0x0  }
0x33e: {  	s3 =	rddreg [dreg:$0x2];
	[bflag:$0x3] =	sbarrier.arrive $0xFFFF;
	s2 =	simm.s32 @!p0 $0x1C01  }
0x33f: {  	[timem:s3], [sflag:s2] =	dma.local @!p0 [hbm:s0], s1  }
0x340: {  	s0 =	simm.s32 @!p0 $0x1  }
0x341: {  	_ =	swait.ge @!p0 [sflag:s0], s1  }
0x342: {  	s1 =	ssub.s32 @!p0 $0x0, s1;
	[sflag:s0] =	ssyncset.done @!p0 $0x0  }
0x343: {  	[sflag:s0] =	ssyncadd.s32 @!p0 s1  }
0x344: {  	[bflag:$0x3] =	sbarrier.arrive $0xFFFF  }
0x345: {  	_ =	shalt  }

</sc_bundles>
